<compile_context>
chip_gen: v7x
topology: tpu7x:2x2x1
jax: 0.10.2.dev20260603
libtpu: 0.0.44.dev20260713+nightly
codegen_flags: <defaults>
</compile_context>

<pallas_src>
import functools

import jax
import jax.numpy as jnp
from jax import lax
from jax.experimental import pallas as pl
from jax.experimental.pallas import tpu as pltpu
from jax.experimental.pallas import tpu_sc as plsc

N_NODES = 10000
N_EDGES = 320000
HIDDEN = 128
MSG_DIM = 16
BATCH = 2048
T_MAX = 1000.0

NC, NS = 2, 16
NW = NC * NS
E_PER_W = N_EDGES // NW
CHUNK = 64
PADC = 2 * CHUNK
CAP = E_PER_W + PADC
B_PER_TILE = BATCH // NS
TRASH = BATCH
N_ACC = 2176
ROWS_PER_TILE = N_ACC // NS

BE = 2048
REG = 10240
KBLK = REG // BE

_SC_PARAMS = pltpu.CompilerParams(use_tc_tiling_on_sc=False,
                                  needs_layout_passes=False)


def _sc_compact_body(src_hbm, dst_hbm, t_hbm, idx_hbm, inv_hbm,
                     srcc_hbm, slotc_hbm, eidc_hbm, tcc_hbm, cnts_hbm,
                     slotsel_hbm,
                     slotmap, srcv, dstv, tvv, eidv, idxall, cntbuf, sselbuf):
    c = lax.axis_index("c")
    s = lax.axis_index("s")
    wid = c * NS + s
    pltpu.sync_copy(inv_hbm, slotmap)
    pltpu.sync_copy(idx_hbm, idxall)
    lanes = jnp.arange(16, dtype=jnp.int32)

    def sbody(k, carry):
        vi = idxall[pl.ds(k * 16, 16)]
        plsc.store_scatter(slotmap, [vi], lanes + k * 16)
        return carry

    lax.fori_loop(0, BATCH // 16, sbody, 0)
    base_e = wid * E_PER_W
    pltpu.sync_copy(src_hbm.at[pl.ds(base_e, E_PER_W)],
                    srcv.at[pl.ds(0, E_PER_W)])
    pltpu.sync_copy(dst_hbm.at[pl.ds(base_e, E_PER_W)],
                    dstv.at[pl.ds(0, E_PER_W)])
    pltpu.sync_copy(t_hbm.at[pl.ds(base_e, E_PER_W)],
                    tvv.at[pl.ds(0, E_PER_W)])

    def cbody(i, off):
        d = dstv[pl.ds(i * 16, 16)]
        sv = srcv[pl.ds(i * 16, 16)]
        tval = tvv[pl.ds(i * 16, 16)]
        slot = plsc.load_gather(slotmap, [d])
        m = (slot != TRASH) & (tval <= T_MAX)
        plsc.store_compressed(dstv.at[pl.ds(off, 16)], slot, mask=m)
        plsc.store_compressed(srcv.at[pl.ds(off, 16)], sv, mask=m)
        plsc.store_compressed(tvv.at[pl.ds(off, 16)], tval, mask=m)
        plsc.store_compressed(eidv.at[pl.ds(off, 16)],
                              lanes + (base_e + i * 16), mask=m)
        return off + jnp.sum(m.astype(jnp.int32))

    cnt = lax.fori_loop(0, E_PER_W // 16, cbody, jnp.int32(0))

    def pbody(g, carry):
        dstv[pl.ds(cnt + g * 16, 16)] = jnp.full((16,), TRASH, jnp.int32)
        srcv[pl.ds(cnt + g * 16, 16)] = jnp.zeros((16,), jnp.int32)
        tvv[pl.ds(cnt + g * 16, 16)] = jnp.zeros((16,), jnp.float32)
        eidv[pl.ds(cnt + g * 16, 16)] = jnp.zeros((16,), jnp.int32)
        return carry

    lax.fori_loop(0, PADC // 16, pbody, 0)

    pltpu.sync_copy(srcv, srcc_hbm.at[pl.ds(wid * REG, CAP)])
    pltpu.sync_copy(dstv, slotc_hbm.at[pl.ds(wid * REG, CAP)])
    pltpu.sync_copy(eidv, eidc_hbm.at[pl.ds(wid * REG, CAP)])
    pltpu.sync_copy(tvv, tcc_hbm.at[pl.ds(wid * REG, CAP)])
    cntbuf[pl.ds(0, 16)] = jnp.zeros((16,), jnp.int32) + cnt
    pltpu.sync_copy(cntbuf, cnts_hbm.at[pl.ds(wid * 16, 16)])

    for k in range(B_PER_TILE // 16):
        vi = idxall[pl.ds(s * B_PER_TILE + k * 16, 16)]
        sselbuf[pl.ds(k * 16, 16)] = plsc.load_gather(slotmap, [vi])

    @pl.when(c == 0)
    def _():
        pltpu.sync_copy(sselbuf,
                        slotsel_hbm.at[pl.ds(s * B_PER_TILE, B_PER_TILE)])


@functools.cache
def _make_sc_compact():
    return functools.partial(
        pl.kernel,
        out_type=(
            jax.ShapeDtypeStruct((NW * REG,), jnp.int32),
            jax.ShapeDtypeStruct((NW * REG,), jnp.int32),
            jax.ShapeDtypeStruct((NW * REG,), jnp.int32),
            jax.ShapeDtypeStruct((NW * REG,), jnp.float32),
            jax.ShapeDtypeStruct((NW * 16,), jnp.int32),
            jax.ShapeDtypeStruct((BATCH,), jnp.int32),
        ),
        mesh=plsc.VectorSubcoreMesh(core_axis_name="c", subcore_axis_name="s",
                                    num_cores=NC, num_subcores=NS),
        compiler_params=_SC_PARAMS,
        scratch_types=[
            pltpu.VMEM((N_NODES,), jnp.int32),
            pltpu.VMEM((CAP,), jnp.int32),
            pltpu.VMEM((CAP,), jnp.int32),
            pltpu.VMEM((CAP,), jnp.float32),
            pltpu.VMEM((CAP,), jnp.int32),
            pltpu.VMEM((BATCH,), jnp.int32),
            pltpu.VMEM((16,), jnp.int32),
            pltpu.VMEM((B_PER_TILE,), jnp.int32),
        ],
    )(_sc_compact_body)


def _rnb16(x):
    return (jax.lax.bitcast_convert_type(x, jnp.int32)
            + jnp.int32(0x8000)) & jnp.int32(-65536)


def _cos_body(cnts_ref, t_ref, w_ref, bm_ref, f_ref):
    g = pl.program_id(0)
    w = g // KBLK

    @pl.when((g % KBLK) * BE < cnts_ref[w * 16])
    def _():
        t = t_ref[...].reshape(BE, 1)
        f = jnp.cos(t * w_ref[...]) + bm_ref[...]
        lo = jax.lax.shift_right_logical(_rnb16(f[:, :64]), 16)
        packed = _rnb16(f[:, 64:]) | lo
        f_ref[:, 0:64] = packed[:BE // 2]
        f_ref[:, 64:128] = packed[BE // 2:]


def _cos_features(cnts32, t_c, w_time, bm):
    def _blk(g, cnts):
        w = g // KBLK
        active = (g % KBLK) * BE < cnts[w * 16]
        return jnp.where(active, g, w * KBLK + KBLK - 1)

    return pl.pallas_call(
        _cos_body,
        grid_spec=pltpu.PrefetchScalarGridSpec(
            num_scalar_prefetch=1,
            grid=(NW * KBLK,),
            in_specs=[
                pl.BlockSpec((BE,), lambda g, cnts: (_blk(g, cnts),)),
                pl.BlockSpec((1, HIDDEN), lambda g, cnts: (0, 0)),
                pl.BlockSpec((1, HIDDEN), lambda g, cnts: (0, 0)),
            ],
            out_specs=pl.BlockSpec((BE // 2, HIDDEN),
                                   lambda g, cnts: (_blk(g, cnts), 0)),
        ),
        out_shape=jax.ShapeDtypeStruct((NW * REG // 2, HIDDEN), jnp.int32),
    )(cnts32, t_c, w_time, bm)


def _bf_lo(x):
    return jax.lax.bitcast_convert_type(jax.lax.shift_left(x, 16),
                                        jnp.float32)


def _bf_hi(x):
    return jax.lax.bitcast_convert_type(x & jnp.int32(-65536), jnp.float32)


def _sc_agg_body(embsw_hbm, f_hbm, msg_hbm, emb32_hbm, srcc_hbm, slotc_hbm,
                 eidc_hbm, cnts_hbm, slotsel_hbm, idx_hbm, zeros_hbm,
                 mzeros_hbm, sel_out, msel_out,
                 acc, macc, srcv, dstv, eidv, dstb, cntbuf, sselbuf, ibuf,
                 rows0, fbuf0, mrow0, rows1, fbuf1, mrow1, comb, selbuf,
                 mselbuf, gsem0, fsem0, msem0, gsem1, fsem1, msem1):
    c = lax.axis_index("c")
    s = lax.axis_index("s")
    wid = c * NS + s
    lanes = jnp.arange(16, dtype=jnp.int32)
    pltpu.sync_copy(zeros_hbm.at[pl.ds(s * ROWS_PER_TILE, ROWS_PER_TILE), :],
                    acc.at[pl.ds(s * ROWS_PER_TILE, ROWS_PER_TILE), :])
    pltpu.sync_copy(mzeros_hbm.at[pl.ds(s * ROWS_PER_TILE, ROWS_PER_TILE), :],
                    macc.at[pl.ds(s * ROWS_PER_TILE, ROWS_PER_TILE), :])
    pltpu.sync_copy(srcc_hbm.at[pl.ds(wid * REG, CAP)], srcv)
    pltpu.sync_copy(slotc_hbm.at[pl.ds(wid * REG, CAP)], dstv)
    pltpu.sync_copy(eidc_hbm.at[pl.ds(wid * REG, CAP)], eidv)
    pltpu.sync_copy(cnts_hbm.at[pl.ds(wid * 16, 16)], cntbuf)
    cnt = jnp.sum(jnp.where(lanes == 0, cntbuf[pl.ds(0, 16)], 0))
    plsc.subcore_barrier()

    fbase = wid * (REG // 2)

    def _fslice(k):
        p0 = k * CHUNK
        blk = p0 // BE
        within = p0 % BE
        h = within // (BE // 2)
        r0 = fbase + blk * (BE // 2) + within % (BE // 2)
        return f_hbm.at[pl.ds(r0, CHUNK), pl.ds(h * 64, 64)]

    def start_loads(k, rows, fbuf, mrow, gsem, fsem, msem):
        pltpu.async_copy(embsw_hbm.at[srcv.at[pl.ds(k * CHUNK, CHUNK)]],
                         rows, gsem)
        pltpu.async_copy(_fslice(k), fbuf, fsem)
        pltpu.async_copy(msg_hbm.at[eidv.at[pl.ds(k * CHUNK, CHUNK)]],
                         mrow, msem)

    def wait_loads(k, rows, fbuf, mrow, gsem, fsem, msem):
        pltpu.make_async_copy(embsw_hbm.at[srcv.at[pl.ds(k * CHUNK, CHUNK)]],
                              rows, gsem).wait()
        pltpu.make_async_copy(_fslice(k), fbuf, fsem).wait()
        pltpu.make_async_copy(msg_hbm.at[eidv.at[pl.ds(k * CHUNK, CHUNK)]],
                              mrow, msem).wait()

    def scatter(k, rows, fbuf, mrow):
        for v in range(CHUNK // 16):
            dstb[pl.ds(v * 16, 16)] = dstv[pl.ds(k * CHUNK + v * 16, 16)]

        def gbody(i, carry):
            r = i // (HIDDEN // 32)
            gq = i % (HIDDEN // 32)
            xr = rows[r, pl.ds(gq * 16, 16)]
            xf = fbuf[r, pl.ds(gq * 16, 16)]
            comb[r, pl.ds(gq * 16, 16)] = _bf_lo(xr) + _bf_lo(xf)
            comb[r, pl.ds(64 + gq * 16, 16)] = _bf_hi(xr) + _bf_hi(xf)
            return carry

        lax.fori_loop(0, CHUNK * (HIDDEN // 32), gbody, 0)
        pltpu.sync_copy(comb, acc.at[dstb], add=True)
        pltpu.sync_copy(mrow, macc.at[dstb], add=True)

    npairs = (cnt + CHUNK - 1) // CHUNK // 2

    start_loads(0, rows0, fbuf0, mrow0, gsem0, fsem0, msem0)

    def body(j, carry):
        a = 2 * j
        start_loads(a + 1, rows1, fbuf1, mrow1, gsem1, fsem1, msem1)
        wait_loads(a, rows0, fbuf0, mrow0, gsem0, fsem0, msem0)
        scatter(a, rows0, fbuf0, mrow0)
        start_loads(a + 2, rows0, fbuf0, mrow0, gsem0, fsem0, msem0)
        wait_loads(a + 1, rows1, fbuf1, mrow1, gsem1, fsem1, msem1)
        scatter(a + 1, rows1, fbuf1, mrow1)
        return carry

    lax.fori_loop(0, npairs, body, 0)
    wait_loads(2 * npairs, rows0, fbuf0, mrow0, gsem0, fsem0, msem0)
    scatter(2 * npairs, rows0, fbuf0, mrow0)
    plsc.subcore_barrier()

    pltpu.sync_copy(slotsel_hbm.at[pl.ds(s * B_PER_TILE, B_PER_TILE)],
                    sselbuf)
    pltpu.sync_copy(acc.at[sselbuf], selbuf)
    pltpu.sync_copy(selbuf, sel_out.at[c, pl.ds(s * B_PER_TILE, B_PER_TILE), :])
    pltpu.sync_copy(macc.at[sselbuf], mselbuf)
    pltpu.sync_copy(mselbuf,
                    msel_out.at[c, pl.ds(s * B_PER_TILE, B_PER_TILE), :])

    @pl.when(c == 0)
    def _():
        pltpu.sync_copy(idx_hbm.at[pl.ds(s * B_PER_TILE, B_PER_TILE)], ibuf)
        pltpu.async_copy(emb32_hbm.at[ibuf], selbuf, gsem0).wait()
        pltpu.sync_copy(selbuf,
                        sel_out.at[2, pl.ds(s * B_PER_TILE, B_PER_TILE), :])


@functools.cache
def _make_sc_agg():
    return functools.partial(
        pl.kernel,
        out_type=(
            jax.ShapeDtypeStruct((3, BATCH, HIDDEN), jnp.float32),
            jax.ShapeDtypeStruct((2, BATCH, MSG_DIM), jnp.float32),
        ),
        mesh=plsc.VectorSubcoreMesh(core_axis_name="c", subcore_axis_name="s",
                                    num_cores=NC, num_subcores=NS),
        compiler_params=_SC_PARAMS,
        scratch_types=[
            pltpu.VMEM_SHARED((N_ACC, HIDDEN), jnp.float32),
            pltpu.VMEM_SHARED((N_ACC, MSG_DIM), jnp.float32),
            pltpu.VMEM((CAP,), jnp.int32),
            pltpu.VMEM((CAP,), jnp.int32),
            pltpu.VMEM((CAP,), jnp.int32),
            pltpu.VMEM((CHUNK,), jnp.int32),
            pltpu.VMEM((16,), jnp.int32),
            pltpu.VMEM((B_PER_TILE,), jnp.int32),
            pltpu.VMEM((B_PER_TILE,), jnp.int32),
            pltpu.VMEM((CHUNK, HIDDEN // 2), jnp.int32),
            pltpu.VMEM((CHUNK, HIDDEN // 2), jnp.int32),
            pltpu.VMEM((CHUNK, MSG_DIM), jnp.float32),
            pltpu.VMEM((CHUNK, HIDDEN // 2), jnp.int32),
            pltpu.VMEM((CHUNK, HIDDEN // 2), jnp.int32),
            pltpu.VMEM((CHUNK, MSG_DIM), jnp.float32),
            pltpu.VMEM((CHUNK, HIDDEN), jnp.float32),
            pltpu.VMEM((B_PER_TILE, HIDDEN), jnp.float32),
            pltpu.VMEM((B_PER_TILE, MSG_DIM), jnp.float32),
            pltpu.SemaphoreType.DMA,
            pltpu.SemaphoreType.DMA,
            pltpu.SemaphoreType.DMA,
            pltpu.SemaphoreType.DMA,
            pltpu.SemaphoreType.DMA,
            pltpu.SemaphoreType.DMA,
        ],
    )(_sc_agg_body)


def _cls_body(sel_ref, msel_ref, wm_ref, wu_ref, bu_ref, w1_ref, b1_ref,
              w2_ref, b2_ref, out_ref):
    x = (sel_ref[0] + sel_ref[1] + sel_ref[2]
         + jnp.dot(msel_ref[0] + msel_ref[1], wm_ref[...],
                   preferred_element_type=jnp.float32))
    h = jnp.maximum(
        jnp.dot(x, wu_ref[...], preferred_element_type=jnp.float32)
        + bu_ref[...], 0.0)
    h2 = jnp.maximum(
        jnp.dot(h, w1_ref[...], preferred_element_type=jnp.float32)
        + b1_ref[...], 0.0)
    out_ref[...] = (jnp.dot(h2, w2_ref[...],
                            preferred_element_type=jnp.float32)
                    + b2_ref[...])


def _classifier(sel, msel, W_msg, W_upd, bu, W1, b1, W2, b2):
    return pl.pallas_call(
        _cls_body,
        out_shape=jax.ShapeDtypeStruct((BATCH, HIDDEN), jnp.float32),
    )(sel, msel, W_msg, W_upd, bu, W1, b1, W2, b2)


def kernel(src, dst, t, msg, labels, idx, node_emb, w_time, W_msg, b_msg,
           W_upd, b_upd, W1, b1, W2, b2):
    del labels
    srcc, slotc, eidc, tcc, cnts, slotsel = _make_sc_compact()(
        src, dst, t, idx, jnp.full((N_NODES,), TRASH, jnp.int32))
    F = _cos_features(cnts, tcc, w_time, b_msg.reshape(1, HIDDEN))
    eb = node_emb.astype(jnp.bfloat16)
    lo = (jax.lax.bitcast_convert_type(eb[:, :64], jnp.int16)
          .astype(jnp.int32) & 0xFFFF)
    hi = jax.lax.bitcast_convert_type(eb[:, 64:], jnp.int16).astype(
        jnp.int32) << 16
    emb_sw = hi | lo
    sel, msel = _make_sc_agg()(
        emb_sw, F, msg, node_emb, srcc, slotc, eidc, cnts, slotsel, idx,
        jnp.zeros((N_ACC, HIDDEN), jnp.float32),
        jnp.zeros((N_ACC, MSG_DIM), jnp.float32))
    return _classifier(sel, msel, W_msg, W_upd, b_upd.reshape(1, HIDDEN),
                       W1, b1.reshape(1, HIDDEN), W2, b2.reshape(1, HIDDEN))

# --- scband reference (transcript-rebuilt; emitter-appended) ---
"""Pipeline reference for scband-downstream-38439957299931 (READ-ONLY COPY).

The authoritative reference and input builder live on the scoring server;
editing this copy changes nothing except your own understanding.
"""

import jax, jax.numpy as jnp
import numpy as np

N_NODES = 10000
N_EDGES = 320000
HIDDEN = 128
MSG_DIM = 16
BATCH = 2048
NUM_CLASSES = 10
T_MAX = 1000.0


def setup_inputs(seed: int = 0) -> dict:
    key = jax.random.key(seed)
    ks = jax.random.split(key, 16)
    src = jax.random.randint(ks[0], (N_EDGES,), 0, N_NODES, dtype=jnp.int32)
    dst = jax.random.randint(ks[1], (N_EDGES,), 0, N_NODES, dtype=jnp.int32)
    # temporal stamps; some exceed t_max so the mask actually filters edges
    t = jax.random.uniform(ks[2], (N_EDGES,), minval=0.0, maxval=1500.0)
    msg = jax.random.normal(ks[3], (N_EDGES, MSG_DIM), dtype=jnp.float32)
    labels = jax.random.randint(ks[4], (BATCH,), 0, NUM_CLASSES, dtype=jnp.int32)
    idx = jax.random.randint(ks[5], (BATCH,), 0, N_NODES, dtype=jnp.int32)
    # learned parameters of the (copied) temporal GNN encoder
    node_emb = jax.random.normal(ks[6], (N_NODES, HIDDEN), dtype=jnp.float32) * 0.02
    w_time = jax.random.normal(ks[7], (1, HIDDEN), dtype=jnp.float32) * 0.02
    W_msg = jax.random.normal(ks[8], (MSG_DIM, HIDDEN), dtype=jnp.float32) * 0.05
    b_msg = jnp.zeros((HIDDEN,), dtype=jnp.float32)
    W_upd = jax.random.normal(ks[9], (HIDDEN, HIDDEN), dtype=jnp.float32) * 0.05
    b_upd = jnp.zeros((HIDDEN,), dtype=jnp.float32)
    # classifier: Linear(H,H) -> ReLU -> Linear(H,H)
    W1 = jax.random.normal(ks[10], (HIDDEN, HIDDEN), dtype=jnp.float32) * 0.05
    b1 = jnp.zeros((HIDDEN,), dtype=jnp.float32)
    W2 = jax.random.normal(ks[11], (HIDDEN, HIDDEN), dtype=jnp.float32) * 0.05
    b2 = jnp.zeros((HIDDEN,), dtype=jnp.float32)
    return {
        'src': src, 'dst': dst, 't': t, 'msg': msg, 'labels': labels, 'idx': idx,
        'node_emb': node_emb, 'w_time': w_time, 'W_msg': W_msg, 'b_msg': b_msg,
        'W_upd': W_upd, 'b_upd': b_upd, 'W1': W1, 'b1': b1, 'W2': W2, 'b2': b2,
    }


def reference(src, dst, t, msg, labels, idx, node_emb, w_time, W_msg, b_msg,
              W_upd, b_upd, W1, b1, W2, b2):
    # --- embedding_forward (gnn_enc over the full temporal graph) ---
    # temporal mask (t <= t_max); torch filters edges, here we zero masked messages
    # which is equivalent under sum aggregation.
    mask = (t <= T_MAX).astype(node_emb.dtype)
    t_feat = jnp.cos(t[:, None] * w_time)                 # [E, H] time encoding
    m = node_emb[src] + msg @ W_msg + b_msg + t_feat      # gather + message MLP
    m = m * mask[:, None]
    agg = jax.ops.segment_sum(m, dst, num_segments=N_NODES)  # scatter-add to dst
    h = jax.nn.relu((node_emb + agg) @ W_upd + b_upd)     # [N, H] node embeddings
    # --- node_classification: select idx then classifier (is_train=True -> logits) ---
    embed = h[idx]                                        # [B, H]
    logits = jax.nn.relu(embed @ W1 + b1) @ W2 + b2       # Linear-ReLU-Linear
    return logits

if __name__ == "__main__":
    import jax
    _d = setup_inputs()
    print(jax.jit(kernel)(*tuple(_d.values())))

</pallas_src>

<mosaic_0001>
#map = affine_map<(d0, d1) -> (0, 0)>
#map1 = affine_map<(d0, d1) -> (0)>
#map2 = affine_map<(d0, d1) -> (0, 0, 0)>
module attributes {stable_mosaic.version = 14 : i64} {
  func.func @_sc_agg_body(%arg0: i32, %arg1: i32, %arg2: memref<10000x64xi32, #tpu.memory_space<hbm>>, %arg3: memref<163840x128xi32, #tpu.memory_space<hbm>>, %arg4: memref<320000x16xf32, #tpu.memory_space<hbm>>, %arg5: memref<10000x128xf32, #tpu.memory_space<hbm>>, %arg6: memref<327680xi32, #tpu.memory_space<hbm>>, %arg7: memref<327680xi32, #tpu.memory_space<hbm>>, %arg8: memref<327680xi32, #tpu.memory_space<hbm>>, %arg9: memref<512xi32, #tpu.memory_space<hbm>>, %arg10: memref<2048xi32, #tpu.memory_space<hbm>>, %arg11: memref<2048xi32, #tpu.memory_space<hbm>>, %arg12: memref<2176x128xf32, #tpu.memory_space<hbm>>, %arg13: memref<2176x16xf32, #tpu.memory_space<hbm>>, %arg14: memref<3x2048x128xf32, #tpu.memory_space<hbm>>, %arg15: memref<2x2048x16xf32, #tpu.memory_space<hbm>>, %arg16: memref<2176x128xf32, #tpu.memory_space<vmem_shared>>, %arg17: memref<2176x16xf32, #tpu.memory_space<vmem_shared>>, %arg18: memref<10128xi32, #tpu.memory_space<vmem>>, %arg19: memref<10128xi32, #tpu.memory_space<vmem>>, %arg20: memref<10128xi32, #tpu.memory_space<vmem>>, %arg21: memref<64xi32, #tpu.memory_space<vmem>>, %arg22: memref<16xi32, #tpu.memory_space<vmem>>, %arg23: memref<128xi32, #tpu.memory_space<vmem>>, %arg24: memref<128xi32, #tpu.memory_space<vmem>>, %arg25: memref<64x64xi32, #tpu.memory_space<vmem>>, %arg26: memref<64x64xi32, #tpu.memory_space<vmem>>, %arg27: memref<64x16xf32, #tpu.memory_space<vmem>>, %arg28: memref<64x64xi32, #tpu.memory_space<vmem>>, %arg29: memref<64x64xi32, #tpu.memory_space<vmem>>, %arg30: memref<64x16xf32, #tpu.memory_space<vmem>>, %arg31: memref<64x128xf32, #tpu.memory_space<vmem>>, %arg32: memref<128x128xf32, #tpu.memory_space<vmem>>, %arg33: memref<128x16xf32, #tpu.memory_space<vmem>>, %arg34: memref<!tpu.dma_semaphore, #tpu.memory_space<semaphore_mem>>, %arg35: memref<!tpu.dma_semaphore, #tpu.memory_space<semaphore_mem>>, %arg36: memref<!tpu.dma_semaphore, #tpu.memory_space<semaphore_mem>>, %arg37: memref<!tpu.dma_semaphore, #tpu.memory_space<semaphore_mem>>, %arg38: memref<!tpu.dma_semaphore, #tpu.memory_space<semaphore_mem>>, %arg39: memref<!tpu.dma_semaphore, #tpu.memory_space<semaphore_mem>>) attributes {dimension_semantics = [#tpu.dimension_semantics<core_parallel>, #tpu.dimension_semantics<subcore_parallel>], iteration_bounds = array<i64: 2, 16>, scalar_prefetch = 0 : i64, scratch_operands = 24 : i64, tpu.core_type = #tpu.core_type<sc_vector_subcore>, window_params = [{transform_indices = #map}, {transform_indices = #map}, {transform_indices = #map}, {transform_indices = #map}, {transform_indices = #map1}, {transform_indices = #map1}, {transform_indices = #map1}, {transform_indices = #map1}, {transform_indices = #map1}, {transform_indices = #map1}, {transform_indices = #map}, {transform_indices = #map}, {transform_indices = #map2}, {transform_indices = #map2}]} {
    %mul3A = arith.constant 16 : i32
    %mul3A_0 = arith.muli %arg0, %mul3A : i32
    %add3A = arith.addi %mul3A_0, %arg1 : i32
    %iota3A = tpu.iota {dimensions = array<i32: 0>} : vector<16xi32>
    %mul3A_1 = arith.constant 136 : i32
    %mul3A_2 = arith.muli %arg1, %mul3A_1 : i32
    %mul3A_3 = arith.constant 136 : i32
    %mul3A_4 = arith.muli %arg1, %mul3A_3 : i32
    "tpu.region"() ({
      %run_scoped3A = tpu.sem_alloc : memref<!tpu.dma_semaphore, #tpu.memory_space<semaphore_mem>>
      %dma_start3A_247 = arith.constant 0 : i32
      %dma_start3A_248 = tpu.memref_slice %arg16[%mul3A_4, %dma_start3A_247] : memref<2176x128xf32, #tpu.memory_space<vmem_shared>> -> memref<136x128xf32, #tpu.memory_space<vmem_shared>>
      %dma_start3A_249 = arith.constant 0 : i32
      %dma_start3A_250 = tpu.memref_slice %arg12[%mul3A_2, %dma_start3A_249] : memref<2176x128xf32, #tpu.memory_space<hbm>> -> memref<136x128xf32, #tpu.memory_space<hbm>>
      tpu.enqueue_dma source(%dma_start3A_250 : memref<136x128xf32, #tpu.memory_space<hbm>>) target(%dma_start3A_248 : memref<136x128xf32, #tpu.memory_space<vmem_shared>>) target_semaphore(%run_scoped3A : memref<!tpu.dma_semaphore, #tpu.memory_space<semaphore_mem>>)
      %dma_wait3A_251 = arith.constant 0 : i32
      %dma_wait3A_252 = tpu.memref_slice %arg16[%mul3A_4, %dma_wait3A_251] : memref<2176x128xf32, #tpu.memory_space<vmem_shared>> -> memref<136x128xf32, #tpu.memory_space<vmem_shared>>
      %dma_wait3A_253 = arith.constant 0 : i32
      %dma_wait3A_254 = tpu.memref_slice %arg12[%mul3A_2, %dma_wait3A_253] : memref<2176x128xf32, #tpu.memory_space<hbm>> -> memref<136x128xf32, #tpu.memory_space<hbm>>
      tpu.wait_dma2 semaphore(%run_scoped3A : memref<!tpu.dma_semaphore, #tpu.memory_space<semaphore_mem>>) src(%dma_wait3A_254 : memref<136x128xf32, #tpu.memory_space<hbm>>) dst(%dma_wait3A_252 : memref<136x128xf32, #tpu.memory_space<vmem_shared>>)
      tpu.yield
    }) : () -> ()
    %mul3A_5 = arith.constant 136 : i32
    %mul3A_6 = arith.muli %arg1, %mul3A_5 : i32
    %mul3A_7 = arith.constant 136 : i32
    %mul3A_8 = arith.muli %arg1, %mul3A_7 : i32
    "tpu.region"() ({
      %run_scoped3A = tpu.sem_alloc : memref<!tpu.dma_semaphore, #tpu.memory_space<semaphore_mem>>
      %dma_start3A_247 = arith.constant 0 : i32
      %dma_start3A_248 = tpu.memref_slice %arg17[%mul3A_8, %dma_start3A_247] : memref<2176x16xf32, #tpu.memory_space<vmem_shared>> -> memref<136x16xf32, #tpu.memory_space<vmem_shared>>
      %dma_start3A_249 = arith.constant 0 : i32
      %dma_start3A_250 = tpu.memref_slice %arg13[%mul3A_6, %dma_start3A_249] : memref<2176x16xf32, #tpu.memory_space<hbm>> -> memref<136x16xf32, #tpu.memory_space<hbm>>
      tpu.enqueue_dma source(%dma_start3A_250 : memref<136x16xf32, #tpu.memory_space<hbm>>) target(%dma_start3A_248 : memref<136x16xf32, #tpu.memory_space<vmem_shared>>) target_semaphore(%run_scoped3A : memref<!tpu.dma_semaphore, #tpu.memory_space<semaphore_mem>>)
      %dma_wait3A_251 = arith.constant 0 : i32
      %dma_wait3A_252 = tpu.memref_slice %arg17[%mul3A_8, %dma_wait3A_251] : memref<2176x16xf32, #tpu.memory_space<vmem_shared>> -> memref<136x16xf32, #tpu.memory_space<vmem_shared>>
      %dma_wait3A_253 = arith.constant 0 : i32
      %dma_wait3A_254 = tpu.memref_slice %arg13[%mul3A_6, %dma_wait3A_253] : memref<2176x16xf32, #tpu.memory_space<hbm>> -> memref<136x16xf32, #tpu.memory_space<hbm>>
      tpu.wait_dma2 semaphore(%run_scoped3A : memref<!tpu.dma_semaphore, #tpu.memory_space<semaphore_mem>>) src(%dma_wait3A_254 : memref<136x16xf32, #tpu.memory_space<hbm>>) dst(%dma_wait3A_252 : memref<136x16xf32, #tpu.memory_space<vmem_shared>>)
      tpu.yield
    }) : () -> ()
    %mul3A_9 = arith.constant 10240 : i32
    %mul3A_10 = arith.muli %add3A, %mul3A_9 : i32
    "tpu.region"() ({
      %run_scoped3A = tpu.sem_alloc : memref<!tpu.dma_semaphore, #tpu.memory_space<semaphore_mem>>
      %dma_start3A_247 = tpu.memref_slice %arg6[%mul3A_10] : memref<327680xi32, #tpu.memory_space<hbm>> -> memref<10128xi32, #tpu.memory_space<hbm>>
      %dma_start3A_248 = tpu.memref_slice %arg6[%mul3A_10] : memref<327680xi32, #tpu.memory_space<hbm>> -> memref<10128xi32, #tpu.memory_space<hbm>>
      tpu.enqueue_dma source(%dma_start3A_248 : memref<10128xi32, #tpu.memory_space<hbm>>) target(%arg18 : memref<10128xi32, #tpu.memory_space<vmem>>) target_semaphore(%run_scoped3A : memref<!tpu.dma_semaphore, #tpu.memory_space<semaphore_mem>>)
      %dma_wait3A_249 = tpu.memref_slice %arg6[%mul3A_10] : memref<327680xi32, #tpu.memory_space<hbm>> -> memref<10128xi32, #tpu.memory_space<hbm>>
      %dma_wait3A_250 = tpu.memref_slice %arg6[%mul3A_10] : memref<327680xi32, #tpu.memory_space<hbm>> -> memref<10128xi32, #tpu.memory_space<hbm>>
      tpu.wait_dma2 semaphore(%run_scoped3A : memref<!tpu.dma_semaphore, #tpu.memory_space<semaphore_mem>>) src(%dma_wait3A_250 : memref<10128xi32, #tpu.memory_space<hbm>>) dst(%arg18 : memref<10128xi32, #tpu.memory_space<vmem>>)
      tpu.yield
    }) : () -> ()
    %mul3A_11 = arith.constant 10240 : i32
    %mul3A_12 = arith.muli %add3A, %mul3A_11 : i32
    "tpu.region"() ({
      %run_scoped3A = tpu.sem_alloc : memref<!tpu.dma_semaphore, #tpu.memory_space<semaphore_mem>>
      %dma_start3A_247 = tpu.memref_slice %arg7[%mul3A_12] : memref<327680xi32, #tpu.memory_space<hbm>> -> memref<10128xi32, #tpu.memory_space<hbm>>
      %dma_start3A_248 = tpu.memref_slice %arg7[%mul3A_12] : memref<327680xi32, #tpu.memory_space<hbm>> -> memref<10128xi32, #tpu.memory_space<hbm>>
      tpu.enqueue_dma source(%dma_start3A_248 : memref<10128xi32, #tpu.memory_space<hbm>>) target(%arg19 : memref<10128xi32, #tpu.memory_space<vmem>>) target_semaphore(%run_scoped3A : memref<!tpu.dma_semaphore, #tpu.memory_space<semaphore_mem>>)
      %dma_wait3A_249 = tpu.memref_slice %arg7[%mul3A_12] : memref<327680xi32, #tpu.memory_space<hbm>> -> memref<10128xi32, #tpu.memory_space<hbm>>
      %dma_wait3A_250 = tpu.memref_slice %arg7[%mul3A_12] : memref<327680xi32, #tpu.memory_space<hbm>> -> memref<10128xi32, #tpu.memory_space<hbm>>
      tpu.wait_dma2 semaphore(%run_scoped3A : memref<!tpu.dma_semaphore, #tpu.memory_space<semaphore_mem>>) src(%dma_wait3A_250 : memref<10128xi32, #tpu.memory_space<hbm>>) dst(%arg19 : memref<10128xi32, #tpu.memory_space<vmem>>)
      tpu.yield
    }) : () -> ()
    %mul3A_13 = arith.constant 10240 : i32
    %mul3A_14 = arith.muli %add3A, %mul3A_13 : i32
    "tpu.region"() ({
      %run_scoped3A = tpu.sem_alloc : memref<!tpu.dma_semaphore, #tpu.memory_space<semaphore_mem>>
      %dma_start3A_247 = tpu.memref_slice %arg8[%mul3A_14] : memref<327680xi32, #tpu.memory_space<hbm>> -> memref<10128xi32, #tpu.memory_space<hbm>>
      %dma_start3A_248 = tpu.memref_slice %arg8[%mul3A_14] : memref<327680xi32, #tpu.memory_space<hbm>> -> memref<10128xi32, #tpu.memory_space<hbm>>
      tpu.enqueue_dma source(%dma_start3A_248 : memref<10128xi32, #tpu.memory_space<hbm>>) target(%arg20 : memref<10128xi32, #tpu.memory_space<vmem>>) target_semaphore(%run_scoped3A : memref<!tpu.dma_semaphore, #tpu.memory_space<semaphore_mem>>)
      %dma_wait3A_249 = tpu.memref_slice %arg8[%mul3A_14] : memref<327680xi32, #tpu.memory_space<hbm>> -> memref<10128xi32, #tpu.memory_space<hbm>>
      %dma_wait3A_250 = tpu.memref_slice %arg8[%mul3A_14] : memref<327680xi32, #tpu.memory_space<hbm>> -> memref<10128xi32, #tpu.memory_space<hbm>>
      tpu.wait_dma2 semaphore(%run_scoped3A : memref<!tpu.dma_semaphore, #tpu.memory_space<semaphore_mem>>) src(%dma_wait3A_250 : memref<10128xi32, #tpu.memory_space<hbm>>) dst(%arg20 : memref<10128xi32, #tpu.memory_space<vmem>>)
      tpu.yield
    }) : () -> ()
    %mul3A_15 = arith.constant 16 : i32
    %mul3A_16 = arith.muli %add3A, %mul3A_15 : i32
    "tpu.region"() ({
      %run_scoped3A = tpu.sem_alloc : memref<!tpu.dma_semaphore, #tpu.memory_space<semaphore_mem>>
      %dma_start3A_247 = tpu.memref_slice %arg9[%mul3A_16] : memref<512xi32, #tpu.memory_space<hbm>> -> memref<16xi32, #tpu.memory_space<hbm>>
      %dma_start3A_248 = tpu.memref_slice %arg9[%mul3A_16] : memref<512xi32, #tpu.memory_space<hbm>> -> memref<16xi32, #tpu.memory_space<hbm>>
      tpu.enqueue_dma source(%dma_start3A_248 : memref<16xi32, #tpu.memory_space<hbm>>) target(%arg22 : memref<16xi32, #tpu.memory_space<vmem>>) target_semaphore(%run_scoped3A : memref<!tpu.dma_semaphore, #tpu.memory_space<semaphore_mem>>)
      %dma_wait3A_249 = tpu.memref_slice %arg9[%mul3A_16] : memref<512xi32, #tpu.memory_space<hbm>> -> memref<16xi32, #tpu.memory_space<hbm>>
      %dma_wait3A_250 = tpu.memref_slice %arg9[%mul3A_16] : memref<512xi32, #tpu.memory_space<hbm>> -> memref<16xi32, #tpu.memory_space<hbm>>
      tpu.wait_dma2 semaphore(%run_scoped3A : memref<!tpu.dma_semaphore, #tpu.memory_space<semaphore_mem>>) src(%dma_wait3A_250 : memref<16xi32, #tpu.memory_space<hbm>>) dst(%arg22 : memref<16xi32, #tpu.memory_space<vmem>>)
      tpu.yield
    }) : () -> ()
    %eq3A = arith.constant 0 : i32
    %eq3A_17 = vector.broadcast %eq3A : i32 to vector<16xi32>
    %eq3A_18 = arith.cmpi eq, %iota3A, %eq3A_17 : vector<16xi32>
    %get3A = arith.constant 0 : index
    %get3A_19 = tpu.vector_load %arg22[%get3A] {strides = array<i32>} : memref<16xi32, #tpu.memory_space<vmem>>, vector<16xi32>,
    %jit3A = arith.constant 0 : i32
    %broadcast_in_dim3A = vector.broadcast %jit3A : i32 to vector<16xi32>
    %select_n3A = arith.select %eq3A_18, %get3A_19, %broadcast_in_dim3A : vector<16xi1>, vector<16xi32>
    %reduce_sum3A = arith.constant true
    %reduce_sum3A_20 = vector.broadcast %reduce_sum3A : i1 to vector<16xi1>
    %reduce_sum3A_21 = tpu.scan <sum>, %select_n3A masked %reduce_sum3A_20 : vector<16xi32>, vector<16xi1> -> vector<16xi32>
    %reduce_sum3A_22 = vector.extract %reduce_sum3A_21[15] : i32 from vector<16xi32>
    %barrier3A = arith.constant 0 : index
    tpu.barrier barrier_id(%barrier3A)
    %mul3A_23 = arith.constant 5120 : i32
    %mul3A_24 = arith.muli %add3A, %mul3A_23 : i32
    %add3A_25 = arith.constant 64 : i32
    %add3A_26 = arith.addi %reduce_sum3A_22, %add3A_25 : i32
    %sub3A = arith.constant 1 : i32
    %sub3A_27 = arith.subi %add3A_26, %sub3A : i32
    %jit3A_28 = arith.constant 64 : i32
    %div3A = arith.divsi %sub3A_27, %jit3A_28 : i32
    %sign3A = arith.constant 0 : i32
    %sign3A_29 = arith.cmpi sgt, %sub3A_27, %sign3A : i32
    %sign3A_30 = arith.extui %sign3A_29 : i1 to i32
    %sign3A_31 = arith.constant 0 : i32
    %sign3A_32 = arith.cmpi slt, %sub3A_27, %sign3A_31 : i32
    %sign3A_33 = arith.extui %sign3A_32 : i1 to i32
    %sign3A_34 = arith.subi %sign3A_30, %sign3A_33 : i32
    %sign3A_35 = arith.constant 0 : i32
    %sign3A_36 = arith.cmpi sgt, %jit3A_28, %sign3A_35 : i32
    %sign3A_37 = arith.extui %sign3A_36 : i1 to i32
    %sign3A_38 = arith.constant 0 : i32
    %sign3A_39 = arith.cmpi slt, %jit3A_28, %sign3A_38 : i32
    %sign3A_40 = arith.extui %sign3A_39 : i1 to i32
    %sign3A_41 = arith.subi %sign3A_37, %sign3A_40 : i32
    %ne3A = arith.cmpi ne, %sign3A_34, %sign3A_41 : i32
    %rem3A = arith.remsi %sub3A_27, %jit3A_28 : i32
    %ne3A_42 = arith.constant 0 : i32
    %ne3A_43 = arith.cmpi ne, %rem3A, %ne3A_42 : i32
    %and3A = arith.andi %ne3A, %ne3A_43 : i1
    %sub3A_44 = arith.constant 1 : i32
    %sub3A_45 = arith.subi %div3A, %sub3A_44 : i32
    %select_n3A_46 = arith.select %and3A, %sub3A_45, %div3A : i32
    %jit3A_47 = arith.constant 2 : i32
    %div3A_48 = arith.divsi %select_n3A_46, %jit3A_47 : i32
    %sign3A_49 = arith.constant 0 : i32
    %sign3A_50 = arith.cmpi sgt, %select_n3A_46, %sign3A_49 : i32
    %sign3A_51 = arith.extui %sign3A_50 : i1 to i32
    %sign3A_52 = arith.constant 0 : i32
    %sign3A_53 = arith.cmpi slt, %select_n3A_46, %sign3A_52 : i32
    %sign3A_54 = arith.extui %sign3A_53 : i1 to i32
    %sign3A_55 = arith.subi %sign3A_51, %sign3A_54 : i32
    %sign3A_56 = arith.constant 0 : i32
    %sign3A_57 = arith.cmpi sgt, %jit3A_47, %sign3A_56 : i32
    %sign3A_58 = arith.extui %sign3A_57 : i1 to i32
    %sign3A_59 = arith.constant 0 : i32
    %sign3A_60 = arith.cmpi slt, %jit3A_47, %sign3A_59 : i32
    %sign3A_61 = arith.extui %sign3A_60 : i1 to i32
    %sign3A_62 = arith.subi %sign3A_58, %sign3A_61 : i32
    %ne3A_63 = arith.cmpi ne, %sign3A_55, %sign3A_62 : i32
    %rem3A_64 = arith.remsi %select_n3A_46, %jit3A_47 : i32
    %ne3A_65 = arith.constant 0 : i32
    %ne3A_66 = arith.cmpi ne, %rem3A_64, %ne3A_65 : i32
    %and3A_67 = arith.andi %ne3A_63, %ne3A_66 : i1
    %sub3A_68 = arith.constant 1 : i32
    %sub3A_69 = arith.subi %div3A_48, %sub3A_68 : i32
    %select_n3A_70 = arith.select %and3A_67, %sub3A_69, %div3A_48 : i32
    %dma_start3A = arith.constant 0 : i32
    %dma_start3A_71 = tpu.memref_slice %arg18[%dma_start3A] : memref<10128xi32, #tpu.memory_space<vmem>> -> memref<64xi32, #tpu.memory_space<vmem>>
    %dma_start3A_72 = arith.constant 0 : i32
    %dma_start3A_73 = arith.constant 0 : i32
    %dma_start3A_74 = tpu.memref_slice %arg2[%dma_start3A_72, %dma_start3A_73] : memref<10000x64xi32, #tpu.memory_space<hbm>> -> memref<10000x64xi32, #tpu.memory_space<hbm>>
    tpu.enqueue_indirect_dma source(%dma_start3A_74 : memref<10000x64xi32, #tpu.memory_space<hbm>>) target(%arg25 : memref<64x64xi32, #tpu.memory_space<vmem>>) offsets(%dma_start3A_71 : memref<64xi32, #tpu.memory_space<vmem>>) semaphore(%arg34 : memref<!tpu.dma_semaphore, #tpu.memory_space<semaphore_mem>>)
    %add3A_75 = arith.constant 0 : i32
    %add3A_76 = arith.addi %mul3A_24, %add3A_75 : i32
    %add3A_77 = arith.constant 0 : i32
    %add3A_78 = arith.addi %add3A_76, %add3A_77 : i32
    %dma_start3A_79 = arith.constant 0 : i32
    %dma_start3A_80 = tpu.memref_slice %arg3[%add3A_78, %dma_start3A_79] : memref<163840x128xi32, #tpu.memory_space<hbm>> -> memref<64x64xi32, #tpu.memory_space<hbm>>
    %dma_start3A_81 = arith.constant 0 : i32
    %dma_start3A_82 = tpu.memref_slice %arg3[%add3A_78, %dma_start3A_81] : memref<163840x128xi32, #tpu.memory_space<hbm>> -> memref<64x64xi32, #tpu.memory_space<hbm>>
    tpu.enqueue_dma source(%dma_start3A_82 : memref<64x64xi32, #tpu.memory_space<hbm>>) target(%arg26 : memref<64x64xi32, #tpu.memory_space<vmem>>) target_semaphore(%arg35 : memref<!tpu.dma_semaphore, #tpu.memory_space<semaphore_mem>>)
    %dma_start3A_83 = arith.constant 0 : i32
    %dma_start3A_84 = tpu.memref_slice %arg20[%dma_start3A_83] : memref<10128xi32, #tpu.memory_space<vmem>> -> memref<64xi32, #tpu.memory_space<vmem>>
    %dma_start3A_85 = arith.constant 0 : i32
    %dma_start3A_86 = arith.constant 0 : i32
    %dma_start3A_87 = tpu.memref_slice %arg4[%dma_start3A_85, %dma_start3A_86] : memref<320000x16xf32, #tpu.memory_space<hbm>> -> memref<320000x16xf32, #tpu.memory_space<hbm>>
    tpu.enqueue_indirect_dma source(%dma_start3A_87 : memref<320000x16xf32, #tpu.memory_space<hbm>>) target(%arg27 : memref<64x16xf32, #tpu.memory_space<vmem>>) offsets(%dma_start3A_84 : memref<64xi32, #tpu.memory_space<vmem>>) semaphore(%arg36 : memref<!tpu.dma_semaphore, #tpu.memory_space<semaphore_mem>>)
    %while3A = arith.constant 0 : i32
    %while3A_88 = arith.constant 0 : i32
    %while3A_89 = arith.subi %select_n3A_70, %while3A_88 : i32
    %while3A_90 = arith.addi %while3A_88, %while3A_89 : i32
    %while3A_91 = arith.constant 1 : i32
    %while3A_92 = arith.divsi %while3A_89, %while3A_91 : i32
    %while3A_93 = arith.muli %while3A_92, %while3A_91 : i32
    %while3A_94 = arith.addi %while3A_88, %while3A_93 : i32
    %while3A_95 = arith.constant 1 : i32
    scf.for %while3A_247 = %while3A_88 to %while3A_94 step %while3A_95  : i32 {
      %mul3A_248 = arith.constant 2 : i32
      %mul3A_249 = arith.muli %mul3A_248, %while3A_247 : i32
      %add3A_250 = arith.constant 1 : i32
      %add3A_251 = arith.addi %mul3A_249, %add3A_250 : i32
      %mul3A_252 = arith.constant 64 : i32
      %mul3A_253 = arith.muli %add3A_251, %mul3A_252 : i32
      %dma_start3A_254 = tpu.memref_slice %arg18[%mul3A_253] : memref<10128xi32, #tpu.memory_space<vmem>> -> memref<64xi32, #tpu.memory_space<vmem>>
      %dma_start3A_255 = arith.constant 0 : i32
      %dma_start3A_256 = arith.constant 0 : i32
      %dma_start3A_257 = tpu.memref_slice %arg2[%dma_start3A_255, %dma_start3A_256] : memref<10000x64xi32, #tpu.memory_space<hbm>> -> memref<10000x64xi32, #tpu.memory_space<hbm>>
      tpu.enqueue_indirect_dma source(%dma_start3A_257 : memref<10000x64xi32, #tpu.memory_space<hbm>>) target(%arg28 : memref<64x64xi32, #tpu.memory_space<vmem>>) offsets(%dma_start3A_254 : memref<64xi32, #tpu.memory_space<vmem>>) semaphore(%arg37 : memref<!tpu.dma_semaphore, #tpu.memory_space<semaphore_mem>>)
      %mul3A_258 = arith.constant 64 : i32
      %mul3A_259 = arith.muli %add3A_251, %mul3A_258 : i32
      %jit3A_260 = arith.constant 2048 : i32
      %div3A_261 = arith.divsi %mul3A_259, %jit3A_260 : i32
      %sign3A_262 = arith.constant 0 : i32
      %sign3A_263 = arith.cmpi sgt, %mul3A_259, %sign3A_262 : i32
      %sign3A_264 = arith.extui %sign3A_263 : i1 to i32
      %sign3A_265 = arith.constant 0 : i32
      %sign3A_266 = arith.cmpi slt, %mul3A_259, %sign3A_265 : i32
      %sign3A_267 = arith.extui %sign3A_266 : i1 to i32
      %sign3A_268 = arith.subi %sign3A_264, %sign3A_267 : i32
      %sign3A_269 = arith.constant 0 : i32
      %sign3A_270 = arith.cmpi sgt, %jit3A_260, %sign3A_269 : i32
      %sign3A_271 = arith.extui %sign3A_270 : i1 to i32
      %sign3A_272 = arith.constant 0 : i32
      %sign3A_273 = arith.cmpi slt, %jit3A_260, %sign3A_272 : i32
      %sign3A_274 = arith.extui %sign3A_273 : i1 to i32
      %sign3A_275 = arith.subi %sign3A_271, %sign3A_274 : i32
      %ne3A_276 = arith.cmpi ne, %sign3A_268, %sign3A_275 : i32
      %rem3A_277 = arith.remsi %mul3A_259, %jit3A_260 : i32
      %ne3A_278 = arith.constant 0 : i32
      %ne3A_279 = arith.cmpi ne, %rem3A_277, %ne3A_278 : i32
      %and3A_280 = arith.andi %ne3A_276, %ne3A_279 : i1
      %sub3A_281 = arith.constant 1 : i32
      %sub3A_282 = arith.subi %div3A_261, %sub3A_281 : i32
      %select_n3A_283 = arith.select %and3A_280, %sub3A_282, %div3A_261 : i32
      %jit3A_284 = arith.constant 2048 : i32
      %eq3A_285 = arith.constant 0 : i32
      %eq3A_286 = arith.cmpi eq, %jit3A_284, %eq3A_285 : i32
      %jit3A_287 = arith.constant 1 : i32
      %select_n3A_288 = arith.select %eq3A_286, %jit3A_287, %jit3A_284 : i32
      %rem3A_289 = arith.remsi %mul3A_259, %select_n3A_288 : i32
      %ne3A_290 = arith.constant 0 : i32
      %ne3A_291 = arith.cmpi ne, %rem3A_289, %ne3A_290 : i32
      %lt3A_292 = arith.constant 0 : i32
      %lt3A_293 = arith.cmpi slt, %rem3A_289, %lt3A_292 : i32
      %lt3A_294 = arith.constant 0 : i32
      %lt3A_295 = arith.cmpi slt, %select_n3A_288, %lt3A_294 : i32
      %ne3A_296 = arith.xori %lt3A_293, %lt3A_295 : i1
      %and3A_297 = arith.andi %ne3A_296, %ne3A_291 : i1
      %add3A_298 = arith.addi %rem3A_289, %select_n3A_288 : i32
      %select_n3A_299 = arith.select %and3A_297, %add3A_298, %rem3A_289 : i32
      %jit3A_300 = arith.constant 1024 : i32
      %div3A_301 = arith.divsi %select_n3A_299, %jit3A_300 : i32
      %sign3A_302 = arith.constant 0 : i32
      %sign3A_303 = arith.cmpi sgt, %select_n3A_299, %sign3A_302 : i32
      %sign3A_304 = arith.extui %sign3A_303 : i1 to i32
      %sign3A_305 = arith.constant 0 : i32
      %sign3A_306 = arith.cmpi slt, %select_n3A_299, %sign3A_305 : i32
      %sign3A_307 = arith.extui %sign3A_306 : i1 to i32
      %sign3A_308 = arith.subi %sign3A_304, %sign3A_307 : i32
      %sign3A_309 = arith.constant 0 : i32
      %sign3A_310 = arith.cmpi sgt, %jit3A_300, %sign3A_309 : i32
      %sign3A_311 = arith.extui %sign3A_310 : i1 to i32
      %sign3A_312 = arith.constant 0 : i32
      %sign3A_313 = arith.cmpi slt, %jit3A_300, %sign3A_312 : i32
      %sign3A_314 = arith.extui %sign3A_313 : i1 to i32
      %sign3A_315 = arith.subi %sign3A_311, %sign3A_314 : i32
      %ne3A_316 = arith.cmpi ne, %sign3A_308, %sign3A_315 : i32
      %rem3A_317 = arith.remsi %select_n3A_299, %jit3A_300 : i32
      %ne3A_318 = arith.constant 0 : i32
      %ne3A_319 = arith.cmpi ne, %rem3A_317, %ne3A_318 : i32
      %and3A_320 = arith.andi %ne3A_316, %ne3A_319 : i1
      %sub3A_321 = arith.constant 1 : i32
      %sub3A_322 = arith.subi %div3A_301, %sub3A_321 : i32
      %select_n3A_323 = arith.select %and3A_320, %sub3A_322, %div3A_301 : i32
      %mul3A_324 = arith.constant 1024 : i32
      %mul3A_325 = arith.muli %select_n3A_283, %mul3A_324 : i32
      %add3A_326 = arith.addi %mul3A_24, %mul3A_325 : i32
      %jit3A_327 = arith.constant 1024 : i32
      %eq3A_328 = arith.constant 0 : i32
      %eq3A_329 = arith.cmpi eq, %jit3A_327, %eq3A_328 : i32
      %jit3A_330 = arith.constant 1 : i32
      %select_n3A_331 = arith.select %eq3A_329, %jit3A_330, %jit3A_327 : i32
      %rem3A_332 = arith.remsi %select_n3A_299, %select_n3A_331 : i32
      %ne3A_333 = arith.constant 0 : i32
      %ne3A_334 = arith.cmpi ne, %rem3A_332, %ne3A_333 : i32
      %lt3A_335 = arith.constant 0 : i32
      %lt3A_336 = arith.cmpi slt, %rem3A_332, %lt3A_335 : i32
      %lt3A_337 = arith.constant 0 : i32
      %lt3A_338 = arith.cmpi slt, %select_n3A_331, %lt3A_337 : i32
      %ne3A_339 = arith.xori %lt3A_336, %lt3A_338 : i1
      %and3A_340 = arith.andi %ne3A_339, %ne3A_334 : i1
      %add3A_341 = arith.addi %rem3A_332, %select_n3A_331 : i32
      %select_n3A_342 = arith.select %and3A_340, %add3A_341, %rem3A_332 : i32
      %add3A_343 = arith.addi %add3A_326, %select_n3A_342 : i32
      %mul3A_344 = arith.constant 64 : i32
      %mul3A_345 = arith.muli %select_n3A_323, %mul3A_344 : i32
      %dma_start3A_346 = tpu.memref_slice %arg3[%add3A_343, %mul3A_345] : memref<163840x128xi32, #tpu.memory_space<hbm>> -> memref<64x64xi32, #tpu.memory_space<hbm>>
      %dma_start3A_347 = tpu.memref_slice %arg3[%add3A_343, %mul3A_345] : memref<163840x128xi32, #tpu.memory_space<hbm>> -> memref<64x64xi32, #tpu.memory_space<hbm>>
      tpu.enqueue_dma source(%dma_start3A_347 : memref<64x64xi32, #tpu.memory_space<hbm>>) target(%arg29 : memref<64x64xi32, #tpu.memory_space<vmem>>) target_semaphore(%arg38 : memref<!tpu.dma_semaphore, #tpu.memory_space<semaphore_mem>>)
      %mul3A_348 = arith.constant 64 : i32
      %mul3A_349 = arith.muli %add3A_251, %mul3A_348 : i32
      %dma_start3A_350 = tpu.memref_slice %arg20[%mul3A_349] : memref<10128xi32, #tpu.memory_space<vmem>> -> memref<64xi32, #tpu.memory_space<vmem>>
      %dma_start3A_351 = arith.constant 0 : i32
      %dma_start3A_352 = arith.constant 0 : i32
      %dma_start3A_353 = tpu.memref_slice %arg4[%dma_start3A_351, %dma_start3A_352] : memref<320000x16xf32, #tpu.memory_space<hbm>> -> memref<320000x16xf32, #tpu.memory_space<hbm>>
      tpu.enqueue_indirect_dma source(%dma_start3A_353 : memref<320000x16xf32, #tpu.memory_space<hbm>>) target(%arg30 : memref<64x16xf32, #tpu.memory_space<vmem>>) offsets(%dma_start3A_350 : memref<64xi32, #tpu.memory_space<vmem>>) semaphore(%arg39 : memref<!tpu.dma_semaphore, #tpu.memory_space<semaphore_mem>>)
      %mul3A_354 = arith.constant 64 : i32
      %mul3A_355 = arith.muli %mul3A_249, %mul3A_354 : i32
      %dma_wait3A_356 = tpu.memref_slice %arg18[%mul3A_355] : memref<10128xi32, #tpu.memory_space<vmem>> -> memref<64xi32, #tpu.memory_space<vmem>>
      %dma_wait3A_357 = arith.constant 0 : i32
      %dma_wait3A_358 = arith.constant 0 : i32
      %dma_wait3A_359 = tpu.memref_slice %arg2[%dma_wait3A_357, %dma_wait3A_358] : memref<10000x64xi32, #tpu.memory_space<hbm>> -> memref<10000x64xi32, #tpu.memory_space<hbm>>
      tpu.wait_indirect_dma semaphore(%arg34 : memref<!tpu.dma_semaphore, #tpu.memory_space<semaphore_mem>>) src(%dma_wait3A_359 : memref<10000x64xi32, #tpu.memory_space<hbm>>) dst(%arg25 : memref<64x64xi32, #tpu.memory_space<vmem>>)
      %mul3A_360 = arith.constant 64 : i32
      %mul3A_361 = arith.muli %mul3A_249, %mul3A_360 : i32
      %jit3A_362 = arith.constant 2048 : i32
      %div3A_363 = arith.divsi %mul3A_361, %jit3A_362 : i32
      %sign3A_364 = arith.constant 0 : i32
      %sign3A_365 = arith.cmpi sgt, %mul3A_361, %sign3A_364 : i32
      %sign3A_366 = arith.extui %sign3A_365 : i1 to i32
      %sign3A_367 = arith.constant 0 : i32
      %sign3A_368 = arith.cmpi slt, %mul3A_361, %sign3A_367 : i32
      %sign3A_369 = arith.extui %sign3A_368 : i1 to i32
      %sign3A_370 = arith.subi %sign3A_366, %sign3A_369 : i32
      %sign3A_371 = arith.constant 0 : i32
      %sign3A_372 = arith.cmpi sgt, %jit3A_362, %sign3A_371 : i32
      %sign3A_373 = arith.extui %sign3A_372 : i1 to i32
      %sign3A_374 = arith.constant 0 : i32
      %sign3A_375 = arith.cmpi slt, %jit3A_362, %sign3A_374 : i32
      %sign3A_376 = arith.extui %sign3A_375 : i1 to i32
      %sign3A_377 = arith.subi %sign3A_373, %sign3A_376 : i32
      %ne3A_378 = arith.cmpi ne, %sign3A_370, %sign3A_377 : i32
      %rem3A_379 = arith.remsi %mul3A_361, %jit3A_362 : i32
      %ne3A_380 = arith.constant 0 : i32
      %ne3A_381 = arith.cmpi ne, %rem3A_379, %ne3A_380 : i32
      %and3A_382 = arith.andi %ne3A_378, %ne3A_381 : i1
      %sub3A_383 = arith.constant 1 : i32
      %sub3A_384 = arith.subi %div3A_363, %sub3A_383 : i32
      %select_n3A_385 = arith.select %and3A_382, %sub3A_384, %div3A_363 : i32
      %jit3A_386 = arith.constant 2048 : i32
      %eq3A_387 = arith.constant 0 : i32
      %eq3A_388 = arith.cmpi eq, %jit3A_386, %eq3A_387 : i32
      %jit3A_389 = arith.constant 1 : i32
      %select_n3A_390 = arith.select %eq3A_388, %jit3A_389, %jit3A_386 : i32
      %rem3A_391 = arith.remsi %mul3A_361, %select_n3A_390 : i32
      %ne3A_392 = arith.constant 0 : i32
      %ne3A_393 = arith.cmpi ne, %rem3A_391, %ne3A_392 : i32
      %lt3A_394 = arith.constant 0 : i32
      %lt3A_395 = arith.cmpi slt, %rem3A_391, %lt3A_394 : i32
      %lt3A_396 = arith.constant 0 : i32
      %lt3A_397 = arith.cmpi slt, %select_n3A_390, %lt3A_396 : i32
      %ne3A_398 = arith.xori %lt3A_395, %lt3A_397 : i1
      %and3A_399 = arith.andi %ne3A_398, %ne3A_393 : i1
      %add3A_400 = arith.addi %rem3A_391, %select_n3A_390 : i32
      %select_n3A_401 = arith.select %and3A_399, %add3A_400, %rem3A_391 : i32
      %jit3A_402 = arith.constant 1024 : i32
      %div3A_403 = arith.divsi %select_n3A_401, %jit3A_402 : i32
      %sign3A_404 = arith.constant 0 : i32
      %sign3A_405 = arith.cmpi sgt, %select_n3A_401, %sign3A_404 : i32
      %sign3A_406 = arith.extui %sign3A_405 : i1 to i32
      %sign3A_407 = arith.constant 0 : i32
      %sign3A_408 = arith.cmpi slt, %select_n3A_401, %sign3A_407 : i32
      %sign3A_409 = arith.extui %sign3A_408 : i1 to i32
      %sign3A_410 = arith.subi %sign3A_406, %sign3A_409 : i32
      %sign3A_411 = arith.constant 0 : i32
      %sign3A_412 = arith.cmpi sgt, %jit3A_402, %sign3A_411 : i32
      %sign3A_413 = arith.extui %sign3A_412 : i1 to i32
      %sign3A_414 = arith.constant 0 : i32
      %sign3A_415 = arith.cmpi slt, %jit3A_402, %sign3A_414 : i32
      %sign3A_416 = arith.extui %sign3A_415 : i1 to i32
      %sign3A_417 = arith.subi %sign3A_413, %sign3A_416 : i32
      %ne3A_418 = arith.cmpi ne, %sign3A_410, %sign3A_417 : i32
      %rem3A_419 = arith.remsi %select_n3A_401, %jit3A_402 : i32
      %ne3A_420 = arith.constant 0 : i32
      %ne3A_421 = arith.cmpi ne, %rem3A_419, %ne3A_420 : i32
      %and3A_422 = arith.andi %ne3A_418, %ne3A_421 : i1
      %sub3A_423 = arith.constant 1 : i32
      %sub3A_424 = arith.subi %div3A_403, %sub3A_423 : i32
      %select_n3A_425 = arith.select %and3A_422, %sub3A_424, %div3A_403 : i32
      %mul3A_426 = arith.constant 1024 : i32
      %mul3A_427 = arith.muli %select_n3A_385, %mul3A_426 : i32
      %add3A_428 = arith.addi %mul3A_24, %mul3A_427 : i32
      %jit3A_429 = arith.constant 1024 : i32
      %eq3A_430 = arith.constant 0 : i32
      %eq3A_431 = arith.cmpi eq, %jit3A_429, %eq3A_430 : i32
      %jit3A_432 = arith.constant 1 : i32
      %select_n3A_433 = arith.select %eq3A_431, %jit3A_432, %jit3A_429 : i32
      %rem3A_434 = arith.remsi %select_n3A_401, %select_n3A_433 : i32
      %ne3A_435 = arith.constant 0 : i32
      %ne3A_436 = arith.cmpi ne, %rem3A_434, %ne3A_435 : i32
      %lt3A_437 = arith.constant 0 : i32
      %lt3A_438 = arith.cmpi slt, %rem3A_434, %lt3A_437 : i32
      %lt3A_439 = arith.constant 0 : i32
      %lt3A_440 = arith.cmpi slt, %select_n3A_433, %lt3A_439 : i32
      %ne3A_441 = arith.xori %lt3A_438, %lt3A_440 : i1
      %and3A_442 = arith.andi %ne3A_441, %ne3A_436 : i1
      %add3A_443 = arith.addi %rem3A_434, %select_n3A_433 : i32
      %select_n3A_444 = arith.select %and3A_442, %add3A_443, %rem3A_434 : i32
      %add3A_445 = arith.addi %add3A_428, %select_n3A_444 : i32
      %mul3A_446 = arith.constant 64 : i32
      %mul3A_447 = arith.muli %select_n3A_425, %mul3A_446 : i32
      %dma_wait3A_448 = tpu.memref_slice %arg3[%add3A_445, %mul3A_447] : memref<163840x128xi32, #tpu.memory_space<hbm>> -> memref<64x64xi32, #tpu.memory_space<hbm>>
      %dma_wait3A_449 = tpu.memref_slice %arg3[%add3A_445, %mul3A_447] : memref<163840x128xi32, #tpu.memory_space<hbm>> -> memref<64x64xi32, #tpu.memory_space<hbm>>
      tpu.wait_dma2 semaphore(%arg35 : memref<!tpu.dma_semaphore, #tpu.memory_space<semaphore_mem>>) src(%dma_wait3A_449 : memref<64x64xi32, #tpu.memory_space<hbm>>) dst(%arg26 : memref<64x64xi32, #tpu.memory_space<vmem>>)
      %mul3A_450 = arith.constant 64 : i32
      %mul3A_451 = arith.muli %mul3A_249, %mul3A_450 : i32
      %dma_wait3A_452 = tpu.memref_slice %arg20[%mul3A_451] : memref<10128xi32, #tpu.memory_space<vmem>> -> memref<64xi32, #tpu.memory_space<vmem>>
      %dma_wait3A_453 = arith.constant 0 : i32
      %dma_wait3A_454 = arith.constant 0 : i32
      %dma_wait3A_455 = tpu.memref_slice %arg4[%dma_wait3A_453, %dma_wait3A_454] : memref<320000x16xf32, #tpu.memory_space<hbm>> -> memref<320000x16xf32, #tpu.memory_space<hbm>>
      tpu.wait_indirect_dma semaphore(%arg36 : memref<!tpu.dma_semaphore, #tpu.memory_space<semaphore_mem>>) src(%dma_wait3A_455 : memref<320000x16xf32, #tpu.memory_space<hbm>>) dst(%arg27 : memref<64x16xf32, #tpu.memory_space<vmem>>)
      %mul3A_456 = arith.constant 64 : i32
      %mul3A_457 = arith.muli %mul3A_249, %mul3A_456 : i32
      %add3A_458 = arith.constant 0 : i32
      %add3A_459 = arith.addi %mul3A_457, %add3A_458 : i32
      %get3A_460 = arith.index_cast %add3A_459 : i32 to index
      %get3A_461 = tpu.vector_load %arg19[%get3A_460] {strides = array<i32>} : memref<10128xi32, #tpu.memory_space<vmem>>, vector<16xi32>,
      %swap3A_462 = arith.constant 0 : index
      %swap3A_463 = tpu.vector_load %arg21[%swap3A_462] {strides = array<i32>} : memref<64xi32, #tpu.memory_space<vmem>>, vector<16xi32>,
      tpu.vector_store %arg21[%swap3A_462], %get3A_461 {strides = array<i32>} : memref<64xi32, #tpu.memory_space<vmem>>, vector<16xi32>,
      %mul3A_464 = arith.constant 64 : i32
      %mul3A_465 = arith.muli %mul3A_249, %mul3A_464 : i32
      %add3A_466 = arith.constant 16 : i32
      %add3A_467 = arith.addi %mul3A_465, %add3A_466 : i32
      %get3A_468 = arith.index_cast %add3A_467 : i32 to index
      %get3A_469 = tpu.vector_load %arg19[%get3A_468] {strides = array<i32>} : memref<10128xi32, #tpu.memory_space<vmem>>, vector<16xi32>,
      %swap3A_470 = arith.constant 16 : index
      %swap3A_471 = tpu.vector_load %arg21[%swap3A_470] {strides = array<i32>} : memref<64xi32, #tpu.memory_space<vmem>>, vector<16xi32>,
      tpu.vector_store %arg21[%swap3A_470], %get3A_469 {strides = array<i32>} : memref<64xi32, #tpu.memory_space<vmem>>, vector<16xi32>,
      %mul3A_472 = arith.constant 64 : i32
      %mul3A_473 = arith.muli %mul3A_249, %mul3A_472 : i32
      %add3A_474 = arith.constant 32 : i32
      %add3A_475 = arith.addi %mul3A_473, %add3A_474 : i32
      %get3A_476 = arith.index_cast %add3A_475 : i32 to index
      %get3A_477 = tpu.vector_load %arg19[%get3A_476] {strides = array<i32>} : memref<10128xi32, #tpu.memory_space<vmem>>, vector<16xi32>,
      %swap3A_478 = arith.constant 32 : index
      %swap3A_479 = tpu.vector_load %arg21[%swap3A_478] {strides = array<i32>} : memref<64xi32, #tpu.memory_space<vmem>>, vector<16xi32>,
      tpu.vector_store %arg21[%swap3A_478], %get3A_477 {strides = array<i32>} : memref<64xi32, #tpu.memory_space<vmem>>, vector<16xi32>,
      %mul3A_480 = arith.constant 64 : i32
      %mul3A_481 = arith.muli %mul3A_249, %mul3A_480 : i32
      %add3A_482 = arith.constant 48 : i32
      %add3A_483 = arith.addi %mul3A_481, %add3A_482 : i32
      %get3A_484 = arith.index_cast %add3A_483 : i32 to index
      %get3A_485 = tpu.vector_load %arg19[%get3A_484] {strides = array<i32>} : memref<10128xi32, #tpu.memory_space<vmem>>, vector<16xi32>,
      %swap3A_486 = arith.constant 48 : index
      %swap3A_487 = tpu.vector_load %arg21[%swap3A_486] {strides = array<i32>} : memref<64xi32, #tpu.memory_space<vmem>>, vector<16xi32>,
      tpu.vector_store %arg21[%swap3A_486], %get3A_485 {strides = array<i32>} : memref<64xi32, #tpu.memory_space<vmem>>, vector<16xi32>,
      %scan3A_488 = arith.constant 0 : i32
      %scan3A_489 = arith.constant 0 : i32
      %scan3A_490 = arith.constant 256 : i32
      %scan3A_491 = arith.addi %scan3A_489, %scan3A_490 : i32
      %scan3A_492 = arith.constant 1 : i32
      scf.for %scan3A_742 = %scan3A_489 to %scan3A_491 step %scan3A_492  : i32 {
        %jit3A_743 = arith.constant 4 : i32
        %div3A_744 = arith.divsi %scan3A_742, %jit3A_743 : i32
        %sign3A_745 = arith.constant 0 : i32
        %sign3A_746 = arith.cmpi sgt, %scan3A_742, %sign3A_745 : i32
        %sign3A_747 = arith.extui %sign3A_746 : i1 to i32
        %sign3A_748 = arith.constant 0 : i32
        %sign3A_749 = arith.cmpi slt, %scan3A_742, %sign3A_748 : i32
        %sign3A_750 = arith.extui %sign3A_749 : i1 to i32
        %sign3A_751 = arith.subi %sign3A_747, %sign3A_750 : i32
        %sign3A_752 = arith.constant 0 : i32
        %sign3A_753 = arith.cmpi sgt, %jit3A_743, %sign3A_752 : i32
        %sign3A_754 = arith.extui %sign3A_753 : i1 to i32
        %sign3A_755 = arith.constant 0 : i32
        %sign3A_756 = arith.cmpi slt, %jit3A_743, %sign3A_755 : i32
        %sign3A_757 = arith.extui %sign3A_756 : i1 to i32
        %sign3A_758 = arith.subi %sign3A_754, %sign3A_757 : i32
        %ne3A_759 = arith.cmpi ne, %sign3A_751, %sign3A_758 : i32
        %rem3A_760 = arith.remsi %scan3A_742, %jit3A_743 : i32
        %ne3A_761 = arith.constant 0 : i32
        %ne3A_762 = arith.cmpi ne, %rem3A_760, %ne3A_761 : i32
        %and3A_763 = arith.andi %ne3A_759, %ne3A_762 : i1
        %sub3A_764 = arith.constant 1 : i32
        %sub3A_765 = arith.subi %div3A_744, %sub3A_764 : i32
        %select_n3A_766 = arith.select %and3A_763, %sub3A_765, %div3A_744 : i32
        %jit3A_767 = arith.constant 4 : i32
        %eq3A_768 = arith.constant 0 : i32
        %eq3A_769 = arith.cmpi eq, %jit3A_767, %eq3A_768 : i32
        %jit3A_770 = arith.constant 1 : i32
        %select_n3A_771 = arith.select %eq3A_769, %jit3A_770, %jit3A_767 : i32
        %rem3A_772 = arith.remsi %scan3A_742, %select_n3A_771 : i32
        %ne3A_773 = arith.constant 0 : i32
        %ne3A_774 = arith.cmpi ne, %rem3A_772, %ne3A_773 : i32
        %lt3A_775 = arith.constant 0 : i32
        %lt3A_776 = arith.cmpi slt, %rem3A_772, %lt3A_775 : i32
        %lt3A_777 = arith.constant 0 : i32
        %lt3A_778 = arith.cmpi slt, %select_n3A_771, %lt3A_777 : i32
        %ne3A_779 = arith.xori %lt3A_776, %lt3A_778 : i1
        %and3A_780 = arith.andi %ne3A_779, %ne3A_774 : i1
        %add3A_781 = arith.addi %rem3A_772, %select_n3A_771 : i32
        %select_n3A_782 = arith.select %and3A_780, %add3A_781, %rem3A_772 : i32
        %mul3A_783 = arith.constant 16 : i32
        %mul3A_784 = arith.muli %select_n3A_782, %mul3A_783 : i32
        %get3A_785 = arith.index_cast %select_n3A_766 : i32 to index
        %get3A_786 = arith.index_cast %mul3A_784 : i32 to index
        %get3A_787 = tpu.vector_load %arg25[%get3A_785, %get3A_786] {strides = array<i32>} : memref<64x64xi32, #tpu.memory_space<vmem>>, vector<16xi32>,
        %mul3A_788 = arith.constant 16 : i32
        %mul3A_789 = arith.muli %select_n3A_782, %mul3A_788 : i32
        %get3A_790 = arith.index_cast %select_n3A_766 : i32 to index
        %get3A_791 = arith.index_cast %mul3A_789 : i32 to index
        %get3A_792 = tpu.vector_load %arg26[%get3A_790, %get3A_791] {strides = array<i32>} : memref<64x64xi32, #tpu.memory_space<vmem>>, vector<16xi32>,
        %shift_left3A = arith.constant 16 : i32
        %shift_left3A_793 = vector.broadcast %shift_left3A : i32 to vector<16xi32>
        %shift_left3A_794 = arith.shli %get3A_787, %shift_left3A_793 : vector<16xi32>
        %bitcast_convert_type3A = tpu.bitcast %shift_left3A_794 : vector<16xi32> -> vector<16xf32>
        %shift_left3A_795 = arith.constant 16 : i32
        %shift_left3A_796 = vector.broadcast %shift_left3A_795 : i32 to vector<16xi32>
        %shift_left3A_797 = arith.shli %get3A_792, %shift_left3A_796 : vector<16xi32>
        %bitcast_convert_type3A_798 = tpu.bitcast %shift_left3A_797 : vector<16xi32> -> vector<16xf32>
        %add3A_799 = arith.addf %bitcast_convert_type3A, %bitcast_convert_type3A_798 : vector<16xf32>
        %mul3A_800 = arith.constant 16 : i32
        %mul3A_801 = arith.muli %select_n3A_782, %mul3A_800 : i32
        %swap3A_802 = arith.index_cast %select_n3A_766 : i32 to index
        %swap3A_803 = arith.index_cast %mul3A_801 : i32 to index
        %swap3A_804 = tpu.vector_load %arg31[%swap3A_802, %swap3A_803] {strides = array<i32>} : memref<64x128xf32, #tpu.memory_space<vmem>>, vector<16xf32>,
        tpu.vector_store %arg31[%swap3A_802, %swap3A_803], %add3A_799 {strides = array<i32>} : memref<64x128xf32, #tpu.memory_space<vmem>>, vector<16xf32>,
        %and3A_805 = arith.constant -65536 : i32
        %and3A_806 = vector.broadcast %and3A_805 : i32 to vector<16xi32>
        %and3A_807 = arith.andi %get3A_787, %and3A_806 : vector<16xi32>
        %bitcast_convert_type3A_808 = tpu.bitcast %and3A_807 : vector<16xi32> -> vector<16xf32>
        %and3A_809 = arith.constant -65536 : i32
        %and3A_810 = vector.broadcast %and3A_809 : i32 to vector<16xi32>
        %and3A_811 = arith.andi %get3A_792, %and3A_810 : vector<16xi32>
        %bitcast_convert_type3A_812 = tpu.bitcast %and3A_811 : vector<16xi32> -> vector<16xf32>
        %add3A_813 = arith.addf %bitcast_convert_type3A_808, %bitcast_convert_type3A_812 : vector<16xf32>
        %mul3A_814 = arith.constant 16 : i32
        %mul3A_815 = arith.muli %select_n3A_782, %mul3A_814 : i32
        %add3A_816 = arith.constant 64 : i32
        %add3A_817 = arith.addi %add3A_816, %mul3A_815 : i32
        %swap3A_818 = arith.index_cast %select_n3A_766 : i32 to index
        %swap3A_819 = arith.index_cast %add3A_817 : i32 to index
        %swap3A_820 = tpu.vector_load %arg31[%swap3A_818, %swap3A_819] {strides = array<i32>} : memref<64x128xf32, #tpu.memory_space<vmem>>, vector<16xf32>,
        tpu.vector_store %arg31[%swap3A_818, %swap3A_819], %add3A_813 {strides = array<i32>} : memref<64x128xf32, #tpu.memory_space<vmem>>, vector<16xf32>,
      }
      %scan3A_493 = arith.constant 256 : i32
      "tpu.region"() ({
        %run_scoped3A = tpu.sem_alloc : memref<!tpu.dma_semaphore, #tpu.memory_space<semaphore_mem>>
        %dma_start3A_742 = arith.constant 0 : i32
        %dma_start3A_743 = arith.constant 0 : i32
        %dma_start3A_744 = tpu.memref_slice %arg16[%dma_start3A_742, %dma_start3A_743] : memref<2176x128xf32, #tpu.memory_space<vmem_shared>> -> memref<2176x128xf32, #tpu.memory_space<vmem_shared>>
        tpu.enqueue_indirect_dma source(%arg31 : memref<64x128xf32, #tpu.memory_space<vmem>>) target(%dma_start3A_744 : memref<2176x128xf32, #tpu.memory_space<vmem_shared>>) offsets(%arg21 : memref<64xi32, #tpu.memory_space<vmem>>) semaphore(%run_scoped3A : memref<!tpu.dma_semaphore, #tpu.memory_space<semaphore_mem>>) {add = true}
        %dma_wait3A_745 = arith.constant 0 : i32
        %dma_wait3A_746 = arith.constant 0 : i32
        %dma_wait3A_747 = tpu.memref_slice %arg16[%dma_wait3A_745, %dma_wait3A_746] : memref<2176x128xf32, #tpu.memory_space<vmem_shared>> -> memref<2176x128xf32, #tpu.memory_space<vmem_shared>>
        tpu.wait_indirect_dma semaphore(%run_scoped3A : memref<!tpu.dma_semaphore, #tpu.memory_space<semaphore_mem>>) src(%arg31 : memref<64x128xf32, #tpu.memory_space<vmem>>) dst(%dma_wait3A_747 : memref<2176x128xf32, #tpu.memory_space<vmem_shared>>)
        tpu.yield
      }) : () -> ()
      "tpu.region"() ({
        %run_scoped3A = tpu.sem_alloc : memref<!tpu.dma_semaphore, #tpu.memory_space<semaphore_mem>>
        %dma_start3A_742 = arith.constant 0 : i32
        %dma_start3A_743 = arith.constant 0 : i32
        %dma_start3A_744 = tpu.memref_slice %arg17[%dma_start3A_742, %dma_start3A_743] : memref<2176x16xf32, #tpu.memory_space<vmem_shared>> -> memref<2176x16xf32, #tpu.memory_space<vmem_shared>>
        tpu.enqueue_indirect_dma source(%arg27 : memref<64x16xf32, #tpu.memory_space<vmem>>) target(%dma_start3A_744 : memref<2176x16xf32, #tpu.memory_space<vmem_shared>>) offsets(%arg21 : memref<64xi32, #tpu.memory_space<vmem>>) semaphore(%run_scoped3A : memref<!tpu.dma_semaphore, #tpu.memory_space<semaphore_mem>>) {add = true}
        %dma_wait3A_745 = arith.constant 0 : i32
        %dma_wait3A_746 = arith.constant 0 : i32
        %dma_wait3A_747 = tpu.memref_slice %arg17[%dma_wait3A_745, %dma_wait3A_746] : memref<2176x16xf32, #tpu.memory_space<vmem_shared>> -> memref<2176x16xf32, #tpu.memory_space<vmem_shared>>
        tpu.wait_indirect_dma semaphore(%run_scoped3A : memref<!tpu.dma_semaphore, #tpu.memory_space<semaphore_mem>>) src(%arg27 : memref<64x16xf32, #tpu.memory_space<vmem>>) dst(%dma_wait3A_747 : memref<2176x16xf32, #tpu.memory_space<vmem_shared>>)
        tpu.yield
      }) : () -> ()
      %add3A_494 = arith.constant 2 : i32
      %add3A_495 = arith.addi %mul3A_249, %add3A_494 : i32
      %mul3A_496 = arith.constant 64 : i32
      %mul3A_497 = arith.muli %add3A_495, %mul3A_496 : i32
      %dma_start3A_498 = tpu.memref_slice %arg18[%mul3A_497] : memref<10128xi32, #tpu.memory_space<vmem>> -> memref<64xi32, #tpu.memory_space<vmem>>
      %dma_start3A_499 = arith.constant 0 : i32
      %dma_start3A_500 = arith.constant 0 : i32
      %dma_start3A_501 = tpu.memref_slice %arg2[%dma_start3A_499, %dma_start3A_500] : memref<10000x64xi32, #tpu.memory_space<hbm>> -> memref<10000x64xi32, #tpu.memory_space<hbm>>
      tpu.enqueue_indirect_dma source(%dma_start3A_501 : memref<10000x64xi32, #tpu.memory_space<hbm>>) target(%arg25 : memref<64x64xi32, #tpu.memory_space<vmem>>) offsets(%dma_start3A_498 : memref<64xi32, #tpu.memory_space<vmem>>) semaphore(%arg34 : memref<!tpu.dma_semaphore, #tpu.memory_space<semaphore_mem>>)
      %mul3A_502 = arith.constant 64 : i32
      %mul3A_503 = arith.muli %add3A_495, %mul3A_502 : i32
      %jit3A_504 = arith.constant 2048 : i32
      %div3A_505 = arith.divsi %mul3A_503, %jit3A_504 : i32
      %sign3A_506 = arith.constant 0 : i32
      %sign3A_507 = arith.cmpi sgt, %mul3A_503, %sign3A_506 : i32
      %sign3A_508 = arith.extui %sign3A_507 : i1 to i32
      %sign3A_509 = arith.constant 0 : i32
      %sign3A_510 = arith.cmpi slt, %mul3A_503, %sign3A_509 : i32
      %sign3A_511 = arith.extui %sign3A_510 : i1 to i32
      %sign3A_512 = arith.subi %sign3A_508, %sign3A_511 : i32
      %sign3A_513 = arith.constant 0 : i32
      %sign3A_514 = arith.cmpi sgt, %jit3A_504, %sign3A_513 : i32
      %sign3A_515 = arith.extui %sign3A_514 : i1 to i32
      %sign3A_516 = arith.constant 0 : i32
      %sign3A_517 = arith.cmpi slt, %jit3A_504, %sign3A_516 : i32
      %sign3A_518 = arith.extui %sign3A_517 : i1 to i32
      %sign3A_519 = arith.subi %sign3A_515, %sign3A_518 : i32
      %ne3A_520 = arith.cmpi ne, %sign3A_512, %sign3A_519 : i32
      %rem3A_521 = arith.remsi %mul3A_503, %jit3A_504 : i32
      %ne3A_522 = arith.constant 0 : i32
      %ne3A_523 = arith.cmpi ne, %rem3A_521, %ne3A_522 : i32
      %and3A_524 = arith.andi %ne3A_520, %ne3A_523 : i1
      %sub3A_525 = arith.constant 1 : i32
      %sub3A_526 = arith.subi %div3A_505, %sub3A_525 : i32
      %select_n3A_527 = arith.select %and3A_524, %sub3A_526, %div3A_505 : i32
      %jit3A_528 = arith.constant 2048 : i32
      %eq3A_529 = arith.constant 0 : i32
      %eq3A_530 = arith.cmpi eq, %jit3A_528, %eq3A_529 : i32
      %jit3A_531 = arith.constant 1 : i32
      %select_n3A_532 = arith.select %eq3A_530, %jit3A_531, %jit3A_528 : i32
      %rem3A_533 = arith.remsi %mul3A_503, %select_n3A_532 : i32
      %ne3A_534 = arith.constant 0 : i32
      %ne3A_535 = arith.cmpi ne, %rem3A_533, %ne3A_534 : i32
      %lt3A_536 = arith.constant 0 : i32
      %lt3A_537 = arith.cmpi slt, %rem3A_533, %lt3A_536 : i32
      %lt3A_538 = arith.constant 0 : i32
      %lt3A_539 = arith.cmpi slt, %select_n3A_532, %lt3A_538 : i32
      %ne3A_540 = arith.xori %lt3A_537, %lt3A_539 : i1
      %and3A_541 = arith.andi %ne3A_540, %ne3A_535 : i1
      %add3A_542 = arith.addi %rem3A_533, %select_n3A_532 : i32
      %select_n3A_543 = arith.select %and3A_541, %add3A_542, %rem3A_533 : i32
      %jit3A_544 = arith.constant 1024 : i32
      %div3A_545 = arith.divsi %select_n3A_543, %jit3A_544 : i32
      %sign3A_546 = arith.constant 0 : i32
      %sign3A_547 = arith.cmpi sgt, %select_n3A_543, %sign3A_546 : i32
      %sign3A_548 = arith.extui %sign3A_547 : i1 to i32
      %sign3A_549 = arith.constant 0 : i32
      %sign3A_550 = arith.cmpi slt, %select_n3A_543, %sign3A_549 : i32
      %sign3A_551 = arith.extui %sign3A_550 : i1 to i32
      %sign3A_552 = arith.subi %sign3A_548, %sign3A_551 : i32
      %sign3A_553 = arith.constant 0 : i32
      %sign3A_554 = arith.cmpi sgt, %jit3A_544, %sign3A_553 : i32
      %sign3A_555 = arith.extui %sign3A_554 : i1 to i32
      %sign3A_556 = arith.constant 0 : i32
      %sign3A_557 = arith.cmpi slt, %jit3A_544, %sign3A_556 : i32
      %sign3A_558 = arith.extui %sign3A_557 : i1 to i32
      %sign3A_559 = arith.subi %sign3A_555, %sign3A_558 : i32
      %ne3A_560 = arith.cmpi ne, %sign3A_552, %sign3A_559 : i32
      %rem3A_561 = arith.remsi %select_n3A_543, %jit3A_544 : i32
      %ne3A_562 = arith.constant 0 : i32
      %ne3A_563 = arith.cmpi ne, %rem3A_561, %ne3A_562 : i32
      %and3A_564 = arith.andi %ne3A_560, %ne3A_563 : i1
      %sub3A_565 = arith.constant 1 : i32
      %sub3A_566 = arith.subi %div3A_545, %sub3A_565 : i32
      %select_n3A_567 = arith.select %and3A_564, %sub3A_566, %div3A_545 : i32
      %mul3A_568 = arith.constant 1024 : i32
      %mul3A_569 = arith.muli %select_n3A_527, %mul3A_568 : i32
      %add3A_570 = arith.addi %mul3A_24, %mul3A_569 : i32
      %jit3A_571 = arith.constant 1024 : i32
      %eq3A_572 = arith.constant 0 : i32
      %eq3A_573 = arith.cmpi eq, %jit3A_571, %eq3A_572 : i32
      %jit3A_574 = arith.constant 1 : i32
      %select_n3A_575 = arith.select %eq3A_573, %jit3A_574, %jit3A_571 : i32
      %rem3A_576 = arith.remsi %select_n3A_543, %select_n3A_575 : i32
      %ne3A_577 = arith.constant 0 : i32
      %ne3A_578 = arith.cmpi ne, %rem3A_576, %ne3A_577 : i32
      %lt3A_579 = arith.constant 0 : i32
      %lt3A_580 = arith.cmpi slt, %rem3A_576, %lt3A_579 : i32
      %lt3A_581 = arith.constant 0 : i32
      %lt3A_582 = arith.cmpi slt, %select_n3A_575, %lt3A_581 : i32
      %ne3A_583 = arith.xori %lt3A_580, %lt3A_582 : i1
      %and3A_584 = arith.andi %ne3A_583, %ne3A_578 : i1
      %add3A_585 = arith.addi %rem3A_576, %select_n3A_575 : i32
      %select_n3A_586 = arith.select %and3A_584, %add3A_585, %rem3A_576 : i32
      %add3A_587 = arith.addi %add3A_570, %select_n3A_586 : i32
      %mul3A_588 = arith.constant 64 : i32
      %mul3A_589 = arith.muli %select_n3A_567, %mul3A_588 : i32
      %dma_start3A_590 = tpu.memref_slice %arg3[%add3A_587, %mul3A_589] : memref<163840x128xi32, #tpu.memory_space<hbm>> -> memref<64x64xi32, #tpu.memory_space<hbm>>
      %dma_start3A_591 = tpu.memref_slice %arg3[%add3A_587, %mul3A_589] : memref<163840x128xi32, #tpu.memory_space<hbm>> -> memref<64x64xi32, #tpu.memory_space<hbm>>
      tpu.enqueue_dma source(%dma_start3A_591 : memref<64x64xi32, #tpu.memory_space<hbm>>) target(%arg26 : memref<64x64xi32, #tpu.memory_space<vmem>>) target_semaphore(%arg35 : memref<!tpu.dma_semaphore, #tpu.memory_space<semaphore_mem>>)
      %mul3A_592 = arith.constant 64 : i32
      %mul3A_593 = arith.muli %add3A_495, %mul3A_592 : i32
      %dma_start3A_594 = tpu.memref_slice %arg20[%mul3A_593] : memref<10128xi32, #tpu.memory_space<vmem>> -> memref<64xi32, #tpu.memory_space<vmem>>
      %dma_start3A_595 = arith.constant 0 : i32
      %dma_start3A_596 = arith.constant 0 : i32
      %dma_start3A_597 = tpu.memref_slice %arg4[%dma_start3A_595, %dma_start3A_596] : memref<320000x16xf32, #tpu.memory_space<hbm>> -> memref<320000x16xf32, #tpu.memory_space<hbm>>
      tpu.enqueue_indirect_dma source(%dma_start3A_597 : memref<320000x16xf32, #tpu.memory_space<hbm>>) target(%arg27 : memref<64x16xf32, #tpu.memory_space<vmem>>) offsets(%dma_start3A_594 : memref<64xi32, #tpu.memory_space<vmem>>) semaphore(%arg36 : memref<!tpu.dma_semaphore, #tpu.memory_space<semaphore_mem>>)
      %add3A_598 = arith.constant 1 : i32
      %add3A_599 = arith.addi %mul3A_249, %add3A_598 : i32
      %mul3A_600 = arith.constant 64 : i32
      %mul3A_601 = arith.muli %add3A_599, %mul3A_600 : i32
      %dma_wait3A_602 = tpu.memref_slice %arg18[%mul3A_601] : memref<10128xi32, #tpu.memory_space<vmem>> -> memref<64xi32, #tpu.memory_space<vmem>>
      %dma_wait3A_603 = arith.constant 0 : i32
      %dma_wait3A_604 = arith.constant 0 : i32
      %dma_wait3A_605 = tpu.memref_slice %arg2[%dma_wait3A_603, %dma_wait3A_604] : memref<10000x64xi32, #tpu.memory_space<hbm>> -> memref<10000x64xi32, #tpu.memory_space<hbm>>
      tpu.wait_indirect_dma semaphore(%arg37 : memref<!tpu.dma_semaphore, #tpu.memory_space<semaphore_mem>>) src(%dma_wait3A_605 : memref<10000x64xi32, #tpu.memory_space<hbm>>) dst(%arg28 : memref<64x64xi32, #tpu.memory_space<vmem>>)
      %mul3A_606 = arith.constant 64 : i32
      %mul3A_607 = arith.muli %add3A_599, %mul3A_606 : i32
      %jit3A_608 = arith.constant 2048 : i32
      %div3A_609 = arith.divsi %mul3A_607, %jit3A_608 : i32
      %sign3A_610 = arith.constant 0 : i32
      %sign3A_611 = arith.cmpi sgt, %mul3A_607, %sign3A_610 : i32
      %sign3A_612 = arith.extui %sign3A_611 : i1 to i32
      %sign3A_613 = arith.constant 0 : i32
      %sign3A_614 = arith.cmpi slt, %mul3A_607, %sign3A_613 : i32
      %sign3A_615 = arith.extui %sign3A_614 : i1 to i32
      %sign3A_616 = arith.subi %sign3A_612, %sign3A_615 : i32
      %sign3A_617 = arith.constant 0 : i32
      %sign3A_618 = arith.cmpi sgt, %jit3A_608, %sign3A_617 : i32
      %sign3A_619 = arith.extui %sign3A_618 : i1 to i32
      %sign3A_620 = arith.constant 0 : i32
      %sign3A_621 = arith.cmpi slt, %jit3A_608, %sign3A_620 : i32
      %sign3A_622 = arith.extui %sign3A_621 : i1 to i32
      %sign3A_623 = arith.subi %sign3A_619, %sign3A_622 : i32
      %ne3A_624 = arith.cmpi ne, %sign3A_616, %sign3A_623 : i32
      %rem3A_625 = arith.remsi %mul3A_607, %jit3A_608 : i32
      %ne3A_626 = arith.constant 0 : i32
      %ne3A_627 = arith.cmpi ne, %rem3A_625, %ne3A_626 : i32
      %and3A_628 = arith.andi %ne3A_624, %ne3A_627 : i1
      %sub3A_629 = arith.constant 1 : i32
      %sub3A_630 = arith.subi %div3A_609, %sub3A_629 : i32
      %select_n3A_631 = arith.select %and3A_628, %sub3A_630, %div3A_609 : i32
      %jit3A_632 = arith.constant 2048 : i32
      %eq3A_633 = arith.constant 0 : i32
      %eq3A_634 = arith.cmpi eq, %jit3A_632, %eq3A_633 : i32
      %jit3A_635 = arith.constant 1 : i32
      %select_n3A_636 = arith.select %eq3A_634, %jit3A_635, %jit3A_632 : i32
      %rem3A_637 = arith.remsi %mul3A_607, %select_n3A_636 : i32
      %ne3A_638 = arith.constant 0 : i32
      %ne3A_639 = arith.cmpi ne, %rem3A_637, %ne3A_638 : i32
      %lt3A_640 = arith.constant 0 : i32
      %lt3A_641 = arith.cmpi slt, %rem3A_637, %lt3A_640 : i32
      %lt3A_642 = arith.constant 0 : i32
      %lt3A_643 = arith.cmpi slt, %select_n3A_636, %lt3A_642 : i32
      %ne3A_644 = arith.xori %lt3A_641, %lt3A_643 : i1
      %and3A_645 = arith.andi %ne3A_644, %ne3A_639 : i1
      %add3A_646 = arith.addi %rem3A_637, %select_n3A_636 : i32
      %select_n3A_647 = arith.select %and3A_645, %add3A_646, %rem3A_637 : i32
      %jit3A_648 = arith.constant 1024 : i32
      %div3A_649 = arith.divsi %select_n3A_647, %jit3A_648 : i32
      %sign3A_650 = arith.constant 0 : i32
      %sign3A_651 = arith.cmpi sgt, %select_n3A_647, %sign3A_650 : i32
      %sign3A_652 = arith.extui %sign3A_651 : i1 to i32
      %sign3A_653 = arith.constant 0 : i32
      %sign3A_654 = arith.cmpi slt, %select_n3A_647, %sign3A_653 : i32
      %sign3A_655 = arith.extui %sign3A_654 : i1 to i32
      %sign3A_656 = arith.subi %sign3A_652, %sign3A_655 : i32
      %sign3A_657 = arith.constant 0 : i32
      %sign3A_658 = arith.cmpi sgt, %jit3A_648, %sign3A_657 : i32
      %sign3A_659 = arith.extui %sign3A_658 : i1 to i32
      %sign3A_660 = arith.constant 0 : i32
      %sign3A_661 = arith.cmpi slt, %jit3A_648, %sign3A_660 : i32
      %sign3A_662 = arith.extui %sign3A_661 : i1 to i32
      %sign3A_663 = arith.subi %sign3A_659, %sign3A_662 : i32
      %ne3A_664 = arith.cmpi ne, %sign3A_656, %sign3A_663 : i32
      %rem3A_665 = arith.remsi %select_n3A_647, %jit3A_648 : i32
      %ne3A_666 = arith.constant 0 : i32
      %ne3A_667 = arith.cmpi ne, %rem3A_665, %ne3A_666 : i32
      %and3A_668 = arith.andi %ne3A_664, %ne3A_667 : i1
      %sub3A_669 = arith.constant 1 : i32
      %sub3A_670 = arith.subi %div3A_649, %sub3A_669 : i32
      %select_n3A_671 = arith.select %and3A_668, %sub3A_670, %div3A_649 : i32
      %mul3A_672 = arith.constant 1024 : i32
      %mul3A_673 = arith.muli %select_n3A_631, %mul3A_672 : i32
      %add3A_674 = arith.addi %mul3A_24, %mul3A_673 : i32
      %jit3A_675 = arith.constant 1024 : i32
      %eq3A_676 = arith.constant 0 : i32
      %eq3A_677 = arith.cmpi eq, %jit3A_675, %eq3A_676 : i32
      %jit3A_678 = arith.constant 1 : i32
      %select_n3A_679 = arith.select %eq3A_677, %jit3A_678, %jit3A_675 : i32
      %rem3A_680 = arith.remsi %select_n3A_647, %select_n3A_679 : i32
      %ne3A_681 = arith.constant 0 : i32
      %ne3A_682 = arith.cmpi ne, %rem3A_680, %ne3A_681 : i32
      %lt3A_683 = arith.constant 0 : i32
      %lt3A_684 = arith.cmpi slt, %rem3A_680, %lt3A_683 : i32
      %lt3A_685 = arith.constant 0 : i32
      %lt3A_686 = arith.cmpi slt, %select_n3A_679, %lt3A_685 : i32
      %ne3A_687 = arith.xori %lt3A_684, %lt3A_686 : i1
      %and3A_688 = arith.andi %ne3A_687, %ne3A_682 : i1
      %add3A_689 = arith.addi %rem3A_680, %select_n3A_679 : i32
      %select_n3A_690 = arith.select %and3A_688, %add3A_689, %rem3A_680 : i32
      %add3A_691 = arith.addi %add3A_674, %select_n3A_690 : i32
      %mul3A_692 = arith.constant 64 : i32
      %mul3A_693 = arith.muli %select_n3A_671, %mul3A_692 : i32
      %dma_wait3A_694 = tpu.memref_slice %arg3[%add3A_691, %mul3A_693] : memref<163840x128xi32, #tpu.memory_space<hbm>> -> memref<64x64xi32, #tpu.memory_space<hbm>>
      %dma_wait3A_695 = tpu.memref_slice %arg3[%add3A_691, %mul3A_693] : memref<163840x128xi32, #tpu.memory_space<hbm>> -> memref<64x64xi32, #tpu.memory_space<hbm>>
      tpu.wait_dma2 semaphore(%arg38 : memref<!tpu.dma_semaphore, #tpu.memory_space<semaphore_mem>>) src(%dma_wait3A_695 : memref<64x64xi32, #tpu.memory_space<hbm>>) dst(%arg29 : memref<64x64xi32, #tpu.memory_space<vmem>>)
      %mul3A_696 = arith.constant 64 : i32
      %mul3A_697 = arith.muli %add3A_599, %mul3A_696 : i32
      %dma_wait3A_698 = tpu.memref_slice %arg20[%mul3A_697] : memref<10128xi32, #tpu.memory_space<vmem>> -> memref<64xi32, #tpu.memory_space<vmem>>
      %dma_wait3A_699 = arith.constant 0 : i32
      %dma_wait3A_700 = arith.constant 0 : i32
      %dma_wait3A_701 = tpu.memref_slice %arg4[%dma_wait3A_699, %dma_wait3A_700] : memref<320000x16xf32, #tpu.memory_space<hbm>> -> memref<320000x16xf32, #tpu.memory_space<hbm>>
      tpu.wait_indirect_dma semaphore(%arg39 : memref<!tpu.dma_semaphore, #tpu.memory_space<semaphore_mem>>) src(%dma_wait3A_701 : memref<320000x16xf32, #tpu.memory_space<hbm>>) dst(%arg30 : memref<64x16xf32, #tpu.memory_space<vmem>>)
      %add3A_702 = arith.constant 1 : i32
      %add3A_703 = arith.addi %mul3A_249, %add3A_702 : i32
      %mul3A_704 = arith.constant 64 : i32
      %mul3A_705 = arith.muli %add3A_703, %mul3A_704 : i32
      %add3A_706 = arith.constant 0 : i32
      %add3A_707 = arith.addi %mul3A_705, %add3A_706 : i32
      %get3A_708 = arith.index_cast %add3A_707 : i32 to index
      %get3A_709 = tpu.vector_load %arg19[%get3A_708] {strides = array<i32>} : memref<10128xi32, #tpu.memory_space<vmem>>, vector<16xi32>,
      %swap3A_710 = arith.constant 0 : index
      %swap3A_711 = tpu.vector_load %arg21[%swap3A_710] {strides = array<i32>} : memref<64xi32, #tpu.memory_space<vmem>>, vector<16xi32>,
      tpu.vector_store %arg21[%swap3A_710], %get3A_709 {strides = array<i32>} : memref<64xi32, #tpu.memory_space<vmem>>, vector<16xi32>,
      %mul3A_712 = arith.constant 64 : i32
      %mul3A_713 = arith.muli %add3A_703, %mul3A_712 : i32
      %add3A_714 = arith.constant 16 : i32
      %add3A_715 = arith.addi %mul3A_713, %add3A_714 : i32
      %get3A_716 = arith.index_cast %add3A_715 : i32 to index
      %get3A_717 = tpu.vector_load %arg19[%get3A_716] {strides = array<i32>} : memref<10128xi32, #tpu.memory_space<vmem>>, vector<16xi32>,
      %swap3A_718 = arith.constant 16 : index
      %swap3A_719 = tpu.vector_load %arg21[%swap3A_718] {strides = array<i32>} : memref<64xi32, #tpu.memory_space<vmem>>, vector<16xi32>,
      tpu.vector_store %arg21[%swap3A_718], %get3A_717 {strides = array<i32>} : memref<64xi32, #tpu.memory_space<vmem>>, vector<16xi32>,
      %mul3A_720 = arith.constant 64 : i32
      %mul3A_721 = arith.muli %add3A_703, %mul3A_720 : i32
      %add3A_722 = arith.constant 32 : i32
      %add3A_723 = arith.addi %mul3A_721, %add3A_722 : i32
      %get3A_724 = arith.index_cast %add3A_723 : i32 to index
      %get3A_725 = tpu.vector_load %arg19[%get3A_724] {strides = array<i32>} : memref<10128xi32, #tpu.memory_space<vmem>>, vector<16xi32>,
      %swap3A_726 = arith.constant 32 : index
      %swap3A_727 = tpu.vector_load %arg21[%swap3A_726] {strides = array<i32>} : memref<64xi32, #tpu.memory_space<vmem>>, vector<16xi32>,
      tpu.vector_store %arg21[%swap3A_726], %get3A_725 {strides = array<i32>} : memref<64xi32, #tpu.memory_space<vmem>>, vector<16xi32>,
      %mul3A_728 = arith.constant 64 : i32
      %mul3A_729 = arith.muli %add3A_703, %mul3A_728 : i32
      %add3A_730 = arith.constant 48 : i32
      %add3A_731 = arith.addi %mul3A_729, %add3A_730 : i32
      %get3A_732 = arith.index_cast %add3A_731 : i32 to index
      %get3A_733 = tpu.vector_load %arg19[%get3A_732] {strides = array<i32>} : memref<10128xi32, #tpu.memory_space<vmem>>, vector<16xi32>,
      %swap3A_734 = arith.constant 48 : index
      %swap3A_735 = tpu.vector_load %arg21[%swap3A_734] {strides = array<i32>} : memref<64xi32, #tpu.memory_space<vmem>>, vector<16xi32>,
      tpu.vector_store %arg21[%swap3A_734], %get3A_733 {strides = array<i32>} : memref<64xi32, #tpu.memory_space<vmem>>, vector<16xi32>,
      %scan3A_736 = arith.constant 0 : i32
      %scan3A_737 = arith.constant 0 : i32
      %scan3A_738 = arith.constant 256 : i32
      %scan3A_739 = arith.addi %scan3A_737, %scan3A_738 : i32
      %scan3A_740 = arith.constant 1 : i32
      scf.for %scan3A_742 = %scan3A_737 to %scan3A_739 step %scan3A_740  : i32 {
        %jit3A_743 = arith.constant 4 : i32
        %div3A_744 = arith.divsi %scan3A_742, %jit3A_743 : i32
        %sign3A_745 = arith.constant 0 : i32
        %sign3A_746 = arith.cmpi sgt, %scan3A_742, %sign3A_745 : i32
        %sign3A_747 = arith.extui %sign3A_746 : i1 to i32
        %sign3A_748 = arith.constant 0 : i32
        %sign3A_749 = arith.cmpi slt, %scan3A_742, %sign3A_748 : i32
        %sign3A_750 = arith.extui %sign3A_749 : i1 to i32
        %sign3A_751 = arith.subi %sign3A_747, %sign3A_750 : i32
        %sign3A_752 = arith.constant 0 : i32
        %sign3A_753 = arith.cmpi sgt, %jit3A_743, %sign3A_752 : i32
        %sign3A_754 = arith.extui %sign3A_753 : i1 to i32
        %sign3A_755 = arith.constant 0 : i32
        %sign3A_756 = arith.cmpi slt, %jit3A_743, %sign3A_755 : i32
        %sign3A_757 = arith.extui %sign3A_756 : i1 to i32
        %sign3A_758 = arith.subi %sign3A_754, %sign3A_757 : i32
        %ne3A_759 = arith.cmpi ne, %sign3A_751, %sign3A_758 : i32
        %rem3A_760 = arith.remsi %scan3A_742, %jit3A_743 : i32
        %ne3A_761 = arith.constant 0 : i32
        %ne3A_762 = arith.cmpi ne, %rem3A_760, %ne3A_761 : i32
        %and3A_763 = arith.andi %ne3A_759, %ne3A_762 : i1
        %sub3A_764 = arith.constant 1 : i32
        %sub3A_765 = arith.subi %div3A_744, %sub3A_764 : i32
        %select_n3A_766 = arith.select %and3A_763, %sub3A_765, %div3A_744 : i32
        %jit3A_767 = arith.constant 4 : i32
        %eq3A_768 = arith.constant 0 : i32
        %eq3A_769 = arith.cmpi eq, %jit3A_767, %eq3A_768 : i32
        %jit3A_770 = arith.constant 1 : i32
        %select_n3A_771 = arith.select %eq3A_769, %jit3A_770, %jit3A_767 : i32
        %rem3A_772 = arith.remsi %scan3A_742, %select_n3A_771 : i32
        %ne3A_773 = arith.constant 0 : i32
        %ne3A_774 = arith.cmpi ne, %rem3A_772, %ne3A_773 : i32
        %lt3A_775 = arith.constant 0 : i32
        %lt3A_776 = arith.cmpi slt, %rem3A_772, %lt3A_775 : i32
        %lt3A_777 = arith.constant 0 : i32
        %lt3A_778 = arith.cmpi slt, %select_n3A_771, %lt3A_777 : i32
        %ne3A_779 = arith.xori %lt3A_776, %lt3A_778 : i1
        %and3A_780 = arith.andi %ne3A_779, %ne3A_774 : i1
        %add3A_781 = arith.addi %rem3A_772, %select_n3A_771 : i32
        %select_n3A_782 = arith.select %and3A_780, %add3A_781, %rem3A_772 : i32
        %mul3A_783 = arith.constant 16 : i32
        %mul3A_784 = arith.muli %select_n3A_782, %mul3A_783 : i32
        %get3A_785 = arith.index_cast %select_n3A_766 : i32 to index
        %get3A_786 = arith.index_cast %mul3A_784 : i32 to index
        %get3A_787 = tpu.vector_load %arg28[%get3A_785, %get3A_786] {strides = array<i32>} : memref<64x64xi32, #tpu.memory_space<vmem>>, vector<16xi32>,
        %mul3A_788 = arith.constant 16 : i32
        %mul3A_789 = arith.muli %select_n3A_782, %mul3A_788 : i32
        %get3A_790 = arith.index_cast %select_n3A_766 : i32 to index
        %get3A_791 = arith.index_cast %mul3A_789 : i32 to index
        %get3A_792 = tpu.vector_load %arg29[%get3A_790, %get3A_791] {strides = array<i32>} : memref<64x64xi32, #tpu.memory_space<vmem>>, vector<16xi32>,
        %shift_left3A = arith.constant 16 : i32
        %shift_left3A_793 = vector.broadcast %shift_left3A : i32 to vector<16xi32>
        %shift_left3A_794 = arith.shli %get3A_787, %shift_left3A_793 : vector<16xi32>
        %bitcast_convert_type3A = tpu.bitcast %shift_left3A_794 : vector<16xi32> -> vector<16xf32>
        %shift_left3A_795 = arith.constant 16 : i32
        %shift_left3A_796 = vector.broadcast %shift_left3A_795 : i32 to vector<16xi32>
        %shift_left3A_797 = arith.shli %get3A_792, %shift_left3A_796 : vector<16xi32>
        %bitcast_convert_type3A_798 = tpu.bitcast %shift_left3A_797 : vector<16xi32> -> vector<16xf32>
        %add3A_799 = arith.addf %bitcast_convert_type3A, %bitcast_convert_type3A_798 : vector<16xf32>
        %mul3A_800 = arith.constant 16 : i32
        %mul3A_801 = arith.muli %select_n3A_782, %mul3A_800 : i32
        %swap3A_802 = arith.index_cast %select_n3A_766 : i32 to index
        %swap3A_803 = arith.index_cast %mul3A_801 : i32 to index
        %swap3A_804 = tpu.vector_load %arg31[%swap3A_802, %swap3A_803] {strides = array<i32>} : memref<64x128xf32, #tpu.memory_space<vmem>>, vector<16xf32>,
        tpu.vector_store %arg31[%swap3A_802, %swap3A_803], %add3A_799 {strides = array<i32>} : memref<64x128xf32, #tpu.memory_space<vmem>>, vector<16xf32>,
        %and3A_805 = arith.constant -65536 : i32
        %and3A_806 = vector.broadcast %and3A_805 : i32 to vector<16xi32>
        %and3A_807 = arith.andi %get3A_787, %and3A_806 : vector<16xi32>
        %bitcast_convert_type3A_808 = tpu.bitcast %and3A_807 : vector<16xi32> -> vector<16xf32>
        %and3A_809 = arith.constant -65536 : i32
        %and3A_810 = vector.broadcast %and3A_809 : i32 to vector<16xi32>
        %and3A_811 = arith.andi %get3A_792, %and3A_810 : vector<16xi32>
        %bitcast_convert_type3A_812 = tpu.bitcast %and3A_811 : vector<16xi32> -> vector<16xf32>
        %add3A_813 = arith.addf %bitcast_convert_type3A_808, %bitcast_convert_type3A_812 : vector<16xf32>
        %mul3A_814 = arith.constant 16 : i32
        %mul3A_815 = arith.muli %select_n3A_782, %mul3A_814 : i32
        %add3A_816 = arith.constant 64 : i32
        %add3A_817 = arith.addi %add3A_816, %mul3A_815 : i32
        %swap3A_818 = arith.index_cast %select_n3A_766 : i32 to index
        %swap3A_819 = arith.index_cast %add3A_817 : i32 to index
        %swap3A_820 = tpu.vector_load %arg31[%swap3A_818, %swap3A_819] {strides = array<i32>} : memref<64x128xf32, #tpu.memory_space<vmem>>, vector<16xf32>,
        tpu.vector_store %arg31[%swap3A_818, %swap3A_819], %add3A_813 {strides = array<i32>} : memref<64x128xf32, #tpu.memory_space<vmem>>, vector<16xf32>,
      }
      %scan3A_741 = arith.constant 256 : i32
      "tpu.region"() ({
        %run_scoped3A = tpu.sem_alloc : memref<!tpu.dma_semaphore, #tpu.memory_space<semaphore_mem>>
        %dma_start3A_742 = arith.constant 0 : i32
        %dma_start3A_743 = arith.constant 0 : i32
        %dma_start3A_744 = tpu.memref_slice %arg16[%dma_start3A_742, %dma_start3A_743] : memref<2176x128xf32, #tpu.memory_space<vmem_shared>> -> memref<2176x128xf32, #tpu.memory_space<vmem_shared>>
        tpu.enqueue_indirect_dma source(%arg31 : memref<64x128xf32, #tpu.memory_space<vmem>>) target(%dma_start3A_744 : memref<2176x128xf32, #tpu.memory_space<vmem_shared>>) offsets(%arg21 : memref<64xi32, #tpu.memory_space<vmem>>) semaphore(%run_scoped3A : memref<!tpu.dma_semaphore, #tpu.memory_space<semaphore_mem>>) {add = true}
        %dma_wait3A_745 = arith.constant 0 : i32
        %dma_wait3A_746 = arith.constant 0 : i32
        %dma_wait3A_747 = tpu.memref_slice %arg16[%dma_wait3A_745, %dma_wait3A_746] : memref<2176x128xf32, #tpu.memory_space<vmem_shared>> -> memref<2176x128xf32, #tpu.memory_space<vmem_shared>>
        tpu.wait_indirect_dma semaphore(%run_scoped3A : memref<!tpu.dma_semaphore, #tpu.memory_space<semaphore_mem>>) src(%arg31 : memref<64x128xf32, #tpu.memory_space<vmem>>) dst(%dma_wait3A_747 : memref<2176x128xf32, #tpu.memory_space<vmem_shared>>)
        tpu.yield
      }) : () -> ()
      "tpu.region"() ({
        %run_scoped3A = tpu.sem_alloc : memref<!tpu.dma_semaphore, #tpu.memory_space<semaphore_mem>>
        %dma_start3A_742 = arith.constant 0 : i32
        %dma_start3A_743 = arith.constant 0 : i32
        %dma_start3A_744 = tpu.memref_slice %arg17[%dma_start3A_742, %dma_start3A_743] : memref<2176x16xf32, #tpu.memory_space<vmem_shared>> -> memref<2176x16xf32, #tpu.memory_space<vmem_shared>>
        tpu.enqueue_indirect_dma source(%arg30 : memref<64x16xf32, #tpu.memory_space<vmem>>) target(%dma_start3A_744 : memref<2176x16xf32, #tpu.memory_space<vmem_shared>>) offsets(%arg21 : memref<64xi32, #tpu.memory_space<vmem>>) semaphore(%run_scoped3A : memref<!tpu.dma_semaphore, #tpu.memory_space<semaphore_mem>>) {add = true}
        %dma_wait3A_745 = arith.constant 0 : i32
        %dma_wait3A_746 = arith.constant 0 : i32
        %dma_wait3A_747 = tpu.memref_slice %arg17[%dma_wait3A_745, %dma_wait3A_746] : memref<2176x16xf32, #tpu.memory_space<vmem_shared>> -> memref<2176x16xf32, #tpu.memory_space<vmem_shared>>
        tpu.wait_indirect_dma semaphore(%run_scoped3A : memref<!tpu.dma_semaphore, #tpu.memory_space<semaphore_mem>>) src(%arg30 : memref<64x16xf32, #tpu.memory_space<vmem>>) dst(%dma_wait3A_747 : memref<2176x16xf32, #tpu.memory_space<vmem_shared>>)
        tpu.yield
      }) : () -> ()
    }
    %while3A_96 = arith.constant 1 : i32
    scf.for %while3A_247 = %while3A_94 to %while3A_90 step %while3A_96  : i32 {
      %mul3A_248 = arith.constant 2 : i32
      %mul3A_249 = arith.muli %mul3A_248, %while3A_247 : i32
      %add3A_250 = arith.constant 1 : i32
      %add3A_251 = arith.addi %mul3A_249, %add3A_250 : i32
      %mul3A_252 = arith.constant 64 : i32
      %mul3A_253 = arith.muli %add3A_251, %mul3A_252 : i32
      %dma_start3A_254 = tpu.memref_slice %arg18[%mul3A_253] : memref<10128xi32, #tpu.memory_space<vmem>> -> memref<64xi32, #tpu.memory_space<vmem>>
      %dma_start3A_255 = arith.constant 0 : i32
      %dma_start3A_256 = arith.constant 0 : i32
      %dma_start3A_257 = tpu.memref_slice %arg2[%dma_start3A_255, %dma_start3A_256] : memref<10000x64xi32, #tpu.memory_space<hbm>> -> memref<10000x64xi32, #tpu.memory_space<hbm>>
      tpu.enqueue_indirect_dma source(%dma_start3A_257 : memref<10000x64xi32, #tpu.memory_space<hbm>>) target(%arg28 : memref<64x64xi32, #tpu.memory_space<vmem>>) offsets(%dma_start3A_254 : memref<64xi32, #tpu.memory_space<vmem>>) semaphore(%arg37 : memref<!tpu.dma_semaphore, #tpu.memory_space<semaphore_mem>>)
      %mul3A_258 = arith.constant 64 : i32
      %mul3A_259 = arith.muli %add3A_251, %mul3A_258 : i32
      %jit3A_260 = arith.constant 2048 : i32
      %div3A_261 = arith.divsi %mul3A_259, %jit3A_260 : i32
      %sign3A_262 = arith.constant 0 : i32
      %sign3A_263 = arith.cmpi sgt, %mul3A_259, %sign3A_262 : i32
      %sign3A_264 = arith.extui %sign3A_263 : i1 to i32
      %sign3A_265 = arith.constant 0 : i32
      %sign3A_266 = arith.cmpi slt, %mul3A_259, %sign3A_265 : i32
      %sign3A_267 = arith.extui %sign3A_266 : i1 to i32
      %sign3A_268 = arith.subi %sign3A_264, %sign3A_267 : i32
      %sign3A_269 = arith.constant 0 : i32
      %sign3A_270 = arith.cmpi sgt, %jit3A_260, %sign3A_269 : i32
      %sign3A_271 = arith.extui %sign3A_270 : i1 to i32
      %sign3A_272 = arith.constant 0 : i32
      %sign3A_273 = arith.cmpi slt, %jit3A_260, %sign3A_272 : i32
      %sign3A_274 = arith.extui %sign3A_273 : i1 to i32
      %sign3A_275 = arith.subi %sign3A_271, %sign3A_274 : i32
      %ne3A_276 = arith.cmpi ne, %sign3A_268, %sign3A_275 : i32
      %rem3A_277 = arith.remsi %mul3A_259, %jit3A_260 : i32
      %ne3A_278 = arith.constant 0 : i32
      %ne3A_279 = arith.cmpi ne, %rem3A_277, %ne3A_278 : i32
      %and3A_280 = arith.andi %ne3A_276, %ne3A_279 : i1
      %sub3A_281 = arith.constant 1 : i32
      %sub3A_282 = arith.subi %div3A_261, %sub3A_281 : i32
      %select_n3A_283 = arith.select %and3A_280, %sub3A_282, %div3A_261 : i32
      %jit3A_284 = arith.constant 2048 : i32
      %eq3A_285 = arith.constant 0 : i32
      %eq3A_286 = arith.cmpi eq, %jit3A_284, %eq3A_285 : i32
      %jit3A_287 = arith.constant 1 : i32
      %select_n3A_288 = arith.select %eq3A_286, %jit3A_287, %jit3A_284 : i32
      %rem3A_289 = arith.remsi %mul3A_259, %select_n3A_288 : i32
      %ne3A_290 = arith.constant 0 : i32
      %ne3A_291 = arith.cmpi ne, %rem3A_289, %ne3A_290 : i32
      %lt3A_292 = arith.constant 0 : i32
      %lt3A_293 = arith.cmpi slt, %rem3A_289, %lt3A_292 : i32
      %lt3A_294 = arith.constant 0 : i32
      %lt3A_295 = arith.cmpi slt, %select_n3A_288, %lt3A_294 : i32
      %ne3A_296 = arith.xori %lt3A_293, %lt3A_295 : i1
      %and3A_297 = arith.andi %ne3A_296, %ne3A_291 : i1
      %add3A_298 = arith.addi %rem3A_289, %select_n3A_288 : i32
      %select_n3A_299 = arith.select %and3A_297, %add3A_298, %rem3A_289 : i32
      %jit3A_300 = arith.constant 1024 : i32
      %div3A_301 = arith.divsi %select_n3A_299, %jit3A_300 : i32
      %sign3A_302 = arith.constant 0 : i32
      %sign3A_303 = arith.cmpi sgt, %select_n3A_299, %sign3A_302 : i32
      %sign3A_304 = arith.extui %sign3A_303 : i1 to i32
      %sign3A_305 = arith.constant 0 : i32
      %sign3A_306 = arith.cmpi slt, %select_n3A_299, %sign3A_305 : i32
      %sign3A_307 = arith.extui %sign3A_306 : i1 to i32
      %sign3A_308 = arith.subi %sign3A_304, %sign3A_307 : i32
      %sign3A_309 = arith.constant 0 : i32
      %sign3A_310 = arith.cmpi sgt, %jit3A_300, %sign3A_309 : i32
      %sign3A_311 = arith.extui %sign3A_310 : i1 to i32
      %sign3A_312 = arith.constant 0 : i32
      %sign3A_313 = arith.cmpi slt, %jit3A_300, %sign3A_312 : i32
      %sign3A_314 = arith.extui %sign3A_313 : i1 to i32
      %sign3A_315 = arith.subi %sign3A_311, %sign3A_314 : i32
      %ne3A_316 = arith.cmpi ne, %sign3A_308, %sign3A_315 : i32
      %rem3A_317 = arith.remsi %select_n3A_299, %jit3A_300 : i32
      %ne3A_318 = arith.constant 0 : i32
      %ne3A_319 = arith.cmpi ne, %rem3A_317, %ne3A_318 : i32
      %and3A_320 = arith.andi %ne3A_316, %ne3A_319 : i1
      %sub3A_321 = arith.constant 1 : i32
      %sub3A_322 = arith.subi %div3A_301, %sub3A_321 : i32
      %select_n3A_323 = arith.select %and3A_320, %sub3A_322, %div3A_301 : i32
      %mul3A_324 = arith.constant 1024 : i32
      %mul3A_325 = arith.muli %select_n3A_283, %mul3A_324 : i32
      %add3A_326 = arith.addi %mul3A_24, %mul3A_325 : i32
      %jit3A_327 = arith.constant 1024 : i32
      %eq3A_328 = arith.constant 0 : i32
      %eq3A_329 = arith.cmpi eq, %jit3A_327, %eq3A_328 : i32
      %jit3A_330 = arith.constant 1 : i32
      %select_n3A_331 = arith.select %eq3A_329, %jit3A_330, %jit3A_327 : i32
      %rem3A_332 = arith.remsi %select_n3A_299, %select_n3A_331 : i32
      %ne3A_333 = arith.constant 0 : i32
      %ne3A_334 = arith.cmpi ne, %rem3A_332, %ne3A_333 : i32
      %lt3A_335 = arith.constant 0 : i32
      %lt3A_336 = arith.cmpi slt, %rem3A_332, %lt3A_335 : i32
      %lt3A_337 = arith.constant 0 : i32
      %lt3A_338 = arith.cmpi slt, %select_n3A_331, %lt3A_337 : i32
      %ne3A_339 = arith.xori %lt3A_336, %lt3A_338 : i1
      %and3A_340 = arith.andi %ne3A_339, %ne3A_334 : i1
      %add3A_341 = arith.addi %rem3A_332, %select_n3A_331 : i32
      %select_n3A_342 = arith.select %and3A_340, %add3A_341, %rem3A_332 : i32
      %add3A_343 = arith.addi %add3A_326, %select_n3A_342 : i32
      %mul3A_344 = arith.constant 64 : i32
      %mul3A_345 = arith.muli %select_n3A_323, %mul3A_344 : i32
      %dma_start3A_346 = tpu.memref_slice %arg3[%add3A_343, %mul3A_345] : memref<163840x128xi32, #tpu.memory_space<hbm>> -> memref<64x64xi32, #tpu.memory_space<hbm>>
      %dma_start3A_347 = tpu.memref_slice %arg3[%add3A_343, %mul3A_345] : memref<163840x128xi32, #tpu.memory_space<hbm>> -> memref<64x64xi32, #tpu.memory_space<hbm>>
      tpu.enqueue_dma source(%dma_start3A_347 : memref<64x64xi32, #tpu.memory_space<hbm>>) target(%arg29 : memref<64x64xi32, #tpu.memory_space<vmem>>) target_semaphore(%arg38 : memref<!tpu.dma_semaphore, #tpu.memory_space<semaphore_mem>>)
      %mul3A_348 = arith.constant 64 : i32
      %mul3A_349 = arith.muli %add3A_251, %mul3A_348 : i32
      %dma_start3A_350 = tpu.memref_slice %arg20[%mul3A_349] : memref<10128xi32, #tpu.memory_space<vmem>> -> memref<64xi32, #tpu.memory_space<vmem>>
      %dma_start3A_351 = arith.constant 0 : i32
      %dma_start3A_352 = arith.constant 0 : i32
      %dma_start3A_353 = tpu.memref_slice %arg4[%dma_start3A_351, %dma_start3A_352] : memref<320000x16xf32, #tpu.memory_space<hbm>> -> memref<320000x16xf32, #tpu.memory_space<hbm>>
      tpu.enqueue_indirect_dma source(%dma_start3A_353 : memref<320000x16xf32, #tpu.memory_space<hbm>>) target(%arg30 : memref<64x16xf32, #tpu.memory_space<vmem>>) offsets(%dma_start3A_350 : memref<64xi32, #tpu.memory_space<vmem>>) semaphore(%arg39 : memref<!tpu.dma_semaphore, #tpu.memory_space<semaphore_mem>>)
      %mul3A_354 = arith.constant 64 : i32
      %mul3A_355 = arith.muli %mul3A_249, %mul3A_354 : i32
      %dma_wait3A_356 = tpu.memref_slice %arg18[%mul3A_355] : memref<10128xi32, #tpu.memory_space<vmem>> -> memref<64xi32, #tpu.memory_space<vmem>>
      %dma_wait3A_357 = arith.constant 0 : i32
      %dma_wait3A_358 = arith.constant 0 : i32
      %dma_wait3A_359 = tpu.memref_slice %arg2[%dma_wait3A_357, %dma_wait3A_358] : memref<10000x64xi32, #tpu.memory_space<hbm>> -> memref<10000x64xi32, #tpu.memory_space<hbm>>
      tpu.wait_indirect_dma semaphore(%arg34 : memref<!tpu.dma_semaphore, #tpu.memory_space<semaphore_mem>>) src(%dma_wait3A_359 : memref<10000x64xi32, #tpu.memory_space<hbm>>) dst(%arg25 : memref<64x64xi32, #tpu.memory_space<vmem>>)
      %mul3A_360 = arith.constant 64 : i32
      %mul3A_361 = arith.muli %mul3A_249, %mul3A_360 : i32
      %jit3A_362 = arith.constant 2048 : i32
      %div3A_363 = arith.divsi %mul3A_361, %jit3A_362 : i32
      %sign3A_364 = arith.constant 0 : i32
      %sign3A_365 = arith.cmpi sgt, %mul3A_361, %sign3A_364 : i32
      %sign3A_366 = arith.extui %sign3A_365 : i1 to i32
      %sign3A_367 = arith.constant 0 : i32
      %sign3A_368 = arith.cmpi slt, %mul3A_361, %sign3A_367 : i32
      %sign3A_369 = arith.extui %sign3A_368 : i1 to i32
      %sign3A_370 = arith.subi %sign3A_366, %sign3A_369 : i32
      %sign3A_371 = arith.constant 0 : i32
      %sign3A_372 = arith.cmpi sgt, %jit3A_362, %sign3A_371 : i32
      %sign3A_373 = arith.extui %sign3A_372 : i1 to i32
      %sign3A_374 = arith.constant 0 : i32
      %sign3A_375 = arith.cmpi slt, %jit3A_362, %sign3A_374 : i32
      %sign3A_376 = arith.extui %sign3A_375 : i1 to i32
      %sign3A_377 = arith.subi %sign3A_373, %sign3A_376 : i32
      %ne3A_378 = arith.cmpi ne, %sign3A_370, %sign3A_377 : i32
      %rem3A_379 = arith.remsi %mul3A_361, %jit3A_362 : i32
      %ne3A_380 = arith.constant 0 : i32
      %ne3A_381 = arith.cmpi ne, %rem3A_379, %ne3A_380 : i32
      %and3A_382 = arith.andi %ne3A_378, %ne3A_381 : i1
      %sub3A_383 = arith.constant 1 : i32
      %sub3A_384 = arith.subi %div3A_363, %sub3A_383 : i32
      %select_n3A_385 = arith.select %and3A_382, %sub3A_384, %div3A_363 : i32
      %jit3A_386 = arith.constant 2048 : i32
      %eq3A_387 = arith.constant 0 : i32
      %eq3A_388 = arith.cmpi eq, %jit3A_386, %eq3A_387 : i32
      %jit3A_389 = arith.constant 1 : i32
      %select_n3A_390 = arith.select %eq3A_388, %jit3A_389, %jit3A_386 : i32
      %rem3A_391 = arith.remsi %mul3A_361, %select_n3A_390 : i32
      %ne3A_392 = arith.constant 0 : i32
      %ne3A_393 = arith.cmpi ne, %rem3A_391, %ne3A_392 : i32
      %lt3A_394 = arith.constant 0 : i32
      %lt3A_395 = arith.cmpi slt, %rem3A_391, %lt3A_394 : i32
      %lt3A_396 = arith.constant 0 : i32
      %lt3A_397 = arith.cmpi slt, %select_n3A_390, %lt3A_396 : i32
      %ne3A_398 = arith.xori %lt3A_395, %lt3A_397 : i1
      %and3A_399 = arith.andi %ne3A_398, %ne3A_393 : i1
      %add3A_400 = arith.addi %rem3A_391, %select_n3A_390 : i32
      %select_n3A_401 = arith.select %and3A_399, %add3A_400, %rem3A_391 : i32
      %jit3A_402 = arith.constant 1024 : i32
      %div3A_403 = arith.divsi %select_n3A_401, %jit3A_402 : i32
      %sign3A_404 = arith.constant 0 : i32
      %sign3A_405 = arith.cmpi sgt, %select_n3A_401, %sign3A_404 : i32
      %sign3A_406 = arith.extui %sign3A_405 : i1 to i32
      %sign3A_407 = arith.constant 0 : i32
      %sign3A_408 = arith.cmpi slt, %select_n3A_401, %sign3A_407 : i32
      %sign3A_409 = arith.extui %sign3A_408 : i1 to i32
      %sign3A_410 = arith.subi %sign3A_406, %sign3A_409 : i32
      %sign3A_411 = arith.constant 0 : i32
      %sign3A_412 = arith.cmpi sgt, %jit3A_402, %sign3A_411 : i32
      %sign3A_413 = arith.extui %sign3A_412 : i1 to i32
      %sign3A_414 = arith.constant 0 : i32
      %sign3A_415 = arith.cmpi slt, %jit3A_402, %sign3A_414 : i32
      %sign3A_416 = arith.extui %sign3A_415 : i1 to i32
      %sign3A_417 = arith.subi %sign3A_413, %sign3A_416 : i32
      %ne3A_418 = arith.cmpi ne, %sign3A_410, %sign3A_417 : i32
      %rem3A_419 = arith.remsi %select_n3A_401, %jit3A_402 : i32
      %ne3A_420 = arith.constant 0 : i32
      %ne3A_421 = arith.cmpi ne, %rem3A_419, %ne3A_420 : i32
      %and3A_422 = arith.andi %ne3A_418, %ne3A_421 : i1
      %sub3A_423 = arith.constant 1 : i32
      %sub3A_424 = arith.subi %div3A_403, %sub3A_423 : i32
      %select_n3A_425 = arith.select %and3A_422, %sub3A_424, %div3A_403 : i32
      %mul3A_426 = arith.constant 1024 : i32
      %mul3A_427 = arith.muli %select_n3A_385, %mul3A_426 : i32
      %add3A_428 = arith.addi %mul3A_24, %mul3A_427 : i32
      %jit3A_429 = arith.constant 1024 : i32
      %eq3A_430 = arith.constant 0 : i32
      %eq3A_431 = arith.cmpi eq, %jit3A_429, %eq3A_430 : i32
      %jit3A_432 = arith.constant 1 : i32
      %select_n3A_433 = arith.select %eq3A_431, %jit3A_432, %jit3A_429 : i32
      %rem3A_434 = arith.remsi %select_n3A_401, %select_n3A_433 : i32
      %ne3A_435 = arith.constant 0 : i32
      %ne3A_436 = arith.cmpi ne, %rem3A_434, %ne3A_435 : i32
      %lt3A_437 = arith.constant 0 : i32
      %lt3A_438 = arith.cmpi slt, %rem3A_434, %lt3A_437 : i32
      %lt3A_439 = arith.constant 0 : i32
      %lt3A_440 = arith.cmpi slt, %select_n3A_433, %lt3A_439 : i32
      %ne3A_441 = arith.xori %lt3A_438, %lt3A_440 : i1
      %and3A_442 = arith.andi %ne3A_441, %ne3A_436 : i1
      %add3A_443 = arith.addi %rem3A_434, %select_n3A_433 : i32
      %select_n3A_444 = arith.select %and3A_442, %add3A_443, %rem3A_434 : i32
      %add3A_445 = arith.addi %add3A_428, %select_n3A_444 : i32
      %mul3A_446 = arith.constant 64 : i32
      %mul3A_447 = arith.muli %select_n3A_425, %mul3A_446 : i32
      %dma_wait3A_448 = tpu.memref_slice %arg3[%add3A_445, %mul3A_447] : memref<163840x128xi32, #tpu.memory_space<hbm>> -> memref<64x64xi32, #tpu.memory_space<hbm>>
      %dma_wait3A_449 = tpu.memref_slice %arg3[%add3A_445, %mul3A_447] : memref<163840x128xi32, #tpu.memory_space<hbm>> -> memref<64x64xi32, #tpu.memory_space<hbm>>
      tpu.wait_dma2 semaphore(%arg35 : memref<!tpu.dma_semaphore, #tpu.memory_space<semaphore_mem>>) src(%dma_wait3A_449 : memref<64x64xi32, #tpu.memory_space<hbm>>) dst(%arg26 : memref<64x64xi32, #tpu.memory_space<vmem>>)
      %mul3A_450 = arith.constant 64 : i32
      %mul3A_451 = arith.muli %mul3A_249, %mul3A_450 : i32
      %dma_wait3A_452 = tpu.memref_slice %arg20[%mul3A_451] : memref<10128xi32, #tpu.memory_space<vmem>> -> memref<64xi32, #tpu.memory_space<vmem>>
      %dma_wait3A_453 = arith.constant 0 : i32
      %dma_wait3A_454 = arith.constant 0 : i32
      %dma_wait3A_455 = tpu.memref_slice %arg4[%dma_wait3A_453, %dma_wait3A_454] : memref<320000x16xf32, #tpu.memory_space<hbm>> -> memref<320000x16xf32, #tpu.memory_space<hbm>>
      tpu.wait_indirect_dma semaphore(%arg36 : memref<!tpu.dma_semaphore, #tpu.memory_space<semaphore_mem>>) src(%dma_wait3A_455 : memref<320000x16xf32, #tpu.memory_space<hbm>>) dst(%arg27 : memref<64x16xf32, #tpu.memory_space<vmem>>)
      %mul3A_456 = arith.constant 64 : i32
      %mul3A_457 = arith.muli %mul3A_249, %mul3A_456 : i32
      %add3A_458 = arith.constant 0 : i32
      %add3A_459 = arith.addi %mul3A_457, %add3A_458 : i32
      %get3A_460 = arith.index_cast %add3A_459 : i32 to index
      %get3A_461 = tpu.vector_load %arg19[%get3A_460] {strides = array<i32>} : memref<10128xi32, #tpu.memory_space<vmem>>, vector<16xi32>,
      %swap3A_462 = arith.constant 0 : index
      %swap3A_463 = tpu.vector_load %arg21[%swap3A_462] {strides = array<i32>} : memref<64xi32, #tpu.memory_space<vmem>>, vector<16xi32>,
      tpu.vector_store %arg21[%swap3A_462], %get3A_461 {strides = array<i32>} : memref<64xi32, #tpu.memory_space<vmem>>, vector<16xi32>,
      %mul3A_464 = arith.constant 64 : i32
      %mul3A_465 = arith.muli %mul3A_249, %mul3A_464 : i32
      %add3A_466 = arith.constant 16 : i32
      %add3A_467 = arith.addi %mul3A_465, %add3A_466 : i32
      %get3A_468 = arith.index_cast %add3A_467 : i32 to index
      %get3A_469 = tpu.vector_load %arg19[%get3A_468] {strides = array<i32>} : memref<10128xi32, #tpu.memory_space<vmem>>, vector<16xi32>,
      %swap3A_470 = arith.constant 16 : index
      %swap3A_471 = tpu.vector_load %arg21[%swap3A_470] {strides = array<i32>} : memref<64xi32, #tpu.memory_space<vmem>>, vector<16xi32>,
      tpu.vector_store %arg21[%swap3A_470], %get3A_469 {strides = array<i32>} : memref<64xi32, #tpu.memory_space<vmem>>, vector<16xi32>,
      %mul3A_472 = arith.constant 64 : i32
      %mul3A_473 = arith.muli %mul3A_249, %mul3A_472 : i32
      %add3A_474 = arith.constant 32 : i32
      %add3A_475 = arith.addi %mul3A_473, %add3A_474 : i32
      %get3A_476 = arith.index_cast %add3A_475 : i32 to index
      %get3A_477 = tpu.vector_load %arg19[%get3A_476] {strides = array<i32>} : memref<10128xi32, #tpu.memory_space<vmem>>, vector<16xi32>,
      %swap3A_478 = arith.constant 32 : index
      %swap3A_479 = tpu.vector_load %arg21[%swap3A_478] {strides = array<i32>} : memref<64xi32, #tpu.memory_space<vmem>>, vector<16xi32>,
      tpu.vector_store %arg21[%swap3A_478], %get3A_477 {strides = array<i32>} : memref<64xi32, #tpu.memory_space<vmem>>, vector<16xi32>,
      %mul3A_480 = arith.constant 64 : i32
      %mul3A_481 = arith.muli %mul3A_249, %mul3A_480 : i32
      %add3A_482 = arith.constant 48 : i32
      %add3A_483 = arith.addi %mul3A_481, %add3A_482 : i32
      %get3A_484 = arith.index_cast %add3A_483 : i32 to index
      %get3A_485 = tpu.vector_load %arg19[%get3A_484] {strides = array<i32>} : memref<10128xi32, #tpu.memory_space<vmem>>, vector<16xi32>,
      %swap3A_486 = arith.constant 48 : index
      %swap3A_487 = tpu.vector_load %arg21[%swap3A_486] {strides = array<i32>} : memref<64xi32, #tpu.memory_space<vmem>>, vector<16xi32>,
      tpu.vector_store %arg21[%swap3A_486], %get3A_485 {strides = array<i32>} : memref<64xi32, #tpu.memory_space<vmem>>, vector<16xi32>,
      %scan3A_488 = arith.constant 0 : i32
      %scan3A_489 = arith.constant 0 : i32
      %scan3A_490 = arith.constant 256 : i32
      %scan3A_491 = arith.addi %scan3A_489, %scan3A_490 : i32
      %scan3A_492 = arith.constant 1 : i32
      scf.for %scan3A_742 = %scan3A_489 to %scan3A_491 step %scan3A_492  : i32 {
        %jit3A_743 = arith.constant 4 : i32
        %div3A_744 = arith.divsi %scan3A_742, %jit3A_743 : i32
        %sign3A_745 = arith.constant 0 : i32
        %sign3A_746 = arith.cmpi sgt, %scan3A_742, %sign3A_745 : i32
        %sign3A_747 = arith.extui %sign3A_746 : i1 to i32
        %sign3A_748 = arith.constant 0 : i32
        %sign3A_749 = arith.cmpi slt, %scan3A_742, %sign3A_748 : i32
        %sign3A_750 = arith.extui %sign3A_749 : i1 to i32
        %sign3A_751 = arith.subi %sign3A_747, %sign3A_750 : i32
        %sign3A_752 = arith.constant 0 : i32
        %sign3A_753 = arith.cmpi sgt, %jit3A_743, %sign3A_752 : i32
        %sign3A_754 = arith.extui %sign3A_753 : i1 to i32
        %sign3A_755 = arith.constant 0 : i32
        %sign3A_756 = arith.cmpi slt, %jit3A_743, %sign3A_755 : i32
        %sign3A_757 = arith.extui %sign3A_756 : i1 to i32
        %sign3A_758 = arith.subi %sign3A_754, %sign3A_757 : i32
        %ne3A_759 = arith.cmpi ne, %sign3A_751, %sign3A_758 : i32
        %rem3A_760 = arith.remsi %scan3A_742, %jit3A_743 : i32
        %ne3A_761 = arith.constant 0 : i32
        %ne3A_762 = arith.cmpi ne, %rem3A_760, %ne3A_761 : i32
        %and3A_763 = arith.andi %ne3A_759, %ne3A_762 : i1
        %sub3A_764 = arith.constant 1 : i32
        %sub3A_765 = arith.subi %div3A_744, %sub3A_764 : i32
        %select_n3A_766 = arith.select %and3A_763, %sub3A_765, %div3A_744 : i32
        %jit3A_767 = arith.constant 4 : i32
        %eq3A_768 = arith.constant 0 : i32
        %eq3A_769 = arith.cmpi eq, %jit3A_767, %eq3A_768 : i32
        %jit3A_770 = arith.constant 1 : i32
        %select_n3A_771 = arith.select %eq3A_769, %jit3A_770, %jit3A_767 : i32
        %rem3A_772 = arith.remsi %scan3A_742, %select_n3A_771 : i32
        %ne3A_773 = arith.constant 0 : i32
        %ne3A_774 = arith.cmpi ne, %rem3A_772, %ne3A_773 : i32
        %lt3A_775 = arith.constant 0 : i32
        %lt3A_776 = arith.cmpi slt, %rem3A_772, %lt3A_775 : i32
        %lt3A_777 = arith.constant 0 : i32
        %lt3A_778 = arith.cmpi slt, %select_n3A_771, %lt3A_777 : i32
        %ne3A_779 = arith.xori %lt3A_776, %lt3A_778 : i1
        %and3A_780 = arith.andi %ne3A_779, %ne3A_774 : i1
        %add3A_781 = arith.addi %rem3A_772, %select_n3A_771 : i32
        %select_n3A_782 = arith.select %and3A_780, %add3A_781, %rem3A_772 : i32
        %mul3A_783 = arith.constant 16 : i32
        %mul3A_784 = arith.muli %select_n3A_782, %mul3A_783 : i32
        %get3A_785 = arith.index_cast %select_n3A_766 : i32 to index
        %get3A_786 = arith.index_cast %mul3A_784 : i32 to index
        %get3A_787 = tpu.vector_load %arg25[%get3A_785, %get3A_786] {strides = array<i32>} : memref<64x64xi32, #tpu.memory_space<vmem>>, vector<16xi32>,
        %mul3A_788 = arith.constant 16 : i32
        %mul3A_789 = arith.muli %select_n3A_782, %mul3A_788 : i32
        %get3A_790 = arith.index_cast %select_n3A_766 : i32 to index
        %get3A_791 = arith.index_cast %mul3A_789 : i32 to index
        %get3A_792 = tpu.vector_load %arg26[%get3A_790, %get3A_791] {strides = array<i32>} : memref<64x64xi32, #tpu.memory_space<vmem>>, vector<16xi32>,
        %shift_left3A = arith.constant 16 : i32
        %shift_left3A_793 = vector.broadcast %shift_left3A : i32 to vector<16xi32>
        %shift_left3A_794 = arith.shli %get3A_787, %shift_left3A_793 : vector<16xi32>
        %bitcast_convert_type3A = tpu.bitcast %shift_left3A_794 : vector<16xi32> -> vector<16xf32>
        %shift_left3A_795 = arith.constant 16 : i32
        %shift_left3A_796 = vector.broadcast %shift_left3A_795 : i32 to vector<16xi32>
        %shift_left3A_797 = arith.shli %get3A_792, %shift_left3A_796 : vector<16xi32>
        %bitcast_convert_type3A_798 = tpu.bitcast %shift_left3A_797 : vector<16xi32> -> vector<16xf32>
        %add3A_799 = arith.addf %bitcast_convert_type3A, %bitcast_convert_type3A_798 : vector<16xf32>
        %mul3A_800 = arith.constant 16 : i32
        %mul3A_801 = arith.muli %select_n3A_782, %mul3A_800 : i32
        %swap3A_802 = arith.index_cast %select_n3A_766 : i32 to index
        %swap3A_803 = arith.index_cast %mul3A_801 : i32 to index
        %swap3A_804 = tpu.vector_load %arg31[%swap3A_802, %swap3A_803] {strides = array<i32>} : memref<64x128xf32, #tpu.memory_space<vmem>>, vector<16xf32>,
        tpu.vector_store %arg31[%swap3A_802, %swap3A_803], %add3A_799 {strides = array<i32>} : memref<64x128xf32, #tpu.memory_space<vmem>>, vector<16xf32>,
        %and3A_805 = arith.constant -65536 : i32
        %and3A_806 = vector.broadcast %and3A_805 : i32 to vector<16xi32>
        %and3A_807 = arith.andi %get3A_787, %and3A_806 : vector<16xi32>
        %bitcast_convert_type3A_808 = tpu.bitcast %and3A_807 : vector<16xi32> -> vector<16xf32>
        %and3A_809 = arith.constant -65536 : i32
        %and3A_810 = vector.broadcast %and3A_809 : i32 to vector<16xi32>
        %and3A_811 = arith.andi %get3A_792, %and3A_810 : vector<16xi32>
        %bitcast_convert_type3A_812 = tpu.bitcast %and3A_811 : vector<16xi32> -> vector<16xf32>
        %add3A_813 = arith.addf %bitcast_convert_type3A_808, %bitcast_convert_type3A_812 : vector<16xf32>
        %mul3A_814 = arith.constant 16 : i32
        %mul3A_815 = arith.muli %select_n3A_782, %mul3A_814 : i32
        %add3A_816 = arith.constant 64 : i32
        %add3A_817 = arith.addi %add3A_816, %mul3A_815 : i32
        %swap3A_818 = arith.index_cast %select_n3A_766 : i32 to index
        %swap3A_819 = arith.index_cast %add3A_817 : i32 to index
        %swap3A_820 = tpu.vector_load %arg31[%swap3A_818, %swap3A_819] {strides = array<i32>} : memref<64x128xf32, #tpu.memory_space<vmem>>, vector<16xf32>,
        tpu.vector_store %arg31[%swap3A_818, %swap3A_819], %add3A_813 {strides = array<i32>} : memref<64x128xf32, #tpu.memory_space<vmem>>, vector<16xf32>,
      }
      %scan3A_493 = arith.constant 256 : i32
      "tpu.region"() ({
        %run_scoped3A = tpu.sem_alloc : memref<!tpu.dma_semaphore, #tpu.memory_space<semaphore_mem>>
        %dma_start3A_742 = arith.constant 0 : i32
        %dma_start3A_743 = arith.constant 0 : i32
        %dma_start3A_744 = tpu.memref_slice %arg16[%dma_start3A_742, %dma_start3A_743] : memref<2176x128xf32, #tpu.memory_space<vmem_shared>> -> memref<2176x128xf32, #tpu.memory_space<vmem_shared>>
        tpu.enqueue_indirect_dma source(%arg31 : memref<64x128xf32, #tpu.memory_space<vmem>>) target(%dma_start3A_744 : memref<2176x128xf32, #tpu.memory_space<vmem_shared>>) offsets(%arg21 : memref<64xi32, #tpu.memory_space<vmem>>) semaphore(%run_scoped3A : memref<!tpu.dma_semaphore, #tpu.memory_space<semaphore_mem>>) {add = true}
        %dma_wait3A_745 = arith.constant 0 : i32
        %dma_wait3A_746 = arith.constant 0 : i32
        %dma_wait3A_747 = tpu.memref_slice %arg16[%dma_wait3A_745, %dma_wait3A_746] : memref<2176x128xf32, #tpu.memory_space<vmem_shared>> -> memref<2176x128xf32, #tpu.memory_space<vmem_shared>>
        tpu.wait_indirect_dma semaphore(%run_scoped3A : memref<!tpu.dma_semaphore, #tpu.memory_space<semaphore_mem>>) src(%arg31 : memref<64x128xf32, #tpu.memory_space<vmem>>) dst(%dma_wait3A_747 : memref<2176x128xf32, #tpu.memory_space<vmem_shared>>)
        tpu.yield
      }) : () -> ()
      "tpu.region"() ({
        %run_scoped3A = tpu.sem_alloc : memref<!tpu.dma_semaphore, #tpu.memory_space<semaphore_mem>>
        %dma_start3A_742 = arith.constant 0 : i32
        %dma_start3A_743 = arith.constant 0 : i32
        %dma_start3A_744 = tpu.memref_slice %arg17[%dma_start3A_742, %dma_start3A_743] : memref<2176x16xf32, #tpu.memory_space<vmem_shared>> -> memref<2176x16xf32, #tpu.memory_space<vmem_shared>>
        tpu.enqueue_indirect_dma source(%arg27 : memref<64x16xf32, #tpu.memory_space<vmem>>) target(%dma_start3A_744 : memref<2176x16xf32, #tpu.memory_space<vmem_shared>>) offsets(%arg21 : memref<64xi32, #tpu.memory_space<vmem>>) semaphore(%run_scoped3A : memref<!tpu.dma_semaphore, #tpu.memory_space<semaphore_mem>>) {add = true}
        %dma_wait3A_745 = arith.constant 0 : i32
        %dma_wait3A_746 = arith.constant 0 : i32
        %dma_wait3A_747 = tpu.memref_slice %arg17[%dma_wait3A_745, %dma_wait3A_746] : memref<2176x16xf32, #tpu.memory_space<vmem_shared>> -> memref<2176x16xf32, #tpu.memory_space<vmem_shared>>
        tpu.wait_indirect_dma semaphore(%run_scoped3A : memref<!tpu.dma_semaphore, #tpu.memory_space<semaphore_mem>>) src(%arg27 : memref<64x16xf32, #tpu.memory_space<vmem>>) dst(%dma_wait3A_747 : memref<2176x16xf32, #tpu.memory_space<vmem_shared>>)
        tpu.yield
      }) : () -> ()
      %add3A_494 = arith.constant 2 : i32
      %add3A_495 = arith.addi %mul3A_249, %add3A_494 : i32
      %mul3A_496 = arith.constant 64 : i32
      %mul3A_497 = arith.muli %add3A_495, %mul3A_496 : i32
      %dma_start3A_498 = tpu.memref_slice %arg18[%mul3A_497] : memref<10128xi32, #tpu.memory_space<vmem>> -> memref<64xi32, #tpu.memory_space<vmem>>
      %dma_start3A_499 = arith.constant 0 : i32
      %dma_start3A_500 = arith.constant 0 : i32
      %dma_start3A_501 = tpu.memref_slice %arg2[%dma_start3A_499, %dma_start3A_500] : memref<10000x64xi32, #tpu.memory_space<hbm>> -> memref<10000x64xi32, #tpu.memory_space<hbm>>
      tpu.enqueue_indirect_dma source(%dma_start3A_501 : memref<10000x64xi32, #tpu.memory_space<hbm>>) target(%arg25 : memref<64x64xi32, #tpu.memory_space<vmem>>) offsets(%dma_start3A_498 : memref<64xi32, #tpu.memory_space<vmem>>) semaphore(%arg34 : memref<!tpu.dma_semaphore, #tpu.memory_space<semaphore_mem>>)
      %mul3A_502 = arith.constant 64 : i32
      %mul3A_503 = arith.muli %add3A_495, %mul3A_502 : i32
      %jit3A_504 = arith.constant 2048 : i32
      %div3A_505 = arith.divsi %mul3A_503, %jit3A_504 : i32
      %sign3A_506 = arith.constant 0 : i32
      %sign3A_507 = arith.cmpi sgt, %mul3A_503, %sign3A_506 : i32
      %sign3A_508 = arith.extui %sign3A_507 : i1 to i32
      %sign3A_509 = arith.constant 0 : i32
      %sign3A_510 = arith.cmpi slt, %mul3A_503, %sign3A_509 : i32
      %sign3A_511 = arith.extui %sign3A_510 : i1 to i32
      %sign3A_512 = arith.subi %sign3A_508, %sign3A_511 : i32
      %sign3A_513 = arith.constant 0 : i32
      %sign3A_514 = arith.cmpi sgt, %jit3A_504, %sign3A_513 : i32
      %sign3A_515 = arith.extui %sign3A_514 : i1 to i32
      %sign3A_516 = arith.constant 0 : i32
      %sign3A_517 = arith.cmpi slt, %jit3A_504, %sign3A_516 : i32
      %sign3A_518 = arith.extui %sign3A_517 : i1 to i32
      %sign3A_519 = arith.subi %sign3A_515, %sign3A_518 : i32
      %ne3A_520 = arith.cmpi ne, %sign3A_512, %sign3A_519 : i32
      %rem3A_521 = arith.remsi %mul3A_503, %jit3A_504 : i32
      %ne3A_522 = arith.constant 0 : i32
      %ne3A_523 = arith.cmpi ne, %rem3A_521, %ne3A_522 : i32
      %and3A_524 = arith.andi %ne3A_520, %ne3A_523 : i1
      %sub3A_525 = arith.constant 1 : i32
      %sub3A_526 = arith.subi %div3A_505, %sub3A_525 : i32
      %select_n3A_527 = arith.select %and3A_524, %sub3A_526, %div3A_505 : i32
      %jit3A_528 = arith.constant 2048 : i32
      %eq3A_529 = arith.constant 0 : i32
      %eq3A_530 = arith.cmpi eq, %jit3A_528, %eq3A_529 : i32
      %jit3A_531 = arith.constant 1 : i32
      %select_n3A_532 = arith.select %eq3A_530, %jit3A_531, %jit3A_528 : i32
      %rem3A_533 = arith.remsi %mul3A_503, %select_n3A_532 : i32
      %ne3A_534 = arith.constant 0 : i32
      %ne3A_535 = arith.cmpi ne, %rem3A_533, %ne3A_534 : i32
      %lt3A_536 = arith.constant 0 : i32
      %lt3A_537 = arith.cmpi slt, %rem3A_533, %lt3A_536 : i32
      %lt3A_538 = arith.constant 0 : i32
      %lt3A_539 = arith.cmpi slt, %select_n3A_532, %lt3A_538 : i32
      %ne3A_540 = arith.xori %lt3A_537, %lt3A_539 : i1
      %and3A_541 = arith.andi %ne3A_540, %ne3A_535 : i1
      %add3A_542 = arith.addi %rem3A_533, %select_n3A_532 : i32
      %select_n3A_543 = arith.select %and3A_541, %add3A_542, %rem3A_533 : i32
      %jit3A_544 = arith.constant 1024 : i32
      %div3A_545 = arith.divsi %select_n3A_543, %jit3A_544 : i32
      %sign3A_546 = arith.constant 0 : i32
      %sign3A_547 = arith.cmpi sgt, %select_n3A_543, %sign3A_546 : i32
      %sign3A_548 = arith.extui %sign3A_547 : i1 to i32
      %sign3A_549 = arith.constant 0 : i32
      %sign3A_550 = arith.cmpi slt, %select_n3A_543, %sign3A_549 : i32
      %sign3A_551 = arith.extui %sign3A_550 : i1 to i32
      %sign3A_552 = arith.subi %sign3A_548, %sign3A_551 : i32
      %sign3A_553 = arith.constant 0 : i32
      %sign3A_554 = arith.cmpi sgt, %jit3A_544, %sign3A_553 : i32
      %sign3A_555 = arith.extui %sign3A_554 : i1 to i32
      %sign3A_556 = arith.constant 0 : i32
      %sign3A_557 = arith.cmpi slt, %jit3A_544, %sign3A_556 : i32
      %sign3A_558 = arith.extui %sign3A_557 : i1 to i32
      %sign3A_559 = arith.subi %sign3A_555, %sign3A_558 : i32
      %ne3A_560 = arith.cmpi ne, %sign3A_552, %sign3A_559 : i32
      %rem3A_561 = arith.remsi %select_n3A_543, %jit3A_544 : i32
      %ne3A_562 = arith.constant 0 : i32
      %ne3A_563 = arith.cmpi ne, %rem3A_561, %ne3A_562 : i32
      %and3A_564 = arith.andi %ne3A_560, %ne3A_563 : i1
      %sub3A_565 = arith.constant 1 : i32
      %sub3A_566 = arith.subi %div3A_545, %sub3A_565 : i32
      %select_n3A_567 = arith.select %and3A_564, %sub3A_566, %div3A_545 : i32
      %mul3A_568 = arith.constant 1024 : i32
      %mul3A_569 = arith.muli %select_n3A_527, %mul3A_568 : i32
      %add3A_570 = arith.addi %mul3A_24, %mul3A_569 : i32
      %jit3A_571 = arith.constant 1024 : i32
      %eq3A_572 = arith.constant 0 : i32
      %eq3A_573 = arith.cmpi eq, %jit3A_571, %eq3A_572 : i32
      %jit3A_574 = arith.constant 1 : i32
      %select_n3A_575 = arith.select %eq3A_573, %jit3A_574, %jit3A_571 : i32
      %rem3A_576 = arith.remsi %select_n3A_543, %select_n3A_575 : i32
      %ne3A_577 = arith.constant 0 : i32
      %ne3A_578 = arith.cmpi ne, %rem3A_576, %ne3A_577 : i32
      %lt3A_579 = arith.constant 0 : i32
      %lt3A_580 = arith.cmpi slt, %rem3A_576, %lt3A_579 : i32
      %lt3A_581 = arith.constant 0 : i32
      %lt3A_582 = arith.cmpi slt, %select_n3A_575, %lt3A_581 : i32
      %ne3A_583 = arith.xori %lt3A_580, %lt3A_582 : i1
      %and3A_584 = arith.andi %ne3A_583, %ne3A_578 : i1
      %add3A_585 = arith.addi %rem3A_576, %select_n3A_575 : i32
      %select_n3A_586 = arith.select %and3A_584, %add3A_585, %rem3A_576 : i32
      %add3A_587 = arith.addi %add3A_570, %select_n3A_586 : i32
      %mul3A_588 = arith.constant 64 : i32
      %mul3A_589 = arith.muli %select_n3A_567, %mul3A_588 : i32
      %dma_start3A_590 = tpu.memref_slice %arg3[%add3A_587, %mul3A_589] : memref<163840x128xi32, #tpu.memory_space<hbm>> -> memref<64x64xi32, #tpu.memory_space<hbm>>
      %dma_start3A_591 = tpu.memref_slice %arg3[%add3A_587, %mul3A_589] : memref<163840x128xi32, #tpu.memory_space<hbm>> -> memref<64x64xi32, #tpu.memory_space<hbm>>
      tpu.enqueue_dma source(%dma_start3A_591 : memref<64x64xi32, #tpu.memory_space<hbm>>) target(%arg26 : memref<64x64xi32, #tpu.memory_space<vmem>>) target_semaphore(%arg35 : memref<!tpu.dma_semaphore, #tpu.memory_space<semaphore_mem>>)
      %mul3A_592 = arith.constant 64 : i32
      %mul3A_593 = arith.muli %add3A_495, %mul3A_592 : i32
      %dma_start3A_594 = tpu.memref_slice %arg20[%mul3A_593] : memref<10128xi32, #tpu.memory_space<vmem>> -> memref<64xi32, #tpu.memory_space<vmem>>
      %dma_start3A_595 = arith.constant 0 : i32
      %dma_start3A_596 = arith.constant 0 : i32
      %dma_start3A_597 = tpu.memref_slice %arg4[%dma_start3A_595, %dma_start3A_596] : memref<320000x16xf32, #tpu.memory_space<hbm>> -> memref<320000x16xf32, #tpu.memory_space<hbm>>
      tpu.enqueue_indirect_dma source(%dma_start3A_597 : memref<320000x16xf32, #tpu.memory_space<hbm>>) target(%arg27 : memref<64x16xf32, #tpu.memory_space<vmem>>) offsets(%dma_start3A_594 : memref<64xi32, #tpu.memory_space<vmem>>) semaphore(%arg36 : memref<!tpu.dma_semaphore, #tpu.memory_space<semaphore_mem>>)
      %add3A_598 = arith.constant 1 : i32
      %add3A_599 = arith.addi %mul3A_249, %add3A_598 : i32
      %mul3A_600 = arith.constant 64 : i32
      %mul3A_601 = arith.muli %add3A_599, %mul3A_600 : i32
      %dma_wait3A_602 = tpu.memref_slice %arg18[%mul3A_601] : memref<10128xi32, #tpu.memory_space<vmem>> -> memref<64xi32, #tpu.memory_space<vmem>>
      %dma_wait3A_603 = arith.constant 0 : i32
      %dma_wait3A_604 = arith.constant 0 : i32
      %dma_wait3A_605 = tpu.memref_slice %arg2[%dma_wait3A_603, %dma_wait3A_604] : memref<10000x64xi32, #tpu.memory_space<hbm>> -> memref<10000x64xi32, #tpu.memory_space<hbm>>
      tpu.wait_indirect_dma semaphore(%arg37 : memref<!tpu.dma_semaphore, #tpu.memory_space<semaphore_mem>>) src(%dma_wait3A_605 : memref<10000x64xi32, #tpu.memory_space<hbm>>) dst(%arg28 : memref<64x64xi32, #tpu.memory_space<vmem>>)
      %mul3A_606 = arith.constant 64 : i32
      %mul3A_607 = arith.muli %add3A_599, %mul3A_606 : i32
      %jit3A_608 = arith.constant 2048 : i32
      %div3A_609 = arith.divsi %mul3A_607, %jit3A_608 : i32
      %sign3A_610 = arith.constant 0 : i32
      %sign3A_611 = arith.cmpi sgt, %mul3A_607, %sign3A_610 : i32
      %sign3A_612 = arith.extui %sign3A_611 : i1 to i32
      %sign3A_613 = arith.constant 0 : i32
      %sign3A_614 = arith.cmpi slt, %mul3A_607, %sign3A_613 : i32
      %sign3A_615 = arith.extui %sign3A_614 : i1 to i32
      %sign3A_616 = arith.subi %sign3A_612, %sign3A_615 : i32
      %sign3A_617 = arith.constant 0 : i32
      %sign3A_618 = arith.cmpi sgt, %jit3A_608, %sign3A_617 : i32
      %sign3A_619 = arith.extui %sign3A_618 : i1 to i32
      %sign3A_620 = arith.constant 0 : i32
      %sign3A_621 = arith.cmpi slt, %jit3A_608, %sign3A_620 : i32
      %sign3A_622 = arith.extui %sign3A_621 : i1 to i32
      %sign3A_623 = arith.subi %sign3A_619, %sign3A_622 : i32
      %ne3A_624 = arith.cmpi ne, %sign3A_616, %sign3A_623 : i32
      %rem3A_625 = arith.remsi %mul3A_607, %jit3A_608 : i32
      %ne3A_626 = arith.constant 0 : i32
      %ne3A_627 = arith.cmpi ne, %rem3A_625, %ne3A_626 : i32
      %and3A_628 = arith.andi %ne3A_624, %ne3A_627 : i1
      %sub3A_629 = arith.constant 1 : i32
      %sub3A_630 = arith.subi %div3A_609, %sub3A_629 : i32
      %select_n3A_631 = arith.select %and3A_628, %sub3A_630, %div3A_609 : i32
      %jit3A_632 = arith.constant 2048 : i32
      %eq3A_633 = arith.constant 0 : i32
      %eq3A_634 = arith.cmpi eq, %jit3A_632, %eq3A_633 : i32
      %jit3A_635 = arith.constant 1 : i32
      %select_n3A_636 = arith.select %eq3A_634, %jit3A_635, %jit3A_632 : i32
      %rem3A_637 = arith.remsi %mul3A_607, %select_n3A_636 : i32
      %ne3A_638 = arith.constant 0 : i32
      %ne3A_639 = arith.cmpi ne, %rem3A_637, %ne3A_638 : i32
      %lt3A_640 = arith.constant 0 : i32
      %lt3A_641 = arith.cmpi slt, %rem3A_637, %lt3A_640 : i32
      %lt3A_642 = arith.constant 0 : i32
      %lt3A_643 = arith.cmpi slt, %select_n3A_636, %lt3A_642 : i32
      %ne3A_644 = arith.xori %lt3A_641, %lt3A_643 : i1
      %and3A_645 = arith.andi %ne3A_644, %ne3A_639 : i1
      %add3A_646 = arith.addi %rem3A_637, %select_n3A_636 : i32
      %select_n3A_647 = arith.select %and3A_645, %add3A_646, %rem3A_637 : i32
      %jit3A_648 = arith.constant 1024 : i32
      %div3A_649 = arith.divsi %select_n3A_647, %jit3A_648 : i32
      %sign3A_650 = arith.constant 0 : i32
      %sign3A_651 = arith.cmpi sgt, %select_n3A_647, %sign3A_650 : i32
      %sign3A_652 = arith.extui %sign3A_651 : i1 to i32
      %sign3A_653 = arith.constant 0 : i32
      %sign3A_654 = arith.cmpi slt, %select_n3A_647, %sign3A_653 : i32
      %sign3A_655 = arith.extui %sign3A_654 : i1 to i32
      %sign3A_656 = arith.subi %sign3A_652, %sign3A_655 : i32
      %sign3A_657 = arith.constant 0 : i32
      %sign3A_658 = arith.cmpi sgt, %jit3A_648, %sign3A_657 : i32
      %sign3A_659 = arith.extui %sign3A_658 : i1 to i32
      %sign3A_660 = arith.constant 0 : i32
      %sign3A_661 = arith.cmpi slt, %jit3A_648, %sign3A_660 : i32
      %sign3A_662 = arith.extui %sign3A_661 : i1 to i32
      %sign3A_663 = arith.subi %sign3A_659, %sign3A_662 : i32
      %ne3A_664 = arith.cmpi ne, %sign3A_656, %sign3A_663 : i32
      %rem3A_665 = arith.remsi %select_n3A_647, %jit3A_648 : i32
      %ne3A_666 = arith.constant 0 : i32
      %ne3A_667 = arith.cmpi ne, %rem3A_665, %ne3A_666 : i32
      %and3A_668 = arith.andi %ne3A_664, %ne3A_667 : i1
      %sub3A_669 = arith.constant 1 : i32
      %sub3A_670 = arith.subi %div3A_649, %sub3A_669 : i32
      %select_n3A_671 = arith.select %and3A_668, %sub3A_670, %div3A_649 : i32
      %mul3A_672 = arith.constant 1024 : i32
      %mul3A_673 = arith.muli %select_n3A_631, %mul3A_672 : i32
      %add3A_674 = arith.addi %mul3A_24, %mul3A_673 : i32
      %jit3A_675 = arith.constant 1024 : i32
      %eq3A_676 = arith.constant 0 : i32
      %eq3A_677 = arith.cmpi eq, %jit3A_675, %eq3A_676 : i32
      %jit3A_678 = arith.constant 1 : i32
      %select_n3A_679 = arith.select %eq3A_677, %jit3A_678, %jit3A_675 : i32
      %rem3A_680 = arith.remsi %select_n3A_647, %select_n3A_679 : i32
      %ne3A_681 = arith.constant 0 : i32
      %ne3A_682 = arith.cmpi ne, %rem3A_680, %ne3A_681 : i32
      %lt3A_683 = arith.constant 0 : i32
      %lt3A_684 = arith.cmpi slt, %rem3A_680, %lt3A_683 : i32
      %lt3A_685 = arith.constant 0 : i32
      %lt3A_686 = arith.cmpi slt, %select_n3A_679, %lt3A_685 : i32
      %ne3A_687 = arith.xori %lt3A_684, %lt3A_686 : i1
      %and3A_688 = arith.andi %ne3A_687, %ne3A_682 : i1
      %add3A_689 = arith.addi %rem3A_680, %select_n3A_679 : i32
      %select_n3A_690 = arith.select %and3A_688, %add3A_689, %rem3A_680 : i32
      %add3A_691 = arith.addi %add3A_674, %select_n3A_690 : i32
      %mul3A_692 = arith.constant 64 : i32
      %mul3A_693 = arith.muli %select_n3A_671, %mul3A_692 : i32
      %dma_wait3A_694 = tpu.memref_slice %arg3[%add3A_691, %mul3A_693] : memref<163840x128xi32, #tpu.memory_space<hbm>> -> memref<64x64xi32, #tpu.memory_space<hbm>>
      %dma_wait3A_695 = tpu.memref_slice %arg3[%add3A_691, %mul3A_693] : memref<163840x128xi32, #tpu.memory_space<hbm>> -> memref<64x64xi32, #tpu.memory_space<hbm>>
      tpu.wait_dma2 semaphore(%arg38 : memref<!tpu.dma_semaphore, #tpu.memory_space<semaphore_mem>>) src(%dma_wait3A_695 : memref<64x64xi32, #tpu.memory_space<hbm>>) dst(%arg29 : memref<64x64xi32, #tpu.memory_space<vmem>>)
      %mul3A_696 = arith.constant 64 : i32
      %mul3A_697 = arith.muli %add3A_599, %mul3A_696 : i32
      %dma_wait3A_698 = tpu.memref_slice %arg20[%mul3A_697] : memref<10128xi32, #tpu.memory_space<vmem>> -> memref<64xi32, #tpu.memory_space<vmem>>
      %dma_wait3A_699 = arith.constant 0 : i32
      %dma_wait3A_700 = arith.constant 0 : i32
      %dma_wait3A_701 = tpu.memref_slice %arg4[%dma_wait3A_699, %dma_wait3A_700] : memref<320000x16xf32, #tpu.memory_space<hbm>> -> memref<320000x16xf32, #tpu.memory_space<hbm>>
      tpu.wait_indirect_dma semaphore(%arg39 : memref<!tpu.dma_semaphore, #tpu.memory_space<semaphore_mem>>) src(%dma_wait3A_701 : memref<320000x16xf32, #tpu.memory_space<hbm>>) dst(%arg30 : memref<64x16xf32, #tpu.memory_space<vmem>>)
      %add3A_702 = arith.constant 1 : i32
      %add3A_703 = arith.addi %mul3A_249, %add3A_702 : i32
      %mul3A_704 = arith.constant 64 : i32
      %mul3A_705 = arith.muli %add3A_703, %mul3A_704 : i32
      %add3A_706 = arith.constant 0 : i32
      %add3A_707 = arith.addi %mul3A_705, %add3A_706 : i32
      %get3A_708 = arith.index_cast %add3A_707 : i32 to index
      %get3A_709 = tpu.vector_load %arg19[%get3A_708] {strides = array<i32>} : memref<10128xi32, #tpu.memory_space<vmem>>, vector<16xi32>,
      %swap3A_710 = arith.constant 0 : index
      %swap3A_711 = tpu.vector_load %arg21[%swap3A_710] {strides = array<i32>} : memref<64xi32, #tpu.memory_space<vmem>>, vector<16xi32>,
      tpu.vector_store %arg21[%swap3A_710], %get3A_709 {strides = array<i32>} : memref<64xi32, #tpu.memory_space<vmem>>, vector<16xi32>,
      %mul3A_712 = arith.constant 64 : i32
      %mul3A_713 = arith.muli %add3A_703, %mul3A_712 : i32
      %add3A_714 = arith.constant 16 : i32
      %add3A_715 = arith.addi %mul3A_713, %add3A_714 : i32
      %get3A_716 = arith.index_cast %add3A_715 : i32 to index
      %get3A_717 = tpu.vector_load %arg19[%get3A_716] {strides = array<i32>} : memref<10128xi32, #tpu.memory_space<vmem>>, vector<16xi32>,
      %swap3A_718 = arith.constant 16 : index
      %swap3A_719 = tpu.vector_load %arg21[%swap3A_718] {strides = array<i32>} : memref<64xi32, #tpu.memory_space<vmem>>, vector<16xi32>,
      tpu.vector_store %arg21[%swap3A_718], %get3A_717 {strides = array<i32>} : memref<64xi32, #tpu.memory_space<vmem>>, vector<16xi32>,
      %mul3A_720 = arith.constant 64 : i32
      %mul3A_721 = arith.muli %add3A_703, %mul3A_720 : i32
      %add3A_722 = arith.constant 32 : i32
      %add3A_723 = arith.addi %mul3A_721, %add3A_722 : i32
      %get3A_724 = arith.index_cast %add3A_723 : i32 to index
      %get3A_725 = tpu.vector_load %arg19[%get3A_724] {strides = array<i32>} : memref<10128xi32, #tpu.memory_space<vmem>>, vector<16xi32>,
      %swap3A_726 = arith.constant 32 : index
      %swap3A_727 = tpu.vector_load %arg21[%swap3A_726] {strides = array<i32>} : memref<64xi32, #tpu.memory_space<vmem>>, vector<16xi32>,
      tpu.vector_store %arg21[%swap3A_726], %get3A_725 {strides = array<i32>} : memref<64xi32, #tpu.memory_space<vmem>>, vector<16xi32>,
      %mul3A_728 = arith.constant 64 : i32
      %mul3A_729 = arith.muli %add3A_703, %mul3A_728 : i32
      %add3A_730 = arith.constant 48 : i32
      %add3A_731 = arith.addi %mul3A_729, %add3A_730 : i32
      %get3A_732 = arith.index_cast %add3A_731 : i32 to index
      %get3A_733 = tpu.vector_load %arg19[%get3A_732] {strides = array<i32>} : memref<10128xi32, #tpu.memory_space<vmem>>, vector<16xi32>,
      %swap3A_734 = arith.constant 48 : index
      %swap3A_735 = tpu.vector_load %arg21[%swap3A_734] {strides = array<i32>} : memref<64xi32, #tpu.memory_space<vmem>>, vector<16xi32>,
      tpu.vector_store %arg21[%swap3A_734], %get3A_733 {strides = array<i32>} : memref<64xi32, #tpu.memory_space<vmem>>, vector<16xi32>,
      %scan3A_736 = arith.constant 0 : i32
      %scan3A_737 = arith.constant 0 : i32
      %scan3A_738 = arith.constant 256 : i32
      %scan3A_739 = arith.addi %scan3A_737, %scan3A_738 : i32
      %scan3A_740 = arith.constant 1 : i32
      scf.for %scan3A_742 = %scan3A_737 to %scan3A_739 step %scan3A_740  : i32 {
        %jit3A_743 = arith.constant 4 : i32
        %div3A_744 = arith.divsi %scan3A_742, %jit3A_743 : i32
        %sign3A_745 = arith.constant 0 : i32
        %sign3A_746 = arith.cmpi sgt, %scan3A_742, %sign3A_745 : i32
        %sign3A_747 = arith.extui %sign3A_746 : i1 to i32
        %sign3A_748 = arith.constant 0 : i32
        %sign3A_749 = arith.cmpi slt, %scan3A_742, %sign3A_748 : i32
        %sign3A_750 = arith.extui %sign3A_749 : i1 to i32
        %sign3A_751 = arith.subi %sign3A_747, %sign3A_750 : i32
        %sign3A_752 = arith.constant 0 : i32
        %sign3A_753 = arith.cmpi sgt, %jit3A_743, %sign3A_752 : i32
        %sign3A_754 = arith.extui %sign3A_753 : i1 to i32
        %sign3A_755 = arith.constant 0 : i32
        %sign3A_756 = arith.cmpi slt, %jit3A_743, %sign3A_755 : i32
        %sign3A_757 = arith.extui %sign3A_756 : i1 to i32
        %sign3A_758 = arith.subi %sign3A_754, %sign3A_757 : i32
        %ne3A_759 = arith.cmpi ne, %sign3A_751, %sign3A_758 : i32
        %rem3A_760 = arith.remsi %scan3A_742, %jit3A_743 : i32
        %ne3A_761 = arith.constant 0 : i32
        %ne3A_762 = arith.cmpi ne, %rem3A_760, %ne3A_761 : i32
        %and3A_763 = arith.andi %ne3A_759, %ne3A_762 : i1
        %sub3A_764 = arith.constant 1 : i32
        %sub3A_765 = arith.subi %div3A_744, %sub3A_764 : i32
        %select_n3A_766 = arith.select %and3A_763, %sub3A_765, %div3A_744 : i32
        %jit3A_767 = arith.constant 4 : i32
        %eq3A_768 = arith.constant 0 : i32
        %eq3A_769 = arith.cmpi eq, %jit3A_767, %eq3A_768 : i32
        %jit3A_770 = arith.constant 1 : i32
        %select_n3A_771 = arith.select %eq3A_769, %jit3A_770, %jit3A_767 : i32
        %rem3A_772 = arith.remsi %scan3A_742, %select_n3A_771 : i32
        %ne3A_773 = arith.constant 0 : i32
        %ne3A_774 = arith.cmpi ne, %rem3A_772, %ne3A_773 : i32
        %lt3A_775 = arith.constant 0 : i32
        %lt3A_776 = arith.cmpi slt, %rem3A_772, %lt3A_775 : i32
        %lt3A_777 = arith.constant 0 : i32
        %lt3A_778 = arith.cmpi slt, %select_n3A_771, %lt3A_777 : i32
        %ne3A_779 = arith.xori %lt3A_776, %lt3A_778 : i1
        %and3A_780 = arith.andi %ne3A_779, %ne3A_774 : i1
        %add3A_781 = arith.addi %rem3A_772, %select_n3A_771 : i32
        %select_n3A_782 = arith.select %and3A_780, %add3A_781, %rem3A_772 : i32
        %mul3A_783 = arith.constant 16 : i32
        %mul3A_784 = arith.muli %select_n3A_782, %mul3A_783 : i32
        %get3A_785 = arith.index_cast %select_n3A_766 : i32 to index
        %get3A_786 = arith.index_cast %mul3A_784 : i32 to index
        %get3A_787 = tpu.vector_load %arg28[%get3A_785, %get3A_786] {strides = array<i32>} : memref<64x64xi32, #tpu.memory_space<vmem>>, vector<16xi32>,
        %mul3A_788 = arith.constant 16 : i32
        %mul3A_789 = arith.muli %select_n3A_782, %mul3A_788 : i32
        %get3A_790 = arith.index_cast %select_n3A_766 : i32 to index
        %get3A_791 = arith.index_cast %mul3A_789 : i32 to index
        %get3A_792 = tpu.vector_load %arg29[%get3A_790, %get3A_791] {strides = array<i32>} : memref<64x64xi32, #tpu.memory_space<vmem>>, vector<16xi32>,
        %shift_left3A = arith.constant 16 : i32
        %shift_left3A_793 = vector.broadcast %shift_left3A : i32 to vector<16xi32>
        %shift_left3A_794 = arith.shli %get3A_787, %shift_left3A_793 : vector<16xi32>
        %bitcast_convert_type3A = tpu.bitcast %shift_left3A_794 : vector<16xi32> -> vector<16xf32>
        %shift_left3A_795 = arith.constant 16 : i32
        %shift_left3A_796 = vector.broadcast %shift_left3A_795 : i32 to vector<16xi32>
        %shift_left3A_797 = arith.shli %get3A_792, %shift_left3A_796 : vector<16xi32>
        %bitcast_convert_type3A_798 = tpu.bitcast %shift_left3A_797 : vector<16xi32> -> vector<16xf32>
        %add3A_799 = arith.addf %bitcast_convert_type3A, %bitcast_convert_type3A_798 : vector<16xf32>
        %mul3A_800 = arith.constant 16 : i32
        %mul3A_801 = arith.muli %select_n3A_782, %mul3A_800 : i32
        %swap3A_802 = arith.index_cast %select_n3A_766 : i32 to index
        %swap3A_803 = arith.index_cast %mul3A_801 : i32 to index
        %swap3A_804 = tpu.vector_load %arg31[%swap3A_802, %swap3A_803] {strides = array<i32>} : memref<64x128xf32, #tpu.memory_space<vmem>>, vector<16xf32>,
        tpu.vector_store %arg31[%swap3A_802, %swap3A_803], %add3A_799 {strides = array<i32>} : memref<64x128xf32, #tpu.memory_space<vmem>>, vector<16xf32>,
        %and3A_805 = arith.constant -65536 : i32
        %and3A_806 = vector.broadcast %and3A_805 : i32 to vector<16xi32>
        %and3A_807 = arith.andi %get3A_787, %and3A_806 : vector<16xi32>
        %bitcast_convert_type3A_808 = tpu.bitcast %and3A_807 : vector<16xi32> -> vector<16xf32>
        %and3A_809 = arith.constant -65536 : i32
        %and3A_810 = vector.broadcast %and3A_809 : i32 to vector<16xi32>
        %and3A_811 = arith.andi %get3A_792, %and3A_810 : vector<16xi32>
        %bitcast_convert_type3A_812 = tpu.bitcast %and3A_811 : vector<16xi32> -> vector<16xf32>
        %add3A_813 = arith.addf %bitcast_convert_type3A_808, %bitcast_convert_type3A_812 : vector<16xf32>
        %mul3A_814 = arith.constant 16 : i32
        %mul3A_815 = arith.muli %select_n3A_782, %mul3A_814 : i32
        %add3A_816 = arith.constant 64 : i32
        %add3A_817 = arith.addi %add3A_816, %mul3A_815 : i32
        %swap3A_818 = arith.index_cast %select_n3A_766 : i32 to index
        %swap3A_819 = arith.index_cast %add3A_817 : i32 to index
        %swap3A_820 = tpu.vector_load %arg31[%swap3A_818, %swap3A_819] {strides = array<i32>} : memref<64x128xf32, #tpu.memory_space<vmem>>, vector<16xf32>,
        tpu.vector_store %arg31[%swap3A_818, %swap3A_819], %add3A_813 {strides = array<i32>} : memref<64x128xf32, #tpu.memory_space<vmem>>, vector<16xf32>,
      }
      %scan3A_741 = arith.constant 256 : i32
      "tpu.region"() ({
        %run_scoped3A = tpu.sem_alloc : memref<!tpu.dma_semaphore, #tpu.memory_space<semaphore_mem>>
        %dma_start3A_742 = arith.constant 0 : i32
        %dma_start3A_743 = arith.constant 0 : i32
        %dma_start3A_744 = tpu.memref_slice %arg16[%dma_start3A_742, %dma_start3A_743] : memref<2176x128xf32, #tpu.memory_space<vmem_shared>> -> memref<2176x128xf32, #tpu.memory_space<vmem_shared>>
        tpu.enqueue_indirect_dma source(%arg31 : memref<64x128xf32, #tpu.memory_space<vmem>>) target(%dma_start3A_744 : memref<2176x128xf32, #tpu.memory_space<vmem_shared>>) offsets(%arg21 : memref<64xi32, #tpu.memory_space<vmem>>) semaphore(%run_scoped3A : memref<!tpu.dma_semaphore, #tpu.memory_space<semaphore_mem>>) {add = true}
        %dma_wait3A_745 = arith.constant 0 : i32
        %dma_wait3A_746 = arith.constant 0 : i32
        %dma_wait3A_747 = tpu.memref_slice %arg16[%dma_wait3A_745, %dma_wait3A_746] : memref<2176x128xf32, #tpu.memory_space<vmem_shared>> -> memref<2176x128xf32, #tpu.memory_space<vmem_shared>>
        tpu.wait_indirect_dma semaphore(%run_scoped3A : memref<!tpu.dma_semaphore, #tpu.memory_space<semaphore_mem>>) src(%arg31 : memref<64x128xf32, #tpu.memory_space<vmem>>) dst(%dma_wait3A_747 : memref<2176x128xf32, #tpu.memory_space<vmem_shared>>)
        tpu.yield
      }) : () -> ()
      "tpu.region"() ({
        %run_scoped3A = tpu.sem_alloc : memref<!tpu.dma_semaphore, #tpu.memory_space<semaphore_mem>>
        %dma_start3A_742 = arith.constant 0 : i32
        %dma_start3A_743 = arith.constant 0 : i32
        %dma_start3A_744 = tpu.memref_slice %arg17[%dma_start3A_742, %dma_start3A_743] : memref<2176x16xf32, #tpu.memory_space<vmem_shared>> -> memref<2176x16xf32, #tpu.memory_space<vmem_shared>>
        tpu.enqueue_indirect_dma source(%arg30 : memref<64x16xf32, #tpu.memory_space<vmem>>) target(%dma_start3A_744 : memref<2176x16xf32, #tpu.memory_space<vmem_shared>>) offsets(%arg21 : memref<64xi32, #tpu.memory_space<vmem>>) semaphore(%run_scoped3A : memref<!tpu.dma_semaphore, #tpu.memory_space<semaphore_mem>>) {add = true}
        %dma_wait3A_745 = arith.constant 0 : i32
        %dma_wait3A_746 = arith.constant 0 : i32
        %dma_wait3A_747 = tpu.memref_slice %arg17[%dma_wait3A_745, %dma_wait3A_746] : memref<2176x16xf32, #tpu.memory_space<vmem_shared>> -> memref<2176x16xf32, #tpu.memory_space<vmem_shared>>
        tpu.wait_indirect_dma semaphore(%run_scoped3A : memref<!tpu.dma_semaphore, #tpu.memory_space<semaphore_mem>>) src(%arg30 : memref<64x16xf32, #tpu.memory_space<vmem>>) dst(%dma_wait3A_747 : memref<2176x16xf32, #tpu.memory_space<vmem_shared>>)
        tpu.yield
      }) : () -> ()
    }
    %mul3A_97 = arith.constant 2 : i32
    %mul3A_98 = arith.muli %mul3A_97, %select_n3A_70 : i32
    %mul3A_99 = arith.constant 64 : i32
    %mul3A_100 = arith.muli %mul3A_98, %mul3A_99 : i32
    %dma_wait3A = tpu.memref_slice %arg18[%mul3A_100] : memref<10128xi32, #tpu.memory_space<vmem>> -> memref<64xi32, #tpu.memory_space<vmem>>
    %dma_wait3A_101 = arith.constant 0 : i32
    %dma_wait3A_102 = arith.constant 0 : i32
    %dma_wait3A_103 = tpu.memref_slice %arg2[%dma_wait3A_101, %dma_wait3A_102] : memref<10000x64xi32, #tpu.memory_space<hbm>> -> memref<10000x64xi32, #tpu.memory_space<hbm>>
    tpu.wait_indirect_dma semaphore(%arg34 : memref<!tpu.dma_semaphore, #tpu.memory_space<semaphore_mem>>) src(%dma_wait3A_103 : memref<10000x64xi32, #tpu.memory_space<hbm>>) dst(%arg25 : memref<64x64xi32, #tpu.memory_space<vmem>>)
    %mul3A_104 = arith.constant 64 : i32
    %mul3A_105 = arith.muli %mul3A_98, %mul3A_104 : i32
    %jit3A_106 = arith.constant 2048 : i32
    %div3A_107 = arith.divsi %mul3A_105, %jit3A_106 : i32
    %sign3A_108 = arith.constant 0 : i32
    %sign3A_109 = arith.cmpi sgt, %mul3A_105, %sign3A_108 : i32
    %sign3A_110 = arith.extui %sign3A_109 : i1 to i32
    %sign3A_111 = arith.constant 0 : i32
    %sign3A_112 = arith.cmpi slt, %mul3A_105, %sign3A_111 : i32
    %sign3A_113 = arith.extui %sign3A_112 : i1 to i32
    %sign3A_114 = arith.subi %sign3A_110, %sign3A_113 : i32
    %sign3A_115 = arith.constant 0 : i32
    %sign3A_116 = arith.cmpi sgt, %jit3A_106, %sign3A_115 : i32
    %sign3A_117 = arith.extui %sign3A_116 : i1 to i32
    %sign3A_118 = arith.constant 0 : i32
    %sign3A_119 = arith.cmpi slt, %jit3A_106, %sign3A_118 : i32
    %sign3A_120 = arith.extui %sign3A_119 : i1 to i32
    %sign3A_121 = arith.subi %sign3A_117, %sign3A_120 : i32
    %ne3A_122 = arith.cmpi ne, %sign3A_114, %sign3A_121 : i32
    %rem3A_123 = arith.remsi %mul3A_105, %jit3A_106 : i32
    %ne3A_124 = arith.constant 0 : i32
    %ne3A_125 = arith.cmpi ne, %rem3A_123, %ne3A_124 : i32
    %and3A_126 = arith.andi %ne3A_122, %ne3A_125 : i1
    %sub3A_127 = arith.constant 1 : i32
    %sub3A_128 = arith.subi %div3A_107, %sub3A_127 : i32
    %select_n3A_129 = arith.select %and3A_126, %sub3A_128, %div3A_107 : i32
    %jit3A_130 = arith.constant 2048 : i32
    %eq3A_131 = arith.constant 0 : i32
    %eq3A_132 = arith.cmpi eq, %jit3A_130, %eq3A_131 : i32
    %jit3A_133 = arith.constant 1 : i32
    %select_n3A_134 = arith.select %eq3A_132, %jit3A_133, %jit3A_130 : i32
    %rem3A_135 = arith.remsi %mul3A_105, %select_n3A_134 : i32
    %ne3A_136 = arith.constant 0 : i32
    %ne3A_137 = arith.cmpi ne, %rem3A_135, %ne3A_136 : i32
    %lt3A = arith.constant 0 : i32
    %lt3A_138 = arith.cmpi slt, %rem3A_135, %lt3A : i32
    %lt3A_139 = arith.constant 0 : i32
    %lt3A_140 = arith.cmpi slt, %select_n3A_134, %lt3A_139 : i32
    %ne3A_141 = arith.xori %lt3A_138, %lt3A_140 : i1
    %and3A_142 = arith.andi %ne3A_141, %ne3A_137 : i1
    %add3A_143 = arith.addi %rem3A_135, %select_n3A_134 : i32
    %select_n3A_144 = arith.select %and3A_142, %add3A_143, %rem3A_135 : i32
    %jit3A_145 = arith.constant 1024 : i32
    %div3A_146 = arith.divsi %select_n3A_144, %jit3A_145 : i32
    %sign3A_147 = arith.constant 0 : i32
    %sign3A_148 = arith.cmpi sgt, %select_n3A_144, %sign3A_147 : i32
    %sign3A_149 = arith.extui %sign3A_148 : i1 to i32
    %sign3A_150 = arith.constant 0 : i32
    %sign3A_151 = arith.cmpi slt, %select_n3A_144, %sign3A_150 : i32
    %sign3A_152 = arith.extui %sign3A_151 : i1 to i32
    %sign3A_153 = arith.subi %sign3A_149, %sign3A_152 : i32
    %sign3A_154 = arith.constant 0 : i32
    %sign3A_155 = arith.cmpi sgt, %jit3A_145, %sign3A_154 : i32
    %sign3A_156 = arith.extui %sign3A_155 : i1 to i32
    %sign3A_157 = arith.constant 0 : i32
    %sign3A_158 = arith.cmpi slt, %jit3A_145, %sign3A_157 : i32
    %sign3A_159 = arith.extui %sign3A_158 : i1 to i32
    %sign3A_160 = arith.subi %sign3A_156, %sign3A_159 : i32
    %ne3A_161 = arith.cmpi ne, %sign3A_153, %sign3A_160 : i32
    %rem3A_162 = arith.remsi %select_n3A_144, %jit3A_145 : i32
    %ne3A_163 = arith.constant 0 : i32
    %ne3A_164 = arith.cmpi ne, %rem3A_162, %ne3A_163 : i32
    %and3A_165 = arith.andi %ne3A_161, %ne3A_164 : i1
    %sub3A_166 = arith.constant 1 : i32
    %sub3A_167 = arith.subi %div3A_146, %sub3A_166 : i32
    %select_n3A_168 = arith.select %and3A_165, %sub3A_167, %div3A_146 : i32
    %mul3A_169 = arith.constant 1024 : i32
    %mul3A_170 = arith.muli %select_n3A_129, %mul3A_169 : i32
    %add3A_171 = arith.addi %mul3A_24, %mul3A_170 : i32
    %jit3A_172 = arith.constant 1024 : i32
    %eq3A_173 = arith.constant 0 : i32
    %eq3A_174 = arith.cmpi eq, %jit3A_172, %eq3A_173 : i32
    %jit3A_175 = arith.constant 1 : i32
    %select_n3A_176 = arith.select %eq3A_174, %jit3A_175, %jit3A_172 : i32
    %rem3A_177 = arith.remsi %select_n3A_144, %select_n3A_176 : i32
    %ne3A_178 = arith.constant 0 : i32
    %ne3A_179 = arith.cmpi ne, %rem3A_177, %ne3A_178 : i32
    %lt3A_180 = arith.constant 0 : i32
    %lt3A_181 = arith.cmpi slt, %rem3A_177, %lt3A_180 : i32
    %lt3A_182 = arith.constant 0 : i32
    %lt3A_183 = arith.cmpi slt, %select_n3A_176, %lt3A_182 : i32
    %ne3A_184 = arith.xori %lt3A_181, %lt3A_183 : i1
    %and3A_185 = arith.andi %ne3A_184, %ne3A_179 : i1
    %add3A_186 = arith.addi %rem3A_177, %select_n3A_176 : i32
    %select_n3A_187 = arith.select %and3A_185, %add3A_186, %rem3A_177 : i32
    %add3A_188 = arith.addi %add3A_171, %select_n3A_187 : i32
    %mul3A_189 = arith.constant 64 : i32
    %mul3A_190 = arith.muli %select_n3A_168, %mul3A_189 : i32
    %dma_wait3A_191 = tpu.memref_slice %arg3[%add3A_188, %mul3A_190] : memref<163840x128xi32, #tpu.memory_space<hbm>> -> memref<64x64xi32, #tpu.memory_space<hbm>>
    %dma_wait3A_192 = tpu.memref_slice %arg3[%add3A_188, %mul3A_190] : memref<163840x128xi32, #tpu.memory_space<hbm>> -> memref<64x64xi32, #tpu.memory_space<hbm>>
    tpu.wait_dma2 semaphore(%arg35 : memref<!tpu.dma_semaphore, #tpu.memory_space<semaphore_mem>>) src(%dma_wait3A_192 : memref<64x64xi32, #tpu.memory_space<hbm>>) dst(%arg26 : memref<64x64xi32, #tpu.memory_space<vmem>>)
    %mul3A_193 = arith.constant 64 : i32
    %mul3A_194 = arith.muli %mul3A_98, %mul3A_193 : i32
    %dma_wait3A_195 = tpu.memref_slice %arg20[%mul3A_194] : memref<10128xi32, #tpu.memory_space<vmem>> -> memref<64xi32, #tpu.memory_space<vmem>>
    %dma_wait3A_196 = arith.constant 0 : i32
    %dma_wait3A_197 = arith.constant 0 : i32
    %dma_wait3A_198 = tpu.memref_slice %arg4[%dma_wait3A_196, %dma_wait3A_197] : memref<320000x16xf32, #tpu.memory_space<hbm>> -> memref<320000x16xf32, #tpu.memory_space<hbm>>
    tpu.wait_indirect_dma semaphore(%arg36 : memref<!tpu.dma_semaphore, #tpu.memory_space<semaphore_mem>>) src(%dma_wait3A_198 : memref<320000x16xf32, #tpu.memory_space<hbm>>) dst(%arg27 : memref<64x16xf32, #tpu.memory_space<vmem>>)
    %mul3A_199 = arith.constant 2 : i32
    %mul3A_200 = arith.muli %mul3A_199, %select_n3A_70 : i32
    %mul3A_201 = arith.constant 64 : i32
    %mul3A_202 = arith.muli %mul3A_200, %mul3A_201 : i32
    %add3A_203 = arith.constant 0 : i32
    %add3A_204 = arith.addi %mul3A_202, %add3A_203 : i32
    %get3A_205 = arith.index_cast %add3A_204 : i32 to index
    %get3A_206 = tpu.vector_load %arg19[%get3A_205] {strides = array<i32>} : memref<10128xi32, #tpu.memory_space<vmem>>, vector<16xi32>,
    %swap3A = arith.constant 0 : index
    %swap3A_207 = tpu.vector_load %arg21[%swap3A] {strides = array<i32>} : memref<64xi32, #tpu.memory_space<vmem>>, vector<16xi32>,
    tpu.vector_store %arg21[%swap3A], %get3A_206 {strides = array<i32>} : memref<64xi32, #tpu.memory_space<vmem>>, vector<16xi32>,
    %mul3A_208 = arith.constant 64 : i32
    %mul3A_209 = arith.muli %mul3A_200, %mul3A_208 : i32
    %add3A_210 = arith.constant 16 : i32
    %add3A_211 = arith.addi %mul3A_209, %add3A_210 : i32
    %get3A_212 = arith.index_cast %add3A_211 : i32 to index
    %get3A_213 = tpu.vector_load %arg19[%get3A_212] {strides = array<i32>} : memref<10128xi32, #tpu.memory_space<vmem>>, vector<16xi32>,
    %swap3A_214 = arith.constant 16 : index
    %swap3A_215 = tpu.vector_load %arg21[%swap3A_214] {strides = array<i32>} : memref<64xi32, #tpu.memory_space<vmem>>, vector<16xi32>,
    tpu.vector_store %arg21[%swap3A_214], %get3A_213 {strides = array<i32>} : memref<64xi32, #tpu.memory_space<vmem>>, vector<16xi32>,
    %mul3A_216 = arith.constant 64 : i32
    %mul3A_217 = arith.muli %mul3A_200, %mul3A_216 : i32
    %add3A_218 = arith.constant 32 : i32
    %add3A_219 = arith.addi %mul3A_217, %add3A_218 : i32
    %get3A_220 = arith.index_cast %add3A_219 : i32 to index
    %get3A_221 = tpu.vector_load %arg19[%get3A_220] {strides = array<i32>} : memref<10128xi32, #tpu.memory_space<vmem>>, vector<16xi32>,
    %swap3A_222 = arith.constant 32 : index
    %swap3A_223 = tpu.vector_load %arg21[%swap3A_222] {strides = array<i32>} : memref<64xi32, #tpu.memory_space<vmem>>, vector<16xi32>,
    tpu.vector_store %arg21[%swap3A_222], %get3A_221 {strides = array<i32>} : memref<64xi32, #tpu.memory_space<vmem>>, vector<16xi32>,
    %mul3A_224 = arith.constant 64 : i32
    %mul3A_225 = arith.muli %mul3A_200, %mul3A_224 : i32
    %add3A_226 = arith.constant 48 : i32
    %add3A_227 = arith.addi %mul3A_225, %add3A_226 : i32
    %get3A_228 = arith.index_cast %add3A_227 : i32 to index
    %get3A_229 = tpu.vector_load %arg19[%get3A_228] {strides = array<i32>} : memref<10128xi32, #tpu.memory_space<vmem>>, vector<16xi32>,
    %swap3A_230 = arith.constant 48 : index
    %swap3A_231 = tpu.vector_load %arg21[%swap3A_230] {strides = array<i32>} : memref<64xi32, #tpu.memory_space<vmem>>, vector<16xi32>,
    tpu.vector_store %arg21[%swap3A_230], %get3A_229 {strides = array<i32>} : memref<64xi32, #tpu.memory_space<vmem>>, vector<16xi32>,
    %scan3A = arith.constant 0 : i32
    %scan3A_232 = arith.constant 0 : i32
    %scan3A_233 = arith.constant 256 : i32
    %scan3A_234 = arith.addi %scan3A_232, %scan3A_233 : i32
    %scan3A_235 = arith.constant 1 : i32
    scf.for %scan3A_247 = %scan3A_232 to %scan3A_234 step %scan3A_235  : i32 {
      %jit3A_248 = arith.constant 4 : i32
      %div3A_249 = arith.divsi %scan3A_247, %jit3A_248 : i32
      %sign3A_250 = arith.constant 0 : i32
      %sign3A_251 = arith.cmpi sgt, %scan3A_247, %sign3A_250 : i32
      %sign3A_252 = arith.extui %sign3A_251 : i1 to i32
      %sign3A_253 = arith.constant 0 : i32
      %sign3A_254 = arith.cmpi slt, %scan3A_247, %sign3A_253 : i32
      %sign3A_255 = arith.extui %sign3A_254 : i1 to i32
      %sign3A_256 = arith.subi %sign3A_252, %sign3A_255 : i32
      %sign3A_257 = arith.constant 0 : i32
      %sign3A_258 = arith.cmpi sgt, %jit3A_248, %sign3A_257 : i32
      %sign3A_259 = arith.extui %sign3A_258 : i1 to i32
      %sign3A_260 = arith.constant 0 : i32
      %sign3A_261 = arith.cmpi slt, %jit3A_248, %sign3A_260 : i32
      %sign3A_262 = arith.extui %sign3A_261 : i1 to i32
      %sign3A_263 = arith.subi %sign3A_259, %sign3A_262 : i32
      %ne3A_264 = arith.cmpi ne, %sign3A_256, %sign3A_263 : i32
      %rem3A_265 = arith.remsi %scan3A_247, %jit3A_248 : i32
      %ne3A_266 = arith.constant 0 : i32
      %ne3A_267 = arith.cmpi ne, %rem3A_265, %ne3A_266 : i32
      %and3A_268 = arith.andi %ne3A_264, %ne3A_267 : i1
      %sub3A_269 = arith.constant 1 : i32
      %sub3A_270 = arith.subi %div3A_249, %sub3A_269 : i32
      %select_n3A_271 = arith.select %and3A_268, %sub3A_270, %div3A_249 : i32
      %jit3A_272 = arith.constant 4 : i32
      %eq3A_273 = arith.constant 0 : i32
      %eq3A_274 = arith.cmpi eq, %jit3A_272, %eq3A_273 : i32
      %jit3A_275 = arith.constant 1 : i32
      %select_n3A_276 = arith.select %eq3A_274, %jit3A_275, %jit3A_272 : i32
      %rem3A_277 = arith.remsi %scan3A_247, %select_n3A_276 : i32
      %ne3A_278 = arith.constant 0 : i32
      %ne3A_279 = arith.cmpi ne, %rem3A_277, %ne3A_278 : i32
      %lt3A_280 = arith.constant 0 : i32
      %lt3A_281 = arith.cmpi slt, %rem3A_277, %lt3A_280 : i32
      %lt3A_282 = arith.constant 0 : i32
      %lt3A_283 = arith.cmpi slt, %select_n3A_276, %lt3A_282 : i32
      %ne3A_284 = arith.xori %lt3A_281, %lt3A_283 : i1
      %and3A_285 = arith.andi %ne3A_284, %ne3A_279 : i1
      %add3A_286 = arith.addi %rem3A_277, %select_n3A_276 : i32
      %select_n3A_287 = arith.select %and3A_285, %add3A_286, %rem3A_277 : i32
      %mul3A_288 = arith.constant 16 : i32
      %mul3A_289 = arith.muli %select_n3A_287, %mul3A_288 : i32
      %get3A_290 = arith.index_cast %select_n3A_271 : i32 to index
      %get3A_291 = arith.index_cast %mul3A_289 : i32 to index
      %get3A_292 = tpu.vector_load %arg25[%get3A_290, %get3A_291] {strides = array<i32>} : memref<64x64xi32, #tpu.memory_space<vmem>>, vector<16xi32>,
      %mul3A_293 = arith.constant 16 : i32
      %mul3A_294 = arith.muli %select_n3A_287, %mul3A_293 : i32
      %get3A_295 = arith.index_cast %select_n3A_271 : i32 to index
      %get3A_296 = arith.index_cast %mul3A_294 : i32 to index
      %get3A_297 = tpu.vector_load %arg26[%get3A_295, %get3A_296] {strides = array<i32>} : memref<64x64xi32, #tpu.memory_space<vmem>>, vector<16xi32>,
      %shift_left3A = arith.constant 16 : i32
      %shift_left3A_298 = vector.broadcast %shift_left3A : i32 to vector<16xi32>
      %shift_left3A_299 = arith.shli %get3A_292, %shift_left3A_298 : vector<16xi32>
      %bitcast_convert_type3A = tpu.bitcast %shift_left3A_299 : vector<16xi32> -> vector<16xf32>
      %shift_left3A_300 = arith.constant 16 : i32
      %shift_left3A_301 = vector.broadcast %shift_left3A_300 : i32 to vector<16xi32>
      %shift_left3A_302 = arith.shli %get3A_297, %shift_left3A_301 : vector<16xi32>
      %bitcast_convert_type3A_303 = tpu.bitcast %shift_left3A_302 : vector<16xi32> -> vector<16xf32>
      %add3A_304 = arith.addf %bitcast_convert_type3A, %bitcast_convert_type3A_303 : vector<16xf32>
      %mul3A_305 = arith.constant 16 : i32
      %mul3A_306 = arith.muli %select_n3A_287, %mul3A_305 : i32
      %swap3A_307 = arith.index_cast %select_n3A_271 : i32 to index
      %swap3A_308 = arith.index_cast %mul3A_306 : i32 to index
      %swap3A_309 = tpu.vector_load %arg31[%swap3A_307, %swap3A_308] {strides = array<i32>} : memref<64x128xf32, #tpu.memory_space<vmem>>, vector<16xf32>,
      tpu.vector_store %arg31[%swap3A_307, %swap3A_308], %add3A_304 {strides = array<i32>} : memref<64x128xf32, #tpu.memory_space<vmem>>, vector<16xf32>,
      %and3A_310 = arith.constant -65536 : i32
      %and3A_311 = vector.broadcast %and3A_310 : i32 to vector<16xi32>
      %and3A_312 = arith.andi %get3A_292, %and3A_311 : vector<16xi32>
      %bitcast_convert_type3A_313 = tpu.bitcast %and3A_312 : vector<16xi32> -> vector<16xf32>
      %and3A_314 = arith.constant -65536 : i32
      %and3A_315 = vector.broadcast %and3A_314 : i32 to vector<16xi32>
      %and3A_316 = arith.andi %get3A_297, %and3A_315 : vector<16xi32>
      %bitcast_convert_type3A_317 = tpu.bitcast %and3A_316 : vector<16xi32> -> vector<16xf32>
      %add3A_318 = arith.addf %bitcast_convert_type3A_313, %bitcast_convert_type3A_317 : vector<16xf32>
      %mul3A_319 = arith.constant 16 : i32
      %mul3A_320 = arith.muli %select_n3A_287, %mul3A_319 : i32
      %add3A_321 = arith.constant 64 : i32
      %add3A_322 = arith.addi %add3A_321, %mul3A_320 : i32
      %swap3A_323 = arith.index_cast %select_n3A_271 : i32 to index
      %swap3A_324 = arith.index_cast %add3A_322 : i32 to index
      %swap3A_325 = tpu.vector_load %arg31[%swap3A_323, %swap3A_324] {strides = array<i32>} : memref<64x128xf32, #tpu.memory_space<vmem>>, vector<16xf32>,
      tpu.vector_store %arg31[%swap3A_323, %swap3A_324], %add3A_318 {strides = array<i32>} : memref<64x128xf32, #tpu.memory_space<vmem>>, vector<16xf32>,
    }
    %scan3A_236 = arith.constant 256 : i32
    "tpu.region"() ({
      %run_scoped3A = tpu.sem_alloc : memref<!tpu.dma_semaphore, #tpu.memory_space<semaphore_mem>>
      %dma_start3A_247 = arith.constant 0 : i32
      %dma_start3A_248 = arith.constant 0 : i32
      %dma_start3A_249 = tpu.memref_slice %arg16[%dma_start3A_247, %dma_start3A_248] : memref<2176x128xf32, #tpu.memory_space<vmem_shared>> -> memref<2176x128xf32, #tpu.memory_space<vmem_shared>>
      tpu.enqueue_indirect_dma source(%arg31 : memref<64x128xf32, #tpu.memory_space<vmem>>) target(%dma_start3A_249 : memref<2176x128xf32, #tpu.memory_space<vmem_shared>>) offsets(%arg21 : memref<64xi32, #tpu.memory_space<vmem>>) semaphore(%run_scoped3A : memref<!tpu.dma_semaphore, #tpu.memory_space<semaphore_mem>>) {add = true}
      %dma_wait3A_250 = arith.constant 0 : i32
      %dma_wait3A_251 = arith.constant 0 : i32
      %dma_wait3A_252 = tpu.memref_slice %arg16[%dma_wait3A_250, %dma_wait3A_251] : memref<2176x128xf32, #tpu.memory_space<vmem_shared>> -> memref<2176x128xf32, #tpu.memory_space<vmem_shared>>
      tpu.wait_indirect_dma semaphore(%run_scoped3A : memref<!tpu.dma_semaphore, #tpu.memory_space<semaphore_mem>>) src(%arg31 : memref<64x128xf32, #tpu.memory_space<vmem>>) dst(%dma_wait3A_252 : memref<2176x128xf32, #tpu.memory_space<vmem_shared>>)
      tpu.yield
    }) : () -> ()
    "tpu.region"() ({
      %run_scoped3A = tpu.sem_alloc : memref<!tpu.dma_semaphore, #tpu.memory_space<semaphore_mem>>
      %dma_start3A_247 = arith.constant 0 : i32
      %dma_start3A_248 = arith.constant 0 : i32
      %dma_start3A_249 = tpu.memref_slice %arg17[%dma_start3A_247, %dma_start3A_248] : memref<2176x16xf32, #tpu.memory_space<vmem_shared>> -> memref<2176x16xf32, #tpu.memory_space<vmem_shared>>
      tpu.enqueue_indirect_dma source(%arg27 : memref<64x16xf32, #tpu.memory_space<vmem>>) target(%dma_start3A_249 : memref<2176x16xf32, #tpu.memory_space<vmem_shared>>) offsets(%arg21 : memref<64xi32, #tpu.memory_space<vmem>>) semaphore(%run_scoped3A : memref<!tpu.dma_semaphore, #tpu.memory_space<semaphore_mem>>) {add = true}
      %dma_wait3A_250 = arith.constant 0 : i32
      %dma_wait3A_251 = arith.constant 0 : i32
      %dma_wait3A_252 = tpu.memref_slice %arg17[%dma_wait3A_250, %dma_wait3A_251] : memref<2176x16xf32, #tpu.memory_space<vmem_shared>> -> memref<2176x16xf32, #tpu.memory_space<vmem_shared>>
      tpu.wait_indirect_dma semaphore(%run_scoped3A : memref<!tpu.dma_semaphore, #tpu.memory_space<semaphore_mem>>) src(%arg27 : memref<64x16xf32, #tpu.memory_space<vmem>>) dst(%dma_wait3A_252 : memref<2176x16xf32, #tpu.memory_space<vmem_shared>>)
      tpu.yield
    }) : () -> ()
    %barrier3A_237 = arith.constant 0 : index
    tpu.barrier barrier_id(%barrier3A_237)
    %mul3A_238 = arith.constant 128 : i32
    %mul3A_239 = arith.muli %arg1, %mul3A_238 : i32
    "tpu.region"() ({
      %run_scoped3A = tpu.sem_alloc : memref<!tpu.dma_semaphore, #tpu.memory_space<semaphore_mem>>
      %dma_start3A_247 = tpu.memref_slice %arg10[%mul3A_239] : memref<2048xi32, #tpu.memory_space<hbm>> -> memref<128xi32, #tpu.memory_space<hbm>>
      %dma_start3A_248 = tpu.memref_slice %arg10[%mul3A_239] : memref<2048xi32, #tpu.memory_space<hbm>> -> memref<128xi32, #tpu.memory_space<hbm>>
      tpu.enqueue_dma source(%dma_start3A_248 : memref<128xi32, #tpu.memory_space<hbm>>) target(%arg23 : memref<128xi32, #tpu.memory_space<vmem>>) target_semaphore(%run_scoped3A : memref<!tpu.dma_semaphore, #tpu.memory_space<semaphore_mem>>)
      %dma_wait3A_249 = tpu.memref_slice %arg10[%mul3A_239] : memref<2048xi32, #tpu.memory_space<hbm>> -> memref<128xi32, #tpu.memory_space<hbm>>
      %dma_wait3A_250 = tpu.memref_slice %arg10[%mul3A_239] : memref<2048xi32, #tpu.memory_space<hbm>> -> memref<128xi32, #tpu.memory_space<hbm>>
      tpu.wait_dma2 semaphore(%run_scoped3A : memref<!tpu.dma_semaphore, #tpu.memory_space<semaphore_mem>>) src(%dma_wait3A_250 : memref<128xi32, #tpu.memory_space<hbm>>) dst(%arg23 : memref<128xi32, #tpu.memory_space<vmem>>)
      tpu.yield
    }) : () -> ()
    "tpu.region"() ({
      %run_scoped3A = tpu.sem_alloc : memref<!tpu.dma_semaphore, #tpu.memory_space<semaphore_mem>>
      %dma_start3A_247 = arith.constant 0 : i32
      %dma_start3A_248 = arith.constant 0 : i32
      %dma_start3A_249 = tpu.memref_slice %arg16[%dma_start3A_247, %dma_start3A_248] : memref<2176x128xf32, #tpu.memory_space<vmem_shared>> -> memref<2176x128xf32, #tpu.memory_space<vmem_shared>>
      tpu.enqueue_indirect_dma source(%dma_start3A_249 : memref<2176x128xf32, #tpu.memory_space<vmem_shared>>) target(%arg32 : memref<128x128xf32, #tpu.memory_space<vmem>>) offsets(%arg23 : memref<128xi32, #tpu.memory_space<vmem>>) semaphore(%run_scoped3A : memref<!tpu.dma_semaphore, #tpu.memory_space<semaphore_mem>>)
      %dma_wait3A_250 = arith.constant 0 : i32
      %dma_wait3A_251 = arith.constant 0 : i32
      %dma_wait3A_252 = tpu.memref_slice %arg16[%dma_wait3A_250, %dma_wait3A_251] : memref<2176x128xf32, #tpu.memory_space<vmem_shared>> -> memref<2176x128xf32, #tpu.memory_space<vmem_shared>>
      tpu.wait_indirect_dma semaphore(%run_scoped3A : memref<!tpu.dma_semaphore, #tpu.memory_space<semaphore_mem>>) src(%dma_wait3A_252 : memref<2176x128xf32, #tpu.memory_space<vmem_shared>>) dst(%arg32 : memref<128x128xf32, #tpu.memory_space<vmem>>)
      tpu.yield
    }) : () -> ()
    %mul3A_240 = arith.constant 128 : i32
    %mul3A_241 = arith.muli %arg1, %mul3A_240 : i32
    "tpu.region"() ({
      %run_scoped3A = tpu.sem_alloc : memref<!tpu.dma_semaphore, #tpu.memory_space<semaphore_mem>>
      %dma_start3A_247 = arith.constant 0 : i32
      %dma_start3A_248 = tpu.memref_slice %arg14[%arg0, %mul3A_241, %dma_start3A_247] : memref<3x2048x128xf32, #tpu.memory_space<hbm>> -> memref<1x128x128xf32, #tpu.memory_space<hbm>>
      %dma_start3A_249 = tpu.memref_squeeze %dma_start3A_248 : memref<1x128x128xf32, #tpu.memory_space<hbm>> -> memref<128x128xf32, #tpu.memory_space<hbm>>
      %dma_start3A_250 = arith.constant 0 : i32
      %dma_start3A_251 = tpu.memref_slice %arg14[%arg0, %mul3A_241, %dma_start3A_250] : memref<3x2048x128xf32, #tpu.memory_space<hbm>> -> memref<1x128x128xf32, #tpu.memory_space<hbm>>
      %dma_start3A_252 = tpu.memref_squeeze %dma_start3A_251 : memref<1x128x128xf32, #tpu.memory_space<hbm>> -> memref<128x128xf32, #tpu.memory_space<hbm>>
      tpu.enqueue_dma source(%arg32 : memref<128x128xf32, #tpu.memory_space<vmem>>) target(%dma_start3A_252 : memref<128x128xf32, #tpu.memory_space<hbm>>) target_semaphore(%run_scoped3A : memref<!tpu.dma_semaphore, #tpu.memory_space<semaphore_mem>>)
      %dma_wait3A_253 = arith.constant 0 : i32
      %dma_wait3A_254 = tpu.memref_slice %arg14[%arg0, %mul3A_241, %dma_wait3A_253] : memref<3x2048x128xf32, #tpu.memory_space<hbm>> -> memref<1x128x128xf32, #tpu.memory_space<hbm>>
      %dma_wait3A_255 = tpu.memref_squeeze %dma_wait3A_254 : memref<1x128x128xf32, #tpu.memory_space<hbm>> -> memref<128x128xf32, #tpu.memory_space<hbm>>
      %dma_wait3A_256 = arith.constant 0 : i32
      %dma_wait3A_257 = tpu.memref_slice %arg14[%arg0, %mul3A_241, %dma_wait3A_256] : memref<3x2048x128xf32, #tpu.memory_space<hbm>> -> memref<1x128x128xf32, #tpu.memory_space<hbm>>
      %dma_wait3A_258 = tpu.memref_squeeze %dma_wait3A_257 : memref<1x128x128xf32, #tpu.memory_space<hbm>> -> memref<128x128xf32, #tpu.memory_space<hbm>>
      tpu.wait_dma2 semaphore(%run_scoped3A : memref<!tpu.dma_semaphore, #tpu.memory_space<semaphore_mem>>) src(%arg32 : memref<128x128xf32, #tpu.memory_space<vmem>>) dst(%dma_wait3A_258 : memref<128x128xf32, #tpu.memory_space<hbm>>)
      tpu.yield
    }) : () -> ()
    "tpu.region"() ({
      %run_scoped3A = tpu.sem_alloc : memref<!tpu.dma_semaphore, #tpu.memory_space<semaphore_mem>>
      %dma_start3A_247 = arith.constant 0 : i32
      %dma_start3A_248 = arith.constant 0 : i32
      %dma_start3A_249 = tpu.memref_slice %arg17[%dma_start3A_247, %dma_start3A_248] : memref<2176x16xf32, #tpu.memory_space<vmem_shared>> -> memref<2176x16xf32, #tpu.memory_space<vmem_shared>>
      tpu.enqueue_indirect_dma source(%dma_start3A_249 : memref<2176x16xf32, #tpu.memory_space<vmem_shared>>) target(%arg33 : memref<128x16xf32, #tpu.memory_space<vmem>>) offsets(%arg23 : memref<128xi32, #tpu.memory_space<vmem>>) semaphore(%run_scoped3A : memref<!tpu.dma_semaphore, #tpu.memory_space<semaphore_mem>>)
      %dma_wait3A_250 = arith.constant 0 : i32
      %dma_wait3A_251 = arith.constant 0 : i32
      %dma_wait3A_252 = tpu.memref_slice %arg17[%dma_wait3A_250, %dma_wait3A_251] : memref<2176x16xf32, #tpu.memory_space<vmem_shared>> -> memref<2176x16xf32, #tpu.memory_space<vmem_shared>>
      tpu.wait_indirect_dma semaphore(%run_scoped3A : memref<!tpu.dma_semaphore, #tpu.memory_space<semaphore_mem>>) src(%dma_wait3A_252 : memref<2176x16xf32, #tpu.memory_space<vmem_shared>>) dst(%arg33 : memref<128x16xf32, #tpu.memory_space<vmem>>)
      tpu.yield
    }) : () -> ()
    %mul3A_242 = arith.constant 128 : i32
    %mul3A_243 = arith.muli %arg1, %mul3A_242 : i32
    "tpu.region"() ({
      %run_scoped3A = tpu.sem_alloc : memref<!tpu.dma_semaphore, #tpu.memory_space<semaphore_mem>>
      %dma_start3A_247 = arith.constant 0 : i32
      %dma_start3A_248 = tpu.memref_slice %arg15[%arg0, %mul3A_243, %dma_start3A_247] : memref<2x2048x16xf32, #tpu.memory_space<hbm>> -> memref<1x128x16xf32, #tpu.memory_space<hbm>>
      %dma_start3A_249 = tpu.memref_squeeze %dma_start3A_248 : memref<1x128x16xf32, #tpu.memory_space<hbm>> -> memref<128x16xf32, #tpu.memory_space<hbm>>
      %dma_start3A_250 = arith.constant 0 : i32
      %dma_start3A_251 = tpu.memref_slice %arg15[%arg0, %mul3A_243, %dma_start3A_250] : memref<2x2048x16xf32, #tpu.memory_space<hbm>> -> memref<1x128x16xf32, #tpu.memory_space<hbm>>
      %dma_start3A_252 = tpu.memref_squeeze %dma_start3A_251 : memref<1x128x16xf32, #tpu.memory_space<hbm>> -> memref<128x16xf32, #tpu.memory_space<hbm>>
      tpu.enqueue_dma source(%arg33 : memref<128x16xf32, #tpu.memory_space<vmem>>) target(%dma_start3A_252 : memref<128x16xf32, #tpu.memory_space<hbm>>) target_semaphore(%run_scoped3A : memref<!tpu.dma_semaphore, #tpu.memory_space<semaphore_mem>>)
      %dma_wait3A_253 = arith.constant 0 : i32
      %dma_wait3A_254 = tpu.memref_slice %arg15[%arg0, %mul3A_243, %dma_wait3A_253] : memref<2x2048x16xf32, #tpu.memory_space<hbm>> -> memref<1x128x16xf32, #tpu.memory_space<hbm>>
      %dma_wait3A_255 = tpu.memref_squeeze %dma_wait3A_254 : memref<1x128x16xf32, #tpu.memory_space<hbm>> -> memref<128x16xf32, #tpu.memory_space<hbm>>
      %dma_wait3A_256 = arith.constant 0 : i32
      %dma_wait3A_257 = tpu.memref_slice %arg15[%arg0, %mul3A_243, %dma_wait3A_256] : memref<2x2048x16xf32, #tpu.memory_space<hbm>> -> memref<1x128x16xf32, #tpu.memory_space<hbm>>
      %dma_wait3A_258 = tpu.memref_squeeze %dma_wait3A_257 : memref<1x128x16xf32, #tpu.memory_space<hbm>> -> memref<128x16xf32, #tpu.memory_space<hbm>>
      tpu.wait_dma2 semaphore(%run_scoped3A : memref<!tpu.dma_semaphore, #tpu.memory_space<semaphore_mem>>) src(%arg33 : memref<128x16xf32, #tpu.memory_space<vmem>>) dst(%dma_wait3A_258 : memref<128x16xf32, #tpu.memory_space<hbm>>)
      tpu.yield
    }) : () -> ()
    %eq3A_244 = arith.constant 0 : i32
    %eq3A_245 = arith.cmpi eq, %arg0, %eq3A_244 : i32
    %convert_element_type3A = arith.extui %eq3A_245 : i1 to i32
    %cond3A = arith.constant 0 : i32
    %cond3A_246 = arith.cmpi ne, %convert_element_type3A, %cond3A : i32
    scf.if %cond3A_246 {
      %mul3A_247 = arith.constant 128 : i32
      %mul3A_248 = arith.muli %arg1, %mul3A_247 : i32
      "tpu.region"() ({
        %run_scoped3A_257 = tpu.sem_alloc : memref<!tpu.dma_semaphore, #tpu.memory_space<semaphore_mem>>
        %dma_start3A_258 = tpu.memref_slice %arg11[%mul3A_248] : memref<2048xi32, #tpu.memory_space<hbm>> -> memref<128xi32, #tpu.memory_space<hbm>>
        %dma_start3A_259 = tpu.memref_slice %arg11[%mul3A_248] : memref<2048xi32, #tpu.memory_space<hbm>> -> memref<128xi32, #tpu.memory_space<hbm>>
        tpu.enqueue_dma source(%dma_start3A_259 : memref<128xi32, #tpu.memory_space<hbm>>) target(%arg24 : memref<128xi32, #tpu.memory_space<vmem>>) target_semaphore(%run_scoped3A_257 : memref<!tpu.dma_semaphore, #tpu.memory_space<semaphore_mem>>)
        %dma_wait3A_260 = tpu.memref_slice %arg11[%mul3A_248] : memref<2048xi32, #tpu.memory_space<hbm>> -> memref<128xi32, #tpu.memory_space<hbm>>
        %dma_wait3A_261 = tpu.memref_slice %arg11[%mul3A_248] : memref<2048xi32, #tpu.memory_space<hbm>> -> memref<128xi32, #tpu.memory_space<hbm>>
        tpu.wait_dma2 semaphore(%run_scoped3A_257 : memref<!tpu.dma_semaphore, #tpu.memory_space<semaphore_mem>>) src(%dma_wait3A_261 : memref<128xi32, #tpu.memory_space<hbm>>) dst(%arg24 : memref<128xi32, #tpu.memory_space<vmem>>)
        tpu.yield
      }) : () -> ()
      %dma_start3A_249 = arith.constant 0 : i32
      %dma_start3A_250 = arith.constant 0 : i32
      %dma_start3A_251 = tpu.memref_slice %arg5[%dma_start3A_249, %dma_start3A_250] : memref<10000x128xf32, #tpu.memory_space<hbm>> -> memref<10000x128xf32, #tpu.memory_space<hbm>>
      tpu.enqueue_indirect_dma source(%dma_start3A_251 : memref<10000x128xf32, #tpu.memory_space<hbm>>) target(%arg32 : memref<128x128xf32, #tpu.memory_space<vmem>>) offsets(%arg24 : memref<128xi32, #tpu.memory_space<vmem>>) semaphore(%arg34 : memref<!tpu.dma_semaphore, #tpu.memory_space<semaphore_mem>>)
      %dma_wait3A_252 = arith.constant 0 : i32
      %dma_wait3A_253 = arith.constant 0 : i32
      %dma_wait3A_254 = tpu.memref_slice %arg5[%dma_wait3A_252, %dma_wait3A_253] : memref<10000x128xf32, #tpu.memory_space<hbm>> -> memref<10000x128xf32, #tpu.memory_space<hbm>>
      tpu.wait_indirect_dma semaphore(%arg34 : memref<!tpu.dma_semaphore, #tpu.memory_space<semaphore_mem>>) src(%dma_wait3A_254 : memref<10000x128xf32, #tpu.memory_space<hbm>>) dst(%arg32 : memref<128x128xf32, #tpu.memory_space<vmem>>)
      %mul3A_255 = arith.constant 128 : i32
      %mul3A_256 = arith.muli %arg1, %mul3A_255 : i32
      %run_scoped3A = arith.constant 2 : i32
      "tpu.region"() ({
        %run_scoped3A_257 = tpu.sem_alloc : memref<!tpu.dma_semaphore, #tpu.memory_space<semaphore_mem>>
        %dma_start3A_258 = arith.constant 0 : i32
        %dma_start3A_259 = tpu.memref_slice %arg14[%run_scoped3A, %mul3A_256, %dma_start3A_258] : memref<3x2048x128xf32, #tpu.memory_space<hbm>> -> memref<1x128x128xf32, #tpu.memory_space<hbm>>
        %dma_start3A_260 = tpu.memref_squeeze %dma_start3A_259 : memref<1x128x128xf32, #tpu.memory_space<hbm>> -> memref<128x128xf32, #tpu.memory_space<hbm>>
        %dma_start3A_261 = arith.constant 0 : i32
        %dma_start3A_262 = tpu.memref_slice %arg14[%run_scoped3A, %mul3A_256, %dma_start3A_261] : memref<3x2048x128xf32, #tpu.memory_space<hbm>> -> memref<1x128x128xf32, #tpu.memory_space<hbm>>
        %dma_start3A_263 = tpu.memref_squeeze %dma_start3A_262 : memref<1x128x128xf32, #tpu.memory_space<hbm>> -> memref<128x128xf32, #tpu.memory_space<hbm>>
        tpu.enqueue_dma source(%arg32 : memref<128x128xf32, #tpu.memory_space<vmem>>) target(%dma_start3A_263 : memref<128x128xf32, #tpu.memory_space<hbm>>) target_semaphore(%run_scoped3A_257 : memref<!tpu.dma_semaphore, #tpu.memory_space<semaphore_mem>>)
        %dma_wait3A_264 = arith.constant 0 : i32
        %dma_wait3A_265 = tpu.memref_slice %arg14[%run_scoped3A, %mul3A_256, %dma_wait3A_264] : memref<3x2048x128xf32, #tpu.memory_space<hbm>> -> memref<1x128x128xf32, #tpu.memory_space<hbm>>
        %dma_wait3A_266 = tpu.memref_squeeze %dma_wait3A_265 : memref<1x128x128xf32, #tpu.memory_space<hbm>> -> memref<128x128xf32, #tpu.memory_space<hbm>>
        %dma_wait3A_267 = arith.constant 0 : i32
        %dma_wait3A_268 = tpu.memref_slice %arg14[%run_scoped3A, %mul3A_256, %dma_wait3A_267] : memref<3x2048x128xf32, #tpu.memory_space<hbm>> -> memref<1x128x128xf32, #tpu.memory_space<hbm>>
        %dma_wait3A_269 = tpu.memref_squeeze %dma_wait3A_268 : memref<1x128x128xf32, #tpu.memory_space<hbm>> -> memref<128x128xf32, #tpu.memory_space<hbm>>
        tpu.wait_dma2 semaphore(%run_scoped3A_257 : memref<!tpu.dma_semaphore, #tpu.memory_space<semaphore_mem>>) src(%arg32 : memref<128x128xf32, #tpu.memory_space<vmem>>) dst(%dma_wait3A_269 : memref<128x128xf32, #tpu.memory_space<hbm>>)
        tpu.yield
      }) : () -> ()
    } else {
    }
    return
  }
}

#map = affine_map<(d0, d1) -> (0)>
module attributes {stable_mosaic.version = 14 : i64} {
  func.func @_sc_compact_body(%arg0: i32, %arg1: i32, %arg2: memref<320000xi32, #tpu.memory_space<hbm>>, %arg3: memref<320000xi32, #tpu.memory_space<hbm>>, %arg4: memref<320000xf32, #tpu.memory_space<hbm>>, %arg5: memref<2048xi32, #tpu.memory_space<hbm>>, %arg6: memref<10000xi32, #tpu.memory_space<hbm>>, %arg7: memref<327680xi32, #tpu.memory_space<hbm>>, %arg8: memref<327680xi32, #tpu.memory_space<hbm>>, %arg9: memref<327680xi32, #tpu.memory_space<hbm>>, %arg10: memref<327680xf32, #tpu.memory_space<hbm>>, %arg11: memref<512xi32, #tpu.memory_space<hbm>>, %arg12: memref<2048xi32, #tpu.memory_space<hbm>>, %arg13: memref<10000xi32, #tpu.memory_space<vmem>>, %arg14: memref<10128xi32, #tpu.memory_space<vmem>>, %arg15: memref<10128xi32, #tpu.memory_space<vmem>>, %arg16: memref<10128xf32, #tpu.memory_space<vmem>>, %arg17: memref<10128xi32, #tpu.memory_space<vmem>>, %arg18: memref<2048xi32, #tpu.memory_space<vmem>>, %arg19: memref<16xi32, #tpu.memory_space<vmem>>, %arg20: memref<128xi32, #tpu.memory_space<vmem>>) attributes {dimension_semantics = [#tpu.dimension_semantics<core_parallel>, #tpu.dimension_semantics<subcore_parallel>], iteration_bounds = array<i64: 2, 16>, scalar_prefetch = 0 : i64, scratch_operands = 8 : i64, tpu.core_type = #tpu.core_type<sc_vector_subcore>, window_params = [{transform_indices = #map}, {transform_indices = #map}, {transform_indices = #map}, {transform_indices = #map}, {transform_indices = #map}, {transform_indices = #map}, {transform_indices = #map}, {transform_indices = #map}, {transform_indices = #map}, {transform_indices = #map}, {transform_indices = #map}]} {
    %mul3A = arith.constant 16 : i32
    %mul3A_0 = arith.muli %arg0, %mul3A : i32
    %add3A = arith.addi %mul3A_0, %arg1 : i32
    "tpu.region"() ({
      %run_scoped3A = tpu.sem_alloc : memref<!tpu.dma_semaphore, #tpu.memory_space<semaphore_mem>>
      tpu.enqueue_dma source(%arg6 : memref<10000xi32, #tpu.memory_space<hbm>>) target(%arg13 : memref<10000xi32, #tpu.memory_space<vmem>>) target_semaphore(%run_scoped3A : memref<!tpu.dma_semaphore, #tpu.memory_space<semaphore_mem>>)
      tpu.wait_dma2 semaphore(%run_scoped3A : memref<!tpu.dma_semaphore, #tpu.memory_space<semaphore_mem>>) src(%arg6 : memref<10000xi32, #tpu.memory_space<hbm>>) dst(%arg13 : memref<10000xi32, #tpu.memory_space<vmem>>)
      tpu.yield
    }) : () -> ()
    "tpu.region"() ({
      %run_scoped3A = tpu.sem_alloc : memref<!tpu.dma_semaphore, #tpu.memory_space<semaphore_mem>>
      tpu.enqueue_dma source(%arg5 : memref<2048xi32, #tpu.memory_space<hbm>>) target(%arg18 : memref<2048xi32, #tpu.memory_space<vmem>>) target_semaphore(%run_scoped3A : memref<!tpu.dma_semaphore, #tpu.memory_space<semaphore_mem>>)
      tpu.wait_dma2 semaphore(%run_scoped3A : memref<!tpu.dma_semaphore, #tpu.memory_space<semaphore_mem>>) src(%arg5 : memref<2048xi32, #tpu.memory_space<hbm>>) dst(%arg18 : memref<2048xi32, #tpu.memory_space<vmem>>)
      tpu.yield
    }) : () -> ()
    %iota3A = tpu.iota {dimensions = array<i32: 0>} : vector<16xi32>
    %scan3A = arith.constant 0 : i32
    %scan3A_1 = arith.constant 0 : i32
    %scan3A_2 = arith.constant 128 : i32
    %scan3A_3 = arith.addi %scan3A_1, %scan3A_2 : i32
    %scan3A_4 = arith.constant 1 : i32
    scf.for %scan3A_107 = %scan3A_1 to %scan3A_3 step %scan3A_4  : i32 {
      %mul3A_108 = arith.constant 16 : i32
      %mul3A_109 = arith.muli %scan3A_107, %mul3A_108 : i32
      %get3A_110 = arith.index_cast %mul3A_109 : i32 to index
      %get3A_111 = tpu.vector_load %arg18[%get3A_110] {strides = array<i32>} : memref<2048xi32, #tpu.memory_space<vmem>>, vector<16xi32>,
      %mul3A_112 = arith.constant 16 : i32
      %mul3A_113 = arith.muli %scan3A_107, %mul3A_112 : i32
      %add3A_114 = vector.broadcast %mul3A_113 : i32 to vector<16xi32>
      %add3A_115 = arith.addi %iota3A, %add3A_114 : vector<16xi32>
      tpu.vector_store_idx %arg13[%get3A_111], %add3A_115 : memref<10000xi32, #tpu.memory_space<vmem>>[vector<16xi32>], vector<16xi32>,
    }
    %scan3A_5 = arith.constant 128 : i32
    %mul3A_6 = arith.constant 10000 : i32
    %mul3A_7 = arith.muli %add3A, %mul3A_6 : i32
    "tpu.region"() ({
      %run_scoped3A = tpu.sem_alloc : memref<!tpu.dma_semaphore, #tpu.memory_space<semaphore_mem>>
      %dma_start3A = arith.constant 0 : i32
      %dma_start3A_107 = tpu.memref_slice %arg14[%dma_start3A] : memref<10128xi32, #tpu.memory_space<vmem>> -> memref<10000xi32, #tpu.memory_space<vmem>>
      %dma_start3A_108 = tpu.memref_slice %arg2[%mul3A_7] : memref<320000xi32, #tpu.memory_space<hbm>> -> memref<10000xi32, #tpu.memory_space<hbm>>
      %dma_start3A_109 = arith.constant 0 : i32
      %dma_start3A_110 = tpu.memref_slice %arg14[%dma_start3A_109] : memref<10128xi32, #tpu.memory_space<vmem>> -> memref<10000xi32, #tpu.memory_space<vmem>>
      %dma_start3A_111 = tpu.memref_slice %arg2[%mul3A_7] : memref<320000xi32, #tpu.memory_space<hbm>> -> memref<10000xi32, #tpu.memory_space<hbm>>
      tpu.enqueue_dma source(%dma_start3A_111 : memref<10000xi32, #tpu.memory_space<hbm>>) target(%dma_start3A_110 : memref<10000xi32, #tpu.memory_space<vmem>>) target_semaphore(%run_scoped3A : memref<!tpu.dma_semaphore, #tpu.memory_space<semaphore_mem>>)
      %dma_wait3A = arith.constant 0 : i32
      %dma_wait3A_112 = tpu.memref_slice %arg14[%dma_wait3A] : memref<10128xi32, #tpu.memory_space<vmem>> -> memref<10000xi32, #tpu.memory_space<vmem>>
      %dma_wait3A_113 = tpu.memref_slice %arg2[%mul3A_7] : memref<320000xi32, #tpu.memory_space<hbm>> -> memref<10000xi32, #tpu.memory_space<hbm>>
      %dma_wait3A_114 = arith.constant 0 : i32
      %dma_wait3A_115 = tpu.memref_slice %arg14[%dma_wait3A_114] : memref<10128xi32, #tpu.memory_space<vmem>> -> memref<10000xi32, #tpu.memory_space<vmem>>
      %dma_wait3A_116 = tpu.memref_slice %arg2[%mul3A_7] : memref<320000xi32, #tpu.memory_space<hbm>> -> memref<10000xi32, #tpu.memory_space<hbm>>
      tpu.wait_dma2 semaphore(%run_scoped3A : memref<!tpu.dma_semaphore, #tpu.memory_space<semaphore_mem>>) src(%dma_wait3A_116 : memref<10000xi32, #tpu.memory_space<hbm>>) dst(%dma_wait3A_115 : memref<10000xi32, #tpu.memory_space<vmem>>)
      tpu.yield
    }) : () -> ()
    "tpu.region"() ({
      %run_scoped3A = tpu.sem_alloc : memref<!tpu.dma_semaphore, #tpu.memory_space<semaphore_mem>>
      %dma_start3A = arith.constant 0 : i32
      %dma_start3A_107 = tpu.memref_slice %arg15[%dma_start3A] : memref<10128xi32, #tpu.memory_space<vmem>> -> memref<10000xi32, #tpu.memory_space<vmem>>
      %dma_start3A_108 = tpu.memref_slice %arg3[%mul3A_7] : memref<320000xi32, #tpu.memory_space<hbm>> -> memref<10000xi32, #tpu.memory_space<hbm>>
      %dma_start3A_109 = arith.constant 0 : i32
      %dma_start3A_110 = tpu.memref_slice %arg15[%dma_start3A_109] : memref<10128xi32, #tpu.memory_space<vmem>> -> memref<10000xi32, #tpu.memory_space<vmem>>
      %dma_start3A_111 = tpu.memref_slice %arg3[%mul3A_7] : memref<320000xi32, #tpu.memory_space<hbm>> -> memref<10000xi32, #tpu.memory_space<hbm>>
      tpu.enqueue_dma source(%dma_start3A_111 : memref<10000xi32, #tpu.memory_space<hbm>>) target(%dma_start3A_110 : memref<10000xi32, #tpu.memory_space<vmem>>) target_semaphore(%run_scoped3A : memref<!tpu.dma_semaphore, #tpu.memory_space<semaphore_mem>>)
      %dma_wait3A = arith.constant 0 : i32
      %dma_wait3A_112 = tpu.memref_slice %arg15[%dma_wait3A] : memref<10128xi32, #tpu.memory_space<vmem>> -> memref<10000xi32, #tpu.memory_space<vmem>>
      %dma_wait3A_113 = tpu.memref_slice %arg3[%mul3A_7] : memref<320000xi32, #tpu.memory_space<hbm>> -> memref<10000xi32, #tpu.memory_space<hbm>>
      %dma_wait3A_114 = arith.constant 0 : i32
      %dma_wait3A_115 = tpu.memref_slice %arg15[%dma_wait3A_114] : memref<10128xi32, #tpu.memory_space<vmem>> -> memref<10000xi32, #tpu.memory_space<vmem>>
      %dma_wait3A_116 = tpu.memref_slice %arg3[%mul3A_7] : memref<320000xi32, #tpu.memory_space<hbm>> -> memref<10000xi32, #tpu.memory_space<hbm>>
      tpu.wait_dma2 semaphore(%run_scoped3A : memref<!tpu.dma_semaphore, #tpu.memory_space<semaphore_mem>>) src(%dma_wait3A_116 : memref<10000xi32, #tpu.memory_space<hbm>>) dst(%dma_wait3A_115 : memref<10000xi32, #tpu.memory_space<vmem>>)
      tpu.yield
    }) : () -> ()
    "tpu.region"() ({
      %run_scoped3A = tpu.sem_alloc : memref<!tpu.dma_semaphore, #tpu.memory_space<semaphore_mem>>
      %dma_start3A = arith.constant 0 : i32
      %dma_start3A_107 = tpu.memref_slice %arg16[%dma_start3A] : memref<10128xf32, #tpu.memory_space<vmem>> -> memref<10000xf32, #tpu.memory_space<vmem>>
      %dma_start3A_108 = tpu.memref_slice %arg4[%mul3A_7] : memref<320000xf32, #tpu.memory_space<hbm>> -> memref<10000xf32, #tpu.memory_space<hbm>>
      %dma_start3A_109 = arith.constant 0 : i32
      %dma_start3A_110 = tpu.memref_slice %arg16[%dma_start3A_109] : memref<10128xf32, #tpu.memory_space<vmem>> -> memref<10000xf32, #tpu.memory_space<vmem>>
      %dma_start3A_111 = tpu.memref_slice %arg4[%mul3A_7] : memref<320000xf32, #tpu.memory_space<hbm>> -> memref<10000xf32, #tpu.memory_space<hbm>>
      tpu.enqueue_dma source(%dma_start3A_111 : memref<10000xf32, #tpu.memory_space<hbm>>) target(%dma_start3A_110 : memref<10000xf32, #tpu.memory_space<vmem>>) target_semaphore(%run_scoped3A : memref<!tpu.dma_semaphore, #tpu.memory_space<semaphore_mem>>)
      %dma_wait3A = arith.constant 0 : i32
      %dma_wait3A_112 = tpu.memref_slice %arg16[%dma_wait3A] : memref<10128xf32, #tpu.memory_space<vmem>> -> memref<10000xf32, #tpu.memory_space<vmem>>
      %dma_wait3A_113 = tpu.memref_slice %arg4[%mul3A_7] : memref<320000xf32, #tpu.memory_space<hbm>> -> memref<10000xf32, #tpu.memory_space<hbm>>
      %dma_wait3A_114 = arith.constant 0 : i32
      %dma_wait3A_115 = tpu.memref_slice %arg16[%dma_wait3A_114] : memref<10128xf32, #tpu.memory_space<vmem>> -> memref<10000xf32, #tpu.memory_space<vmem>>
      %dma_wait3A_116 = tpu.memref_slice %arg4[%mul3A_7] : memref<320000xf32, #tpu.memory_space<hbm>> -> memref<10000xf32, #tpu.memory_space<hbm>>
      tpu.wait_dma2 semaphore(%run_scoped3A : memref<!tpu.dma_semaphore, #tpu.memory_space<semaphore_mem>>) src(%dma_wait3A_116 : memref<10000xf32, #tpu.memory_space<hbm>>) dst(%dma_wait3A_115 : memref<10000xf32, #tpu.memory_space<vmem>>)
      tpu.yield
    }) : () -> ()
    %scan3A_8 = arith.constant 0 : i32
    %scan3A_9 = arith.constant 0 : i32
    %scan3A_10 = arith.constant 625 : i32
    %scan3A_11 = arith.addi %scan3A_9, %scan3A_10 : i32
    %scan3A_12 = arith.constant 1 : i32
    %scan3A_13 = scf.for %scan3A_107 = %scan3A_9 to %scan3A_11 step %scan3A_12 iter_args(%scan3A_108 = %scan3A_8) -> (i32)  : i32 {
      %mul3A_109 = arith.constant 16 : i32
      %mul3A_110 = arith.muli %scan3A_107, %mul3A_109 : i32
      %get3A_111 = arith.index_cast %mul3A_110 : i32 to index
      %get3A_112 = tpu.vector_load %arg15[%get3A_111] {strides = array<i32>} : memref<10128xi32, #tpu.memory_space<vmem>>, vector<16xi32>,
      %mul3A_113 = arith.constant 16 : i32
      %mul3A_114 = arith.muli %scan3A_107, %mul3A_113 : i32
      %get3A_115 = arith.index_cast %mul3A_114 : i32 to index
      %get3A_116 = tpu.vector_load %arg14[%get3A_115] {strides = array<i32>} : memref<10128xi32, #tpu.memory_space<vmem>>, vector<16xi32>,
      %mul3A_117 = arith.constant 16 : i32
      %mul3A_118 = arith.muli %scan3A_107, %mul3A_117 : i32
      %get3A_119 = arith.index_cast %mul3A_118 : i32 to index
      %get3A_120 = tpu.vector_load %arg16[%get3A_119] {strides = array<i32>} : memref<10128xf32, #tpu.memory_space<vmem>>, vector<16xf32>,
      %gather3A_121 = tpu.vector_load_idx %arg13[%get3A_112] : memref<10000xi32, #tpu.memory_space<vmem>>[vector<16xi32>], vector<16xi32>,
      %ne3A = arith.constant 2048 : i32
      %ne3A_122 = vector.broadcast %ne3A : i32 to vector<16xi32>
      %ne3A_123 = arith.cmpi ne, %gather3A_121, %ne3A_122 : vector<16xi32>
      %le3A = arith.constant 1.000000e+03 : f32
      %le3A_124 = vector.broadcast %le3A : f32 to vector<16xf32>
      %le3A_125 = arith.cmpf ole, %get3A_120, %le3A_124 : vector<16xf32>
      %and3A = arith.andi %ne3A_123, %le3A_125 : vector<16xi1>
      %swap3A_126 = arith.index_cast %scan3A_108 : i32 to index
      %swap3A_127 = tpu.vector_load %arg15[%swap3A_126] masked %and3A {strides = array<i32>} : memref<10128xi32, #tpu.memory_space<vmem>>, vector<16xi32>, vector<16xi1>
      tpu.vector_store %arg15[%swap3A_126], %gather3A_121 masked %and3A {strides = array<i32>} : memref<10128xi32, #tpu.memory_space<vmem>>, vector<16xi32>, vector<16xi1>
      %swap3A_128 = arith.index_cast %scan3A_108 : i32 to index
      %swap3A_129 = tpu.vector_load %arg14[%swap3A_128] masked %and3A {strides = array<i32>} : memref<10128xi32, #tpu.memory_space<vmem>>, vector<16xi32>, vector<16xi1>
      tpu.vector_store %arg14[%swap3A_128], %get3A_116 masked %and3A {strides = array<i32>} : memref<10128xi32, #tpu.memory_space<vmem>>, vector<16xi32>, vector<16xi1>
      %swap3A_130 = arith.index_cast %scan3A_108 : i32 to index
      %swap3A_131 = tpu.vector_load %arg16[%swap3A_130] masked %and3A {strides = array<i32>} : memref<10128xf32, #tpu.memory_space<vmem>>, vector<16xf32>, vector<16xi1>
      tpu.vector_store %arg16[%swap3A_130], %get3A_120 masked %and3A {strides = array<i32>} : memref<10128xf32, #tpu.memory_space<vmem>>, vector<16xf32>, vector<16xi1>
      %mul3A_132 = arith.constant 16 : i32
      %mul3A_133 = arith.muli %scan3A_107, %mul3A_132 : i32
      %add3A_134 = arith.addi %mul3A_7, %mul3A_133 : i32
      %add3A_135 = vector.broadcast %add3A_134 : i32 to vector<16xi32>
      %add3A_136 = arith.addi %iota3A, %add3A_135 : vector<16xi32>
      %swap3A_137 = arith.index_cast %scan3A_108 : i32 to index
      %swap3A_138 = tpu.vector_load %arg17[%swap3A_137] masked %and3A {strides = array<i32>} : memref<10128xi32, #tpu.memory_space<vmem>>, vector<16xi32>, vector<16xi1>
      tpu.vector_store %arg17[%swap3A_137], %add3A_136 masked %and3A {strides = array<i32>} : memref<10128xi32, #tpu.memory_space<vmem>>, vector<16xi32>, vector<16xi1>
      %convert_element_type3A_139 = arith.extui %and3A : vector<16xi1> to vector<16xi32>
      %reduce_sum3A = arith.constant true
      %reduce_sum3A_140 = vector.broadcast %reduce_sum3A : i1 to vector<16xi1>
      %reduce_sum3A_141 = tpu.scan <sum>, %convert_element_type3A_139 masked %reduce_sum3A_140 : vector<16xi32>, vector<16xi1> -> vector<16xi32>
      %reduce_sum3A_142 = vector.extract %reduce_sum3A_141[15] : i32 from vector<16xi32>
      %add3A_143 = arith.addi %scan3A_108, %reduce_sum3A_142 : i32
      scf.yield %add3A_143 : i32
    }
    %scan3A_14 = arith.constant 625 : i32
    %scan3A_15 = arith.constant 0 : i32
    %scan3A_16 = arith.constant 0 : i32
    %scan3A_17 = arith.constant 8 : i32
    %scan3A_18 = arith.addi %scan3A_16, %scan3A_17 : i32
    %scan3A_19 = arith.constant 1 : i32
    scf.for %scan3A_107 = %scan3A_16 to %scan3A_18 step %scan3A_19  : i32 {
      %broadcast_in_dim3A_108 = arith.constant 2048 : i32
      %broadcast_in_dim3A_109 = vector.broadcast %broadcast_in_dim3A_108 : i32 to vector<16xi32>
      %mul3A_110 = arith.constant 16 : i32
      %mul3A_111 = arith.muli %scan3A_107, %mul3A_110 : i32
      %add3A_112 = arith.addi %scan3A_13, %mul3A_111 : i32
      %swap3A_113 = arith.index_cast %add3A_112 : i32 to index
      %swap3A_114 = tpu.vector_load %arg15[%swap3A_113] {strides = array<i32>} : memref<10128xi32, #tpu.memory_space<vmem>>, vector<16xi32>,
      tpu.vector_store %arg15[%swap3A_113], %broadcast_in_dim3A_109 {strides = array<i32>} : memref<10128xi32, #tpu.memory_space<vmem>>, vector<16xi32>,
      %broadcast_in_dim3A_115 = arith.constant 0 : i32
      %broadcast_in_dim3A_116 = vector.broadcast %broadcast_in_dim3A_115 : i32 to vector<16xi32>
      %mul3A_117 = arith.constant 16 : i32
      %mul3A_118 = arith.muli %scan3A_107, %mul3A_117 : i32
      %add3A_119 = arith.addi %scan3A_13, %mul3A_118 : i32
      %swap3A_120 = arith.index_cast %add3A_119 : i32 to index
      %swap3A_121 = tpu.vector_load %arg14[%swap3A_120] {strides = array<i32>} : memref<10128xi32, #tpu.memory_space<vmem>>, vector<16xi32>,
      tpu.vector_store %arg14[%swap3A_120], %broadcast_in_dim3A_116 {strides = array<i32>} : memref<10128xi32, #tpu.memory_space<vmem>>, vector<16xi32>,
      %broadcast_in_dim3A_122 = arith.constant 0.000000e+00 : f32
      %broadcast_in_dim3A_123 = vector.broadcast %broadcast_in_dim3A_122 : f32 to vector<16xf32>
      %mul3A_124 = arith.constant 16 : i32
      %mul3A_125 = arith.muli %scan3A_107, %mul3A_124 : i32
      %add3A_126 = arith.addi %scan3A_13, %mul3A_125 : i32
      %swap3A_127 = arith.index_cast %add3A_126 : i32 to index
      %swap3A_128 = tpu.vector_load %arg16[%swap3A_127] {strides = array<i32>} : memref<10128xf32, #tpu.memory_space<vmem>>, vector<16xf32>,
      tpu.vector_store %arg16[%swap3A_127], %broadcast_in_dim3A_123 {strides = array<i32>} : memref<10128xf32, #tpu.memory_space<vmem>>, vector<16xf32>,
      %broadcast_in_dim3A_129 = arith.constant 0 : i32
      %broadcast_in_dim3A_130 = vector.broadcast %broadcast_in_dim3A_129 : i32 to vector<16xi32>
      %mul3A_131 = arith.constant 16 : i32
      %mul3A_132 = arith.muli %scan3A_107, %mul3A_131 : i32
      %add3A_133 = arith.addi %scan3A_13, %mul3A_132 : i32
      %swap3A_134 = arith.index_cast %add3A_133 : i32 to index
      %swap3A_135 = tpu.vector_load %arg17[%swap3A_134] {strides = array<i32>} : memref<10128xi32, #tpu.memory_space<vmem>>, vector<16xi32>,
      tpu.vector_store %arg17[%swap3A_134], %broadcast_in_dim3A_130 {strides = array<i32>} : memref<10128xi32, #tpu.memory_space<vmem>>, vector<16xi32>,
    }
    %scan3A_20 = arith.constant 8 : i32
    %mul3A_21 = arith.constant 10240 : i32
    %mul3A_22 = arith.muli %add3A, %mul3A_21 : i32
    "tpu.region"() ({
      %run_scoped3A = tpu.sem_alloc : memref<!tpu.dma_semaphore, #tpu.memory_space<semaphore_mem>>
      %dma_start3A = tpu.memref_slice %arg7[%mul3A_22] : memref<327680xi32, #tpu.memory_space<hbm>> -> memref<10128xi32, #tpu.memory_space<hbm>>
      %dma_start3A_107 = tpu.memref_slice %arg7[%mul3A_22] : memref<327680xi32, #tpu.memory_space<hbm>> -> memref<10128xi32, #tpu.memory_space<hbm>>
      tpu.enqueue_dma source(%arg14 : memref<10128xi32, #tpu.memory_space<vmem>>) target(%dma_start3A_107 : memref<10128xi32, #tpu.memory_space<hbm>>) target_semaphore(%run_scoped3A : memref<!tpu.dma_semaphore, #tpu.memory_space<semaphore_mem>>)
      %dma_wait3A = tpu.memref_slice %arg7[%mul3A_22] : memref<327680xi32, #tpu.memory_space<hbm>> -> memref<10128xi32, #tpu.memory_space<hbm>>
      %dma_wait3A_108 = tpu.memref_slice %arg7[%mul3A_22] : memref<327680xi32, #tpu.memory_space<hbm>> -> memref<10128xi32, #tpu.memory_space<hbm>>
      tpu.wait_dma2 semaphore(%run_scoped3A : memref<!tpu.dma_semaphore, #tpu.memory_space<semaphore_mem>>) src(%arg14 : memref<10128xi32, #tpu.memory_space<vmem>>) dst(%dma_wait3A_108 : memref<10128xi32, #tpu.memory_space<hbm>>)
      tpu.yield
    }) : () -> ()
    %mul3A_23 = arith.constant 10240 : i32
    %mul3A_24 = arith.muli %add3A, %mul3A_23 : i32
    "tpu.region"() ({
      %run_scoped3A = tpu.sem_alloc : memref<!tpu.dma_semaphore, #tpu.memory_space<semaphore_mem>>
      %dma_start3A = tpu.memref_slice %arg8[%mul3A_24] : memref<327680xi32, #tpu.memory_space<hbm>> -> memref<10128xi32, #tpu.memory_space<hbm>>
      %dma_start3A_107 = tpu.memref_slice %arg8[%mul3A_24] : memref<327680xi32, #tpu.memory_space<hbm>> -> memref<10128xi32, #tpu.memory_space<hbm>>
      tpu.enqueue_dma source(%arg15 : memref<10128xi32, #tpu.memory_space<vmem>>) target(%dma_start3A_107 : memref<10128xi32, #tpu.memory_space<hbm>>) target_semaphore(%run_scoped3A : memref<!tpu.dma_semaphore, #tpu.memory_space<semaphore_mem>>)
      %dma_wait3A = tpu.memref_slice %arg8[%mul3A_24] : memref<327680xi32, #tpu.memory_space<hbm>> -> memref<10128xi32, #tpu.memory_space<hbm>>
      %dma_wait3A_108 = tpu.memref_slice %arg8[%mul3A_24] : memref<327680xi32, #tpu.memory_space<hbm>> -> memref<10128xi32, #tpu.memory_space<hbm>>
      tpu.wait_dma2 semaphore(%run_scoped3A : memref<!tpu.dma_semaphore, #tpu.memory_space<semaphore_mem>>) src(%arg15 : memref<10128xi32, #tpu.memory_space<vmem>>) dst(%dma_wait3A_108 : memref<10128xi32, #tpu.memory_space<hbm>>)
      tpu.yield
    }) : () -> ()
    %mul3A_25 = arith.constant 10240 : i32
    %mul3A_26 = arith.muli %add3A, %mul3A_25 : i32
    "tpu.region"() ({
      %run_scoped3A = tpu.sem_alloc : memref<!tpu.dma_semaphore, #tpu.memory_space<semaphore_mem>>
      %dma_start3A = tpu.memref_slice %arg9[%mul3A_26] : memref<327680xi32, #tpu.memory_space<hbm>> -> memref<10128xi32, #tpu.memory_space<hbm>>
      %dma_start3A_107 = tpu.memref_slice %arg9[%mul3A_26] : memref<327680xi32, #tpu.memory_space<hbm>> -> memref<10128xi32, #tpu.memory_space<hbm>>
      tpu.enqueue_dma source(%arg17 : memref<10128xi32, #tpu.memory_space<vmem>>) target(%dma_start3A_107 : memref<10128xi32, #tpu.memory_space<hbm>>) target_semaphore(%run_scoped3A : memref<!tpu.dma_semaphore, #tpu.memory_space<semaphore_mem>>)
      %dma_wait3A = tpu.memref_slice %arg9[%mul3A_26] : memref<327680xi32, #tpu.memory_space<hbm>> -> memref<10128xi32, #tpu.memory_space<hbm>>
      %dma_wait3A_108 = tpu.memref_slice %arg9[%mul3A_26] : memref<327680xi32, #tpu.memory_space<hbm>> -> memref<10128xi32, #tpu.memory_space<hbm>>
      tpu.wait_dma2 semaphore(%run_scoped3A : memref<!tpu.dma_semaphore, #tpu.memory_space<semaphore_mem>>) src(%arg17 : memref<10128xi32, #tpu.memory_space<vmem>>) dst(%dma_wait3A_108 : memref<10128xi32, #tpu.memory_space<hbm>>)
      tpu.yield
    }) : () -> ()
    %mul3A_27 = arith.constant 10240 : i32
    %mul3A_28 = arith.muli %add3A, %mul3A_27 : i32
    "tpu.region"() ({
      %run_scoped3A = tpu.sem_alloc : memref<!tpu.dma_semaphore, #tpu.memory_space<semaphore_mem>>
      %dma_start3A = tpu.memref_slice %arg10[%mul3A_28] : memref<327680xf32, #tpu.memory_space<hbm>> -> memref<10128xf32, #tpu.memory_space<hbm>>
      %dma_start3A_107 = tpu.memref_slice %arg10[%mul3A_28] : memref<327680xf32, #tpu.memory_space<hbm>> -> memref<10128xf32, #tpu.memory_space<hbm>>
      tpu.enqueue_dma source(%arg16 : memref<10128xf32, #tpu.memory_space<vmem>>) target(%dma_start3A_107 : memref<10128xf32, #tpu.memory_space<hbm>>) target_semaphore(%run_scoped3A : memref<!tpu.dma_semaphore, #tpu.memory_space<semaphore_mem>>)
      %dma_wait3A = tpu.memref_slice %arg10[%mul3A_28] : memref<327680xf32, #tpu.memory_space<hbm>> -> memref<10128xf32, #tpu.memory_space<hbm>>
      %dma_wait3A_108 = tpu.memref_slice %arg10[%mul3A_28] : memref<327680xf32, #tpu.memory_space<hbm>> -> memref<10128xf32, #tpu.memory_space<hbm>>
      tpu.wait_dma2 semaphore(%run_scoped3A : memref<!tpu.dma_semaphore, #tpu.memory_space<semaphore_mem>>) src(%arg16 : memref<10128xf32, #tpu.memory_space<vmem>>) dst(%dma_wait3A_108 : memref<10128xf32, #tpu.memory_space<hbm>>)
      tpu.yield
    }) : () -> ()
    %broadcast_in_dim3A = arith.constant 0 : i32
    %broadcast_in_dim3A_29 = vector.broadcast %broadcast_in_dim3A : i32 to vector<16xi32>
    %add3A_30 = vector.broadcast %scan3A_13 : i32 to vector<16xi32>
    %add3A_31 = arith.addi %broadcast_in_dim3A_29, %add3A_30 : vector<16xi32>
    %swap3A = arith.constant 0 : index
    %swap3A_32 = tpu.vector_load %arg19[%swap3A] {strides = array<i32>} : memref<16xi32, #tpu.memory_space<vmem>>, vector<16xi32>,
    tpu.vector_store %arg19[%swap3A], %add3A_31 {strides = array<i32>} : memref<16xi32, #tpu.memory_space<vmem>>, vector<16xi32>,
    %mul3A_33 = arith.constant 16 : i32
    %mul3A_34 = arith.muli %add3A, %mul3A_33 : i32
    "tpu.region"() ({
      %run_scoped3A = tpu.sem_alloc : memref<!tpu.dma_semaphore, #tpu.memory_space<semaphore_mem>>
      %dma_start3A = tpu.memref_slice %arg11[%mul3A_34] : memref<512xi32, #tpu.memory_space<hbm>> -> memref<16xi32, #tpu.memory_space<hbm>>
      %dma_start3A_107 = tpu.memref_slice %arg11[%mul3A_34] : memref<512xi32, #tpu.memory_space<hbm>> -> memref<16xi32, #tpu.memory_space<hbm>>
      tpu.enqueue_dma source(%arg19 : memref<16xi32, #tpu.memory_space<vmem>>) target(%dma_start3A_107 : memref<16xi32, #tpu.memory_space<hbm>>) target_semaphore(%run_scoped3A : memref<!tpu.dma_semaphore, #tpu.memory_space<semaphore_mem>>)
      %dma_wait3A = tpu.memref_slice %arg11[%mul3A_34] : memref<512xi32, #tpu.memory_space<hbm>> -> memref<16xi32, #tpu.memory_space<hbm>>
      %dma_wait3A_108 = tpu.memref_slice %arg11[%mul3A_34] : memref<512xi32, #tpu.memory_space<hbm>> -> memref<16xi32, #tpu.memory_space<hbm>>
      tpu.wait_dma2 semaphore(%run_scoped3A : memref<!tpu.dma_semaphore, #tpu.memory_space<semaphore_mem>>) src(%arg19 : memref<16xi32, #tpu.memory_space<vmem>>) dst(%dma_wait3A_108 : memref<16xi32, #tpu.memory_space<hbm>>)
      tpu.yield
    }) : () -> ()
    %mul3A_35 = arith.constant 128 : i32
    %mul3A_36 = arith.muli %arg1, %mul3A_35 : i32
    %add3A_37 = arith.constant 0 : i32
    %add3A_38 = arith.addi %mul3A_36, %add3A_37 : i32
    %get3A = arith.index_cast %add3A_38 : i32 to index
    %get3A_39 = tpu.vector_load %arg18[%get3A] {strides = array<i32>} : memref<2048xi32, #tpu.memory_space<vmem>>, vector<16xi32>,
    %gather3A = tpu.vector_load_idx %arg13[%get3A_39] : memref<10000xi32, #tpu.memory_space<vmem>>[vector<16xi32>], vector<16xi32>,
    %swap3A_40 = arith.constant 0 : index
    %swap3A_41 = tpu.vector_load %arg20[%swap3A_40] {strides = array<i32>} : memref<128xi32, #tpu.memory_space<vmem>>, vector<16xi32>,
    tpu.vector_store %arg20[%swap3A_40], %gather3A {strides = array<i32>} : memref<128xi32, #tpu.memory_space<vmem>>, vector<16xi32>,
    %mul3A_42 = arith.constant 128 : i32
    %mul3A_43 = arith.muli %arg1, %mul3A_42 : i32
    %add3A_44 = arith.constant 16 : i32
    %add3A_45 = arith.addi %mul3A_43, %add3A_44 : i32
    %get3A_46 = arith.index_cast %add3A_45 : i32 to index
    %get3A_47 = tpu.vector_load %arg18[%get3A_46] {strides = array<i32>} : memref<2048xi32, #tpu.memory_space<vmem>>, vector<16xi32>,
    %gather3A_48 = tpu.vector_load_idx %arg13[%get3A_47] : memref<10000xi32, #tpu.memory_space<vmem>>[vector<16xi32>], vector<16xi32>,
    %swap3A_49 = arith.constant 16 : index
    %swap3A_50 = tpu.vector_load %arg20[%swap3A_49] {strides = array<i32>} : memref<128xi32, #tpu.memory_space<vmem>>, vector<16xi32>,
    tpu.vector_store %arg20[%swap3A_49], %gather3A_48 {strides = array<i32>} : memref<128xi32, #tpu.memory_space<vmem>>, vector<16xi32>,
    %mul3A_51 = arith.constant 128 : i32
    %mul3A_52 = arith.muli %arg1, %mul3A_51 : i32
    %add3A_53 = arith.constant 32 : i32
    %add3A_54 = arith.addi %mul3A_52, %add3A_53 : i32
    %get3A_55 = arith.index_cast %add3A_54 : i32 to index
    %get3A_56 = tpu.vector_load %arg18[%get3A_55] {strides = array<i32>} : memref<2048xi32, #tpu.memory_space<vmem>>, vector<16xi32>,
    %gather3A_57 = tpu.vector_load_idx %arg13[%get3A_56] : memref<10000xi32, #tpu.memory_space<vmem>>[vector<16xi32>], vector<16xi32>,
    %swap3A_58 = arith.constant 32 : index
    %swap3A_59 = tpu.vector_load %arg20[%swap3A_58] {strides = array<i32>} : memref<128xi32, #tpu.memory_space<vmem>>, vector<16xi32>,
    tpu.vector_store %arg20[%swap3A_58], %gather3A_57 {strides = array<i32>} : memref<128xi32, #tpu.memory_space<vmem>>, vector<16xi32>,
    %mul3A_60 = arith.constant 128 : i32
    %mul3A_61 = arith.muli %arg1, %mul3A_60 : i32
    %add3A_62 = arith.constant 48 : i32
    %add3A_63 = arith.addi %mul3A_61, %add3A_62 : i32
    %get3A_64 = arith.index_cast %add3A_63 : i32 to index
    %get3A_65 = tpu.vector_load %arg18[%get3A_64] {strides = array<i32>} : memref<2048xi32, #tpu.memory_space<vmem>>, vector<16xi32>,
    %gather3A_66 = tpu.vector_load_idx %arg13[%get3A_65] : memref<10000xi32, #tpu.memory_space<vmem>>[vector<16xi32>], vector<16xi32>,
    %swap3A_67 = arith.constant 48 : index
    %swap3A_68 = tpu.vector_load %arg20[%swap3A_67] {strides = array<i32>} : memref<128xi32, #tpu.memory_space<vmem>>, vector<16xi32>,
    tpu.vector_store %arg20[%swap3A_67], %gather3A_66 {strides = array<i32>} : memref<128xi32, #tpu.memory_space<vmem>>, vector<16xi32>,
    %mul3A_69 = arith.constant 128 : i32
    %mul3A_70 = arith.muli %arg1, %mul3A_69 : i32
    %add3A_71 = arith.constant 64 : i32
    %add3A_72 = arith.addi %mul3A_70, %add3A_71 : i32
    %get3A_73 = arith.index_cast %add3A_72 : i32 to index
    %get3A_74 = tpu.vector_load %arg18[%get3A_73] {strides = array<i32>} : memref<2048xi32, #tpu.memory_space<vmem>>, vector<16xi32>,
    %gather3A_75 = tpu.vector_load_idx %arg13[%get3A_74] : memref<10000xi32, #tpu.memory_space<vmem>>[vector<16xi32>], vector<16xi32>,
    %swap3A_76 = arith.constant 64 : index
    %swap3A_77 = tpu.vector_load %arg20[%swap3A_76] {strides = array<i32>} : memref<128xi32, #tpu.memory_space<vmem>>, vector<16xi32>,
    tpu.vector_store %arg20[%swap3A_76], %gather3A_75 {strides = array<i32>} : memref<128xi32, #tpu.memory_space<vmem>>, vector<16xi32>,
    %mul3A_78 = arith.constant 128 : i32
    %mul3A_79 = arith.muli %arg1, %mul3A_78 : i32
    %add3A_80 = arith.constant 80 : i32
    %add3A_81 = arith.addi %mul3A_79, %add3A_80 : i32
    %get3A_82 = arith.index_cast %add3A_81 : i32 to index
    %get3A_83 = tpu.vector_load %arg18[%get3A_82] {strides = array<i32>} : memref<2048xi32, #tpu.memory_space<vmem>>, vector<16xi32>,
    %gather3A_84 = tpu.vector_load_idx %arg13[%get3A_83] : memref<10000xi32, #tpu.memory_space<vmem>>[vector<16xi32>], vector<16xi32>,
    %swap3A_85 = arith.constant 80 : index
    %swap3A_86 = tpu.vector_load %arg20[%swap3A_85] {strides = array<i32>} : memref<128xi32, #tpu.memory_space<vmem>>, vector<16xi32>,
    tpu.vector_store %arg20[%swap3A_85], %gather3A_84 {strides = array<i32>} : memref<128xi32, #tpu.memory_space<vmem>>, vector<16xi32>,
    %mul3A_87 = arith.constant 128 : i32
    %mul3A_88 = arith.muli %arg1, %mul3A_87 : i32
    %add3A_89 = arith.constant 96 : i32
    %add3A_90 = arith.addi %mul3A_88, %add3A_89 : i32
    %get3A_91 = arith.index_cast %add3A_90 : i32 to index
    %get3A_92 = tpu.vector_load %arg18[%get3A_91] {strides = array<i32>} : memref<2048xi32, #tpu.memory_space<vmem>>, vector<16xi32>,
    %gather3A_93 = tpu.vector_load_idx %arg13[%get3A_92] : memref<10000xi32, #tpu.memory_space<vmem>>[vector<16xi32>], vector<16xi32>,
    %swap3A_94 = arith.constant 96 : index
    %swap3A_95 = tpu.vector_load %arg20[%swap3A_94] {strides = array<i32>} : memref<128xi32, #tpu.memory_space<vmem>>, vector<16xi32>,
    tpu.vector_store %arg20[%swap3A_94], %gather3A_93 {strides = array<i32>} : memref<128xi32, #tpu.memory_space<vmem>>, vector<16xi32>,
    %mul3A_96 = arith.constant 128 : i32
    %mul3A_97 = arith.muli %arg1, %mul3A_96 : i32
    %add3A_98 = arith.constant 112 : i32
    %add3A_99 = arith.addi %mul3A_97, %add3A_98 : i32
    %get3A_100 = arith.index_cast %add3A_99 : i32 to index
    %get3A_101 = tpu.vector_load %arg18[%get3A_100] {strides = array<i32>} : memref<2048xi32, #tpu.memory_space<vmem>>, vector<16xi32>,
    %gather3A_102 = tpu.vector_load_idx %arg13[%get3A_101] : memref<10000xi32, #tpu.memory_space<vmem>>[vector<16xi32>], vector<16xi32>,
    %swap3A_103 = arith.constant 112 : index
    %swap3A_104 = tpu.vector_load %arg20[%swap3A_103] {strides = array<i32>} : memref<128xi32, #tpu.memory_space<vmem>>, vector<16xi32>,
    tpu.vector_store %arg20[%swap3A_103], %gather3A_102 {strides = array<i32>} : memref<128xi32, #tpu.memory_space<vmem>>, vector<16xi32>,
    %eq3A = arith.constant 0 : i32
    %eq3A_105 = arith.cmpi eq, %arg0, %eq3A : i32
    %convert_element_type3A = arith.extui %eq3A_105 : i1 to i32
    %cond3A = arith.constant 0 : i32
    %cond3A_106 = arith.cmpi ne, %convert_element_type3A, %cond3A : i32
    scf.if %cond3A_106 {
      %mul3A_107 = arith.constant 128 : i32
      %mul3A_108 = arith.muli %arg1, %mul3A_107 : i32
      "tpu.region"() ({
        %run_scoped3A = tpu.sem_alloc : memref<!tpu.dma_semaphore, #tpu.memory_space<semaphore_mem>>
        %dma_start3A = tpu.memref_slice %arg12[%mul3A_108] : memref<2048xi32, #tpu.memory_space<hbm>> -> memref<128xi32, #tpu.memory_space<hbm>>
        %dma_start3A_109 = tpu.memref_slice %arg12[%mul3A_108] : memref<2048xi32, #tpu.memory_space<hbm>> -> memref<128xi32, #tpu.memory_space<hbm>>
        tpu.enqueue_dma source(%arg20 : memref<128xi32, #tpu.memory_space<vmem>>) target(%dma_start3A_109 : memref<128xi32, #tpu.memory_space<hbm>>) target_semaphore(%run_scoped3A : memref<!tpu.dma_semaphore, #tpu.memory_space<semaphore_mem>>)
        %dma_wait3A = tpu.memref_slice %arg12[%mul3A_108] : memref<2048xi32, #tpu.memory_space<hbm>> -> memref<128xi32, #tpu.memory_space<hbm>>
        %dma_wait3A_110 = tpu.memref_slice %arg12[%mul3A_108] : memref<2048xi32, #tpu.memory_space<hbm>> -> memref<128xi32, #tpu.memory_space<hbm>>
        tpu.wait_dma2 semaphore(%run_scoped3A : memref<!tpu.dma_semaphore, #tpu.memory_space<semaphore_mem>>) src(%arg20 : memref<128xi32, #tpu.memory_space<vmem>>) dst(%dma_wait3A_110 : memref<128xi32, #tpu.memory_space<hbm>>)
        tpu.yield
      }) : () -> ()
    } else {
    }
    return
  }
}

module attributes {stable_mosaic.version = 14 : i64} {
  func.func @_cos_body(%arg0: i32, %arg1: memref<512xi32, #tpu.memory_space<smem>>, %arg2: memref<2048xf32, #tpu.memory_space<vmem>>, %arg3: memref<1x128xf32, #tpu.memory_space<vmem>>, %arg4: memref<1x128xf32, #tpu.memory_space<vmem>>, %arg5: memref<1024x128xi32, #tpu.memory_space<vmem>>) attributes {dimension_semantics = [#tpu.dimension_semantics<arbitrary>], iteration_bounds = array<i64: 160>, scalar_prefetch = 1 : i64, scratch_operands = 0 : i64, tpu.core_type = #tpu.core_type<tc>, window_params = [{transform_indices = @transform_0, window_bounds = array<i64: 2048>}, {pipeline_mode = #tpu.pipeline_mode<synchronous>, transform_indices = @transform_1, window_bounds = array<i64: 1, 128>}, {pipeline_mode = #tpu.pipeline_mode<synchronous>, transform_indices = @transform_2, window_bounds = array<i64: 1, 128>}, {transform_indices = @transform_3, window_bounds = array<i64: 1024, 128>}]} {
    %jit3A = arith.constant 5 : i32
    %div3A = arith.divsi %arg0, %jit3A : i32
    %sign3A = arith.constant 0 : i32
    %sign3A_0 = arith.cmpi sgt, %arg0, %sign3A : i32
    %sign3A_1 = arith.extui %sign3A_0 : i1 to i32
    %sign3A_2 = arith.constant 0 : i32
    %sign3A_3 = arith.cmpi slt, %arg0, %sign3A_2 : i32
    %sign3A_4 = arith.extui %sign3A_3 : i1 to i32
    %sign3A_5 = arith.subi %sign3A_1, %sign3A_4 : i32
    %sign3A_6 = arith.constant 0 : i32
    %sign3A_7 = arith.cmpi sgt, %jit3A, %sign3A_6 : i32
    %sign3A_8 = arith.extui %sign3A_7 : i1 to i32
    %sign3A_9 = arith.constant 0 : i32
    %sign3A_10 = arith.cmpi slt, %jit3A, %sign3A_9 : i32
    %sign3A_11 = arith.extui %sign3A_10 : i1 to i32
    %sign3A_12 = arith.subi %sign3A_8, %sign3A_11 : i32
    %ne3A = arith.cmpi ne, %sign3A_5, %sign3A_12 : i32
    %rem3A = arith.remsi %arg0, %jit3A : i32
    %ne3A_13 = arith.constant 0 : i32
    %ne3A_14 = arith.cmpi ne, %rem3A, %ne3A_13 : i32
    %and3A = arith.andi %ne3A, %ne3A_14 : i1
    %sub3A = arith.constant 1 : i32
    %sub3A_15 = arith.subi %div3A, %sub3A : i32
    %select_n3A = arith.select %and3A, %sub3A_15, %div3A : i32
    %jit3A_16 = arith.constant 5 : i32
    %eq3A = arith.constant 0 : i32
    %eq3A_17 = arith.cmpi eq, %jit3A_16, %eq3A : i32
    %jit3A_18 = arith.constant 1 : i32
    %select_n3A_19 = arith.select %eq3A_17, %jit3A_18, %jit3A_16 : i32
    %rem3A_20 = arith.remsi %arg0, %select_n3A_19 : i32
    %ne3A_21 = arith.constant 0 : i32
    %ne3A_22 = arith.cmpi ne, %rem3A_20, %ne3A_21 : i32
    %lt3A = arith.constant 0 : i32
    %lt3A_23 = arith.cmpi slt, %rem3A_20, %lt3A : i32
    %lt3A_24 = arith.constant 0 : i32
    %lt3A_25 = arith.cmpi slt, %select_n3A_19, %lt3A_24 : i32
    %ne3A_26 = arith.xori %lt3A_23, %lt3A_25 : i1
    %and3A_27 = arith.andi %ne3A_26, %ne3A_22 : i1
    %add3A = arith.addi %rem3A_20, %select_n3A_19 : i32
    %select_n3A_28 = arith.select %and3A_27, %add3A, %rem3A_20 : i32
    %mul3A = arith.constant 2048 : i32
    %mul3A_29 = arith.muli %select_n3A_28, %mul3A : i32
    %mul3A_30 = arith.constant 16 : i32
    %mul3A_31 = arith.muli %select_n3A, %mul3A_30 : i32
    %get3A = arith.index_cast %mul3A_31 : i32 to index
    %get3A_32 = memref.load %arg1[%get3A] : memref<512xi32, #tpu.memory_space<smem>>
    %lt3A_33 = arith.cmpi slt, %mul3A_29, %get3A_32 : i32
    %convert_element_type3A = arith.extui %lt3A_33 : i1 to i32
    %cond3A = arith.constant 0 : i32
    %cond3A_34 = arith.cmpi ne, %convert_element_type3A, %cond3A : i32
    scf.if %cond3A_34 {
      %get3A_35 = arith.constant 0 : index
      %get3A_36 = vector.load %arg2[%get3A_35] : memref<2048xf32, #tpu.memory_space<vmem>>, vector<2048xf32>
      %reshape3A = vector.shape_cast %get3A_36 : vector<2048xf32> to vector<2048x1xf32>
      %get3A_37 = arith.constant 0 : index
      %get3A_38 = arith.constant 0 : index
      %get3A_39 = vector.load %arg3[%get3A_37, %get3A_38] : memref<1x128xf32, #tpu.memory_space<vmem>>, vector<1x128xf32>
      %mul3A_40 = vector.broadcast %reshape3A : vector<2048x1xf32> to vector<2048x128xf32>
      %mul3A_41 = vector.broadcast %get3A_39 : vector<1x128xf32> to vector<2048x128xf32>
      %mul3A_42 = arith.mulf %mul3A_40, %mul3A_41 : vector<2048x128xf32>
      %cos3A = math.cos %mul3A_42 : vector<2048x128xf32>
      %get3A_43 = arith.constant 0 : index
      %get3A_44 = arith.constant 0 : index
      %get3A_45 = vector.load %arg4[%get3A_43, %get3A_44] : memref<1x128xf32, #tpu.memory_space<vmem>>, vector<1x128xf32>
      %add3A_46 = vector.broadcast %get3A_45 : vector<1x128xf32> to vector<2048x128xf32>
      %add3A_47 = arith.addf %cos3A, %add3A_46 : vector<2048x128xf32>
      %slice3A = vector.extract_strided_slice %add3A_47 {offsets = [0, 0], sizes = [2048, 64], strides = [1, 1]} : vector<2048x128xf32> to vector<2048x64xf32>
      %bitcast_convert_type3A = tpu.bitcast %slice3A : vector<2048x64xf32> -> vector<2048x64xi32>
      %add3A_48 = arith.constant 32768 : i32
      %add3A_49 = vector.broadcast %add3A_48 : i32 to vector<2048x64xi32>
      %add3A_50 = arith.addi %bitcast_convert_type3A, %add3A_49 : vector<2048x64xi32>
      %and3A_51 = arith.constant -65536 : i32
      %and3A_52 = vector.broadcast %and3A_51 : i32 to vector<2048x64xi32>
      %and3A_53 = arith.andi %add3A_50, %and3A_52 : vector<2048x64xi32>
      %shift_right_logical3A = arith.constant 16 : i32
      %shift_right_logical3A_54 = vector.broadcast %shift_right_logical3A : i32 to vector<2048x64xi32>
      %shift_right_logical3A_55 = arith.shrui %and3A_53, %shift_right_logical3A_54 : vector<2048x64xi32>
      %slice3A_56 = vector.extract_strided_slice %add3A_47 {offsets = [0, 64], sizes = [2048, 64], strides = [1, 1]} : vector<2048x128xf32> to vector<2048x64xf32>
      %bitcast_convert_type3A_57 = tpu.bitcast %slice3A_56 : vector<2048x64xf32> -> vector<2048x64xi32>
      %add3A_58 = arith.constant 32768 : i32
      %add3A_59 = vector.broadcast %add3A_58 : i32 to vector<2048x64xi32>
      %add3A_60 = arith.addi %bitcast_convert_type3A_57, %add3A_59 : vector<2048x64xi32>
      %and3A_61 = arith.constant -65536 : i32
      %and3A_62 = vector.broadcast %and3A_61 : i32 to vector<2048x64xi32>
      %and3A_63 = arith.andi %add3A_60, %and3A_62 : vector<2048x64xi32>
      %or3A = arith.ori %and3A_63, %shift_right_logical3A_55 : vector<2048x64xi32>
      %slice3A_64 = vector.extract_strided_slice %or3A {offsets = [0, 0], sizes = [1024, 64], strides = [1, 1]} : vector<2048x64xi32> to vector<1024x64xi32>
      %swap3A = arith.constant 0 : index
      %swap3A_65 = arith.constant 0 : index
      %swap3A_66 = vector.load %arg5[%swap3A, %swap3A_65] : memref<1024x128xi32, #tpu.memory_space<vmem>>, vector<1024x64xi32>
      tpu.vector_store %arg5[%swap3A, %swap3A_65], %slice3A_64 {strides = array<i32>} : memref<1024x128xi32, #tpu.memory_space<vmem>>, vector<1024x64xi32>,
      %slice3A_67 = vector.extract_strided_slice %or3A {offsets = [1024, 0], sizes = [1024, 64], strides = [1, 1]} : vector<2048x64xi32> to vector<1024x64xi32>
      %swap3A_68 = arith.constant 0 : index
      %swap3A_69 = arith.constant 64 : index
      %swap3A_70 = vector.load %arg5[%swap3A_68, %swap3A_69] : memref<1024x128xi32, #tpu.memory_space<vmem>>, vector<1024x64xi32>
      tpu.vector_store %arg5[%swap3A_68, %swap3A_69], %slice3A_67 {strides = array<i32>} : memref<1024x128xi32, #tpu.memory_space<vmem>>, vector<1024x64xi32>,
    } else {
    }
    return
  }
  func.func @transform_0(%arg0: i32, %arg1: memref<512xi32, #tpu.memory_space<smem>>) -> i32 {
    %jit3A = arith.constant 5 : i32
    %div3A = arith.divsi %arg0, %jit3A : i32
    %sign3A = arith.constant 0 : i32
    %sign3A_0 = arith.cmpi sgt, %arg0, %sign3A : i32
    %sign3A_1 = arith.extui %sign3A_0 : i1 to i32
    %sign3A_2 = arith.constant 0 : i32
    %sign3A_3 = arith.cmpi slt, %arg0, %sign3A_2 : i32
    %sign3A_4 = arith.extui %sign3A_3 : i1 to i32
    %sign3A_5 = arith.subi %sign3A_1, %sign3A_4 : i32
    %sign3A_6 = arith.constant 0 : i32
    %sign3A_7 = arith.cmpi sgt, %jit3A, %sign3A_6 : i32
    %sign3A_8 = arith.extui %sign3A_7 : i1 to i32
    %sign3A_9 = arith.constant 0 : i32
    %sign3A_10 = arith.cmpi slt, %jit3A, %sign3A_9 : i32
    %sign3A_11 = arith.extui %sign3A_10 : i1 to i32
    %sign3A_12 = arith.subi %sign3A_8, %sign3A_11 : i32
    %ne3A = arith.cmpi ne, %sign3A_5, %sign3A_12 : i32
    %rem3A = arith.remsi %arg0, %jit3A : i32
    %ne3A_13 = arith.constant 0 : i32
    %ne3A_14 = arith.cmpi ne, %rem3A, %ne3A_13 : i32
    %and3A = arith.andi %ne3A, %ne3A_14 : i1
    %sub3A = arith.constant 1 : i32
    %sub3A_15 = arith.subi %div3A, %sub3A : i32
    %select_n3A = arith.select %and3A, %sub3A_15, %div3A : i32
    %jit3A_16 = arith.constant 5 : i32
    %eq3A = arith.constant 0 : i32
    %eq3A_17 = arith.cmpi eq, %jit3A_16, %eq3A : i32
    %jit3A_18 = arith.constant 1 : i32
    %select_n3A_19 = arith.select %eq3A_17, %jit3A_18, %jit3A_16 : i32
    %rem3A_20 = arith.remsi %arg0, %select_n3A_19 : i32
    %ne3A_21 = arith.constant 0 : i32
    %ne3A_22 = arith.cmpi ne, %rem3A_20, %ne3A_21 : i32
    %lt3A = arith.constant 0 : i32
    %lt3A_23 = arith.cmpi slt, %rem3A_20, %lt3A : i32
    %lt3A_24 = arith.constant 0 : i32
    %lt3A_25 = arith.cmpi slt, %select_n3A_19, %lt3A_24 : i32
    %ne3A_26 = arith.xori %lt3A_23, %lt3A_25 : i1
    %and3A_27 = arith.andi %ne3A_26, %ne3A_22 : i1
    %add3A = arith.addi %rem3A_20, %select_n3A_19 : i32
    %select_n3A_28 = arith.select %and3A_27, %add3A, %rem3A_20 : i32
    %mul3A = arith.constant 2048 : i32
    %mul3A_29 = arith.muli %select_n3A_28, %mul3A : i32
    %mul3A_30 = arith.constant 16 : i32
    %mul3A_31 = arith.muli %select_n3A, %mul3A_30 : i32
    %get3A = arith.index_cast %mul3A_31 : i32 to index
    %get3A_32 = memref.load %arg1[%get3A] : memref<512xi32, #tpu.memory_space<smem>>
    %lt3A_33 = arith.cmpi slt, %mul3A_29, %get3A_32 : i32
    %mul3A_34 = arith.constant 5 : i32
    %mul3A_35 = arith.muli %select_n3A, %mul3A_34 : i32
    %add3A_36 = arith.constant 5 : i32
    %add3A_37 = arith.addi %mul3A_35, %add3A_36 : i32
    %sub3A_38 = arith.constant 1 : i32
    %sub3A_39 = arith.subi %add3A_37, %sub3A_38 : i32
    %select_n3A_40 = arith.select %lt3A_33, %arg0, %sub3A_39 : i32
    %c0_i32 = arith.constant 0 : i32
    return %select_n3A_40 : i32
  }
  func.func @transform_1(%arg0: i32, %arg1: memref<512xi32, #tpu.memory_space<smem>>) -> (i32, i32) {
    %c0_i32 = arith.constant 0 : i32
    %c0_i32_0 = arith.constant 0 : i32
    %c0_i32_1 = arith.constant 0 : i32
    return %c0_i32, %c0_i32_0 : i32, i32
  }
  func.func @transform_2(%arg0: i32, %arg1: memref<512xi32, #tpu.memory_space<smem>>) -> (i32, i32) {
    %c0_i32 = arith.constant 0 : i32
    %c0_i32_0 = arith.constant 0 : i32
    %c0_i32_1 = arith.constant 0 : i32
    return %c0_i32, %c0_i32_0 : i32, i32
  }
  func.func @transform_3(%arg0: i32, %arg1: memref<512xi32, #tpu.memory_space<smem>>) -> (i32, i32) {
    %jit3A = arith.constant 5 : i32
    %div3A = arith.divsi %arg0, %jit3A : i32
    %sign3A = arith.constant 0 : i32
    %sign3A_0 = arith.cmpi sgt, %arg0, %sign3A : i32
    %sign3A_1 = arith.extui %sign3A_0 : i1 to i32
    %sign3A_2 = arith.constant 0 : i32
    %sign3A_3 = arith.cmpi slt, %arg0, %sign3A_2 : i32
    %sign3A_4 = arith.extui %sign3A_3 : i1 to i32
    %sign3A_5 = arith.subi %sign3A_1, %sign3A_4 : i32
    %sign3A_6 = arith.constant 0 : i32
    %sign3A_7 = arith.cmpi sgt, %jit3A, %sign3A_6 : i32
    %sign3A_8 = arith.extui %sign3A_7 : i1 to i32
    %sign3A_9 = arith.constant 0 : i32
    %sign3A_10 = arith.cmpi slt, %jit3A, %sign3A_9 : i32
    %sign3A_11 = arith.extui %sign3A_10 : i1 to i32
    %sign3A_12 = arith.subi %sign3A_8, %sign3A_11 : i32
    %ne3A = arith.cmpi ne, %sign3A_5, %sign3A_12 : i32
    %rem3A = arith.remsi %arg0, %jit3A : i32
    %ne3A_13 = arith.constant 0 : i32
    %ne3A_14 = arith.cmpi ne, %rem3A, %ne3A_13 : i32
    %and3A = arith.andi %ne3A, %ne3A_14 : i1
    %sub3A = arith.constant 1 : i32
    %sub3A_15 = arith.subi %div3A, %sub3A : i32
    %select_n3A = arith.select %and3A, %sub3A_15, %div3A : i32
    %jit3A_16 = arith.constant 5 : i32
    %eq3A = arith.constant 0 : i32
    %eq3A_17 = arith.cmpi eq, %jit3A_16, %eq3A : i32
    %jit3A_18 = arith.constant 1 : i32
    %select_n3A_19 = arith.select %eq3A_17, %jit3A_18, %jit3A_16 : i32
    %rem3A_20 = arith.remsi %arg0, %select_n3A_19 : i32
    %ne3A_21 = arith.constant 0 : i32
    %ne3A_22 = arith.cmpi ne, %rem3A_20, %ne3A_21 : i32
    %lt3A = arith.constant 0 : i32
    %lt3A_23 = arith.cmpi slt, %rem3A_20, %lt3A : i32
    %lt3A_24 = arith.constant 0 : i32
    %lt3A_25 = arith.cmpi slt, %select_n3A_19, %lt3A_24 : i32
    %ne3A_26 = arith.xori %lt3A_23, %lt3A_25 : i1
    %and3A_27 = arith.andi %ne3A_26, %ne3A_22 : i1
    %add3A = arith.addi %rem3A_20, %select_n3A_19 : i32
    %select_n3A_28 = arith.select %and3A_27, %add3A, %rem3A_20 : i32
    %mul3A = arith.constant 2048 : i32
    %mul3A_29 = arith.muli %select_n3A_28, %mul3A : i32
    %mul3A_30 = arith.constant 16 : i32
    %mul3A_31 = arith.muli %select_n3A, %mul3A_30 : i32
    %get3A = arith.index_cast %mul3A_31 : i32 to index
    %get3A_32 = memref.load %arg1[%get3A] : memref<512xi32, #tpu.memory_space<smem>>
    %lt3A_33 = arith.cmpi slt, %mul3A_29, %get3A_32 : i32
    %mul3A_34 = arith.constant 5 : i32
    %mul3A_35 = arith.muli %select_n3A, %mul3A_34 : i32
    %add3A_36 = arith.constant 5 : i32
    %add3A_37 = arith.addi %mul3A_35, %add3A_36 : i32
    %sub3A_38 = arith.constant 1 : i32
    %sub3A_39 = arith.subi %add3A_37, %sub3A_38 : i32
    %select_n3A_40 = arith.select %lt3A_33, %arg0, %sub3A_39 : i32
    %c0_i32 = arith.constant 0 : i32
    %c0_i32_41 = arith.constant 0 : i32
    return %select_n3A_40, %c0_i32 : i32, i32
  }
}

module attributes {stable_mosaic.version = 14 : i64} {
  func.func @_cls_body(%arg0: memref<3x2048x128xf32, #tpu.memory_space<vmem>>, %arg1: memref<2x2048x16xf32, #tpu.memory_space<vmem>>, %arg2: memref<16x128xf32, #tpu.memory_space<vmem>>, %arg3: memref<128x128xf32, #tpu.memory_space<vmem>>, %arg4: memref<1x128xf32, #tpu.memory_space<vmem>>, %arg5: memref<128x128xf32, #tpu.memory_space<vmem>>, %arg6: memref<1x128xf32, #tpu.memory_space<vmem>>, %arg7: memref<128x128xf32, #tpu.memory_space<vmem>>, %arg8: memref<1x128xf32, #tpu.memory_space<vmem>>, %arg9: memref<2048x128xf32, #tpu.memory_space<vmem>>) attributes {dimension_semantics = [], scalar_prefetch = 0 : i64, scratch_operands = 0 : i64, tpu.core_type = #tpu.core_type<tc>} {
    %get3A = arith.constant 0 : index
    %get3A_0 = arith.constant 0 : index
    %get3A_1 = arith.constant 0 : index
    %get3A_2 = vector.load %arg0[%get3A, %get3A_0, %get3A_1] : memref<3x2048x128xf32, #tpu.memory_space<vmem>>, vector<1x2048x128xf32>
    %get3A_3 = vector.shape_cast %get3A_2 : vector<1x2048x128xf32> to vector<2048x128xf32>
    %get3A_4 = arith.constant 1 : index
    %get3A_5 = arith.constant 0 : index
    %get3A_6 = arith.constant 0 : index
    %get3A_7 = vector.load %arg0[%get3A_4, %get3A_5, %get3A_6] : memref<3x2048x128xf32, #tpu.memory_space<vmem>>, vector<1x2048x128xf32>
    %get3A_8 = vector.shape_cast %get3A_7 : vector<1x2048x128xf32> to vector<2048x128xf32>
    %add3A = arith.addf %get3A_3, %get3A_8 : vector<2048x128xf32>
    %get3A_9 = arith.constant 2 : index
    %get3A_10 = arith.constant 0 : index
    %get3A_11 = arith.constant 0 : index
    %get3A_12 = vector.load %arg0[%get3A_9, %get3A_10, %get3A_11] : memref<3x2048x128xf32, #tpu.memory_space<vmem>>, vector<1x2048x128xf32>
    %get3A_13 = vector.shape_cast %get3A_12 : vector<1x2048x128xf32> to vector<2048x128xf32>
    %add3A_14 = arith.addf %add3A, %get3A_13 : vector<2048x128xf32>
    %get3A_15 = arith.constant 0 : index
    %get3A_16 = arith.constant 0 : index
    %get3A_17 = arith.constant 0 : index
    %get3A_18 = vector.load %arg1[%get3A_15, %get3A_16, %get3A_17] : memref<2x2048x16xf32, #tpu.memory_space<vmem>>, vector<1x2048x16xf32>
    %get3A_19 = vector.shape_cast %get3A_18 : vector<1x2048x16xf32> to vector<2048x16xf32>
    %get3A_20 = arith.constant 1 : index
    %get3A_21 = arith.constant 0 : index
    %get3A_22 = arith.constant 0 : index
    %get3A_23 = vector.load %arg1[%get3A_20, %get3A_21, %get3A_22] : memref<2x2048x16xf32, #tpu.memory_space<vmem>>, vector<1x2048x16xf32>
    %get3A_24 = vector.shape_cast %get3A_23 : vector<1x2048x16xf32> to vector<2048x16xf32>
    %add3A_25 = arith.addf %get3A_19, %get3A_24 : vector<2048x16xf32>
    %get3A_26 = arith.constant 0 : index
    %get3A_27 = arith.constant 0 : index
    %get3A_28 = vector.load %arg2[%get3A_26, %get3A_27] : memref<16x128xf32, #tpu.memory_space<vmem>>, vector<16x128xf32>
    %dot_general3A = arith.constant dense<0.000000e+00> : vector<2048x128xf32>
    %dot_general3A_29 = tpu.matmul %add3A_25, %get3A_28, %dot_general3A {dimension_numbers = #tpu.dot_dimension_numbers<[1], [0], [0], [1], [0, 0, 1, 1], [], []>, transpose_lhs_hint = false} : vector<2048x16xf32>, vector<16x128xf32>, vector<2048x128xf32> -> vector<2048x128xf32>
    %add3A_30 = arith.addf %add3A_14, %dot_general3A_29 : vector<2048x128xf32>
    %get3A_31 = arith.constant 0 : index
    %get3A_32 = arith.constant 0 : index
    %get3A_33 = vector.load %arg3[%get3A_31, %get3A_32] : memref<128x128xf32, #tpu.memory_space<vmem>>, vector<128x128xf32>
    %dot_general3A_34 = arith.constant dense<0.000000e+00> : vector<2048x128xf32>
    %dot_general3A_35 = tpu.matmul %add3A_30, %get3A_33, %dot_general3A_34 {dimension_numbers = #tpu.dot_dimension_numbers<[1], [0], [0], [1], [0, 0, 1, 1], [], []>, transpose_lhs_hint = false} : vector<2048x128xf32>, vector<128x128xf32>, vector<2048x128xf32> -> vector<2048x128xf32>
    %get3A_36 = arith.constant 0 : index
    %get3A_37 = arith.constant 0 : index
    %get3A_38 = vector.load %arg4[%get3A_36, %get3A_37] : memref<1x128xf32, #tpu.memory_space<vmem>>, vector<1x128xf32>
    %add3A_39 = vector.broadcast %get3A_38 : vector<1x128xf32> to vector<2048x128xf32>
    %add3A_40 = arith.addf %dot_general3A_35, %add3A_39 : vector<2048x128xf32>
    %max3A = arith.constant 0.000000e+00 : f32
    %max3A_41 = vector.broadcast %max3A : f32 to vector<2048x128xf32>
    %max3A_42 = arith.maximumf %add3A_40, %max3A_41 : vector<2048x128xf32>
    %get3A_43 = arith.constant 0 : index
    %get3A_44 = arith.constant 0 : index
    %get3A_45 = vector.load %arg5[%get3A_43, %get3A_44] : memref<128x128xf32, #tpu.memory_space<vmem>>, vector<128x128xf32>
    %dot_general3A_46 = arith.constant dense<0.000000e+00> : vector<2048x128xf32>
    %dot_general3A_47 = tpu.matmul %max3A_42, %get3A_45, %dot_general3A_46 {dimension_numbers = #tpu.dot_dimension_numbers<[1], [0], [0], [1], [0, 0, 1, 1], [], []>, transpose_lhs_hint = false} : vector<2048x128xf32>, vector<128x128xf32>, vector<2048x128xf32> -> vector<2048x128xf32>
    %get3A_48 = arith.constant 0 : index
    %get3A_49 = arith.constant 0 : index
    %get3A_50 = vector.load %arg6[%get3A_48, %get3A_49] : memref<1x128xf32, #tpu.memory_space<vmem>>, vector<1x128xf32>
    %add3A_51 = vector.broadcast %get3A_50 : vector<1x128xf32> to vector<2048x128xf32>
    %add3A_52 = arith.addf %dot_general3A_47, %add3A_51 : vector<2048x128xf32>
    %max3A_53 = arith.constant 0.000000e+00 : f32
    %max3A_54 = vector.broadcast %max3A_53 : f32 to vector<2048x128xf32>
    %max3A_55 = arith.maximumf %add3A_52, %max3A_54 : vector<2048x128xf32>
    %get3A_56 = arith.constant 0 : index
    %get3A_57 = arith.constant 0 : index
    %get3A_58 = vector.load %arg7[%get3A_56, %get3A_57] : memref<128x128xf32, #tpu.memory_space<vmem>>, vector<128x128xf32>
    %dot_general3A_59 = arith.constant dense<0.000000e+00> : vector<2048x128xf32>
    %dot_general3A_60 = tpu.matmul %max3A_55, %get3A_58, %dot_general3A_59 {dimension_numbers = #tpu.dot_dimension_numbers<[1], [0], [0], [1], [0, 0, 1, 1], [], []>, transpose_lhs_hint = false} : vector<2048x128xf32>, vector<128x128xf32>, vector<2048x128xf32> -> vector<2048x128xf32>
    %get3A_61 = arith.constant 0 : index
    %get3A_62 = arith.constant 0 : index
    %get3A_63 = vector.load %arg8[%get3A_61, %get3A_62] : memref<1x128xf32, #tpu.memory_space<vmem>>, vector<1x128xf32>
    %add3A_64 = vector.broadcast %get3A_63 : vector<1x128xf32> to vector<2048x128xf32>
    %add3A_65 = arith.addf %dot_general3A_60, %add3A_64 : vector<2048x128xf32>
    %swap3A = arith.constant 0 : index
    %swap3A_66 = arith.constant 0 : index
    %swap3A_67 = vector.load %arg9[%swap3A, %swap3A_66] : memref<2048x128xf32, #tpu.memory_space<vmem>>, vector<2048x128xf32>
    tpu.vector_store %arg9[%swap3A, %swap3A_66], %add3A_65 {strides = array<i32>} : memref<2048x128xf32, #tpu.memory_space<vmem>>, vector<2048x128xf32>,
    return
  }
}

</mosaic_0001>

<sc_bundles>
// kernel: kernel.6.cloned.1.call-start
scs
__scs_entry_jumppad:
0x0: {  	(pc) =	sbr.rel $0x88, $3  }
0x1: {  	(tag) =	ssettag $0x0;
	lr =	simm.s32 $0x1  }
0x2: {  	[smem:$0x3F92] =	sst lr;
	_ =	strace $0xD0000000  }
0x3: {  	_ = 	snop  }
0x4: {  	_ = 	snop  }
0x5: {  	_ = 	snop  }
0x6: {  	_ = 	snop  }
0x7: {  	_ = 	snop  }
__scs_overlays_trampoline_lowered:
0x8: {  	[smem:$0x3FA1] =	sst s0  }
0x9: {  	[smem:$0x3FA2] =	sst s1  }
0xa: {  	[smem:$0x3FA3] =	sst s2  }
0xb: {  	[smem:$0x3FA4] =	sst s3  }
0xc: {  	[smem:$0x3FA5] =	sst s4  }
0xd: {  	[smem:$0x3FA6] =	sst s5  }
0xe: {  	[smem:$0x3FA7] =	sst s6  }
0xf: {  	[smem:$0x3FA8] =	sst s7  }
0x10: {  	[smem:$0x3FA9] =	sst s8  }
0x11: {  	[smem:$0x3FAA] =	sst s9;
	s0 =	simm.s32 @!p0 $0x0  }
0x12: {  	s1 =	sld [smem:$0x3F90];
	s0 =	simm.s32 @p0 $0x1  }
0x13: {  	[smem:$0x3FAB] =	sst s0;
	s0 =	simm.s32 @!p1 $0x0  }
0x14: {  	s2 =	sld [smem:$0x3F8F];
	s0 =	simm.s32 @p1 $0x1  }
0x15: {  	[smem:$0x3FAC] =	sst s0;
	s0 =	simm.s32 @!p2 $0x0  }
0x16: {  	s3 =	sld [smem:$0x3FDB];
	s0 =	simm.s32 @p2 $0x1  }
0x17: {  	s4 =	simm.s32 $0x1BF5;
	[smem:$0x3FAE] =	sst s0  }
0x18: {  	s0 =	sld [smem:$0x3F91];
	_ =	swait.ge [sflag:s4], $0x0  }
0x19: {  	s7 =	sld [smem:$0x3F92]  }
0x1a: {  	s8 =	sadd.s32 $0xFFFFE003, lr  }
0x1b: {  	s9 =	sadd.s32 $0xFFFFFEF7, lr;
	s5 =	simm.s32 $0xFFFFFFFF;
	p2 =	slt.u32 s8, $0xFFFFF086  }
0x1c: {  	p1 =	slt.u32 s9, $0xF7A;
	s5 =	simm.s32 @!p2 $0x0  }
0x1d: {  	s5 =	simm.s32 @p1 $0x1;
	p0 =	seq.s32 s7, s2  }
0x1e: {  	s7 =	smul.u32 @!p0 $0xF7A, s2;
	p2 =	seq.s32 @!p0 s5, $0x0  }
0x1f: {  	s9 =	smul.u32 $0xF7A, s1;
	s8 =	simm.s32 @!p0 $0x1BF5;
	p2 =	por !p2, p0  }
0x20: {  	[sflag:s8] =	ssyncset.s32 @!p0 $0xFFFFF086;
	s6 =	sadd.s32 @!p0 s3, s7;
	s7 =	simm.s32 @!p0 $0x108  }
0x21: {  	s3 =	sadd.s32 s3, s9;
	s6 =	sadd.s32 @!p0 $0x88, s6;
	s7 =	simm.s32 @p2 $0x1082  }
0x22: {  	[simem:s7], [sflag:s8] =	dma.local @!p0 [hbm:s6], $0xF7A  }
0x23: {  	s9 =	sor.u32 $0xD0000000, s2;
	s6 =	simm.s32 $0x108;
	_ =	swait.ge @!p0 [sflag:s8], $0x0  }
0x24: {  	s3 =	sadd.s32 $0x88, s3;
	s6 =	simm.s32 @!p1 $0x1082;
	[sflag:s4] =	ssyncset.s32 $0xFFFFF086  }
0x25: {  	[simem:s6], [sflag:s4] =	dma.local [hbm:s3], $0xF7A  }
0x26: {  	[smem:$0x3F92] =	sst s1;
	(tag) =	ssettag s2;
	_ =	strace s9  }
0x27: {  	s1 =	sld [smem:$0x3FA2]  }
0x28: {  	s2 =	sld [smem:$0x3FA3]  }
0x29: {  	s4 =	sld [smem:$0x3FA5]  }
0x2a: {  	p0 =	seq.s32 s5, $0x0;
	s5 =	sld [smem:$0x3FA6]  }
0x2b: {  	s6 =	sld [smem:$0x3FA7]  }
0x2c: {  	s7 =	sld [smem:$0x3FA8]  }
0x2d: {  	s3 =	simm.s32 $0x108;
	s8 =	sld [smem:$0x3FA9]  }
0x2e: {  	s3 =	simm.s32 @!p0 $0x1082;
	s9 =	sld [smem:$0x3FAA]  }
0x2f: {  	lr =	sadd.s32 s0, s3;
	s0 =	sld [smem:$0x3FA1]  }
0x30: {  	s3 =	sld [smem:$0x3FA4]  }
0x31: {  	[smem:$0x3FAD] =	sst s10  }
0x32: {  	s10 =	sld [smem:$0x3FAB];
	_ =	sdelay $0x3  }
0x33: {  	p0 =	seq.s32 s10, $0x1;
	s10 =	sld [smem:$0x3FAD];
	_ =	sdelay $0x3  }
0x34: {  	[smem:$0x3FAD] =	sst s10  }
0x35: {  	s10 =	sld [smem:$0x3FAC];
	_ =	sdelay $0x3  }
0x36: {  	p1 =	seq.s32 s10, $0x1;
	s10 =	sld [smem:$0x3FAD];
	_ =	sdelay $0x3  }
0x37: {  	[smem:$0x3FAD] =	sst s10  }
0x38: {  	s10 =	sld [smem:$0x3FAE]  }
0x39: {  	_ = 	snop;
	(pc) =	sbr.ind lr, $3  }
0x3a: {  	_ = 	snop  }
0x3b: {  	_ = 	snop  }
0x3c: {  	p2 =	seq.s32 s10, $0x1;
	s10 =	sld [smem:$0x3FAD]  }
0x3d: {  	_ =	shalt  }
0x3e: {  	_ =	shalt  }
0x3f: {  	_ =	shalt  }
0x40: {  	_ =	shalt  }
0x41: {  	_ =	shalt  }
0x42: {  	_ =	shalt  }
0x43: {  	_ =	shalt  }
0x44: {  	_ =	shalt  }
0x45: {  	_ =	shalt  }
0x46: {  	_ =	shalt  }
0x47: {  	_ =	shalt  }
0x48: {  	_ =	shalt  }
0x49: {  	_ =	shalt  }
0x4a: {  	_ =	shalt  }
0x4b: {  	_ =	shalt  }
0x4c: {  	_ =	shalt  }
0x4d: {  	_ =	shalt  }
0x4e: {  	_ =	shalt  }
0x4f: {  	_ =	shalt  }
0x50: {  	_ =	shalt  }
0x51: {  	_ =	shalt  }
0x52: {  	_ =	shalt  }
0x53: {  	_ =	shalt  }
0x54: {  	_ =	shalt  }
0x55: {  	_ =	shalt  }
0x56: {  	_ =	shalt  }
0x57: {  	_ =	shalt  }
0x58: {  	_ =	shalt  }
0x59: {  	_ =	shalt  }
0x5a: {  	_ =	shalt  }
0x5b: {  	_ =	shalt  }
0x5c: {  	_ =	shalt  }
0x5d: {  	_ =	shalt  }
0x5e: {  	_ =	shalt  }
0x5f: {  	_ =	shalt  }
0x60: {  	_ =	shalt  }
0x61: {  	_ =	shalt  }
0x62: {  	_ =	shalt  }
0x63: {  	_ =	shalt  }
0x64: {  	_ =	shalt  }
0x65: {  	_ =	shalt  }
0x66: {  	_ =	shalt  }
0x67: {  	_ =	shalt  }
0x68: {  	_ =	shalt  }
0x69: {  	_ =	shalt  }
0x6a: {  	_ =	shalt  }
0x6b: {  	_ =	shalt  }
0x6c: {  	_ =	shalt  }
0x6d: {  	_ =	shalt  }
0x6e: {  	_ =	shalt  }
0x6f: {  	_ =	shalt  }
0x70: {  	_ =	shalt  }
0x71: {  	_ =	shalt  }
0x72: {  	_ =	shalt  }
0x73: {  	_ =	shalt  }
0x74: {  	_ =	shalt  }
0x75: {  	_ =	shalt  }
0x76: {  	_ =	shalt  }
0x77: {  	_ =	shalt  }
0x78: {  	_ =	shalt  }
0x79: {  	_ =	shalt  }
0x7a: {  	_ =	shalt  }
0x7b: {  	_ =	shalt  }
0x7c: {  	_ =	shalt  }
0x7d: {  	_ =	shalt  }
0x7e: {  	_ =	shalt  }
0x7f: {  	_ =	shalt  }
0x80: {  	_ =	shalt  }
0x81: {  	_ =	shalt  }
0x82: {  	_ =	shalt  }
0x83: {  	_ =	shalt  }
0x84: {  	_ =	shalt  }
0x85: {  	_ =	shalt  }
0x86: {  	_ =	shalt  }
0x87: {  	_ =	shalt  }
.Lfunc_end0:
.L_simem_size_0:
called_computation_lowered:
.L_overlay_start_0:
0x88: {  	s2 =	sld [smem:$0x3FD9]  }
0x89: {  	s3 =	sld [smem:$0x3FFE];
	_ =	sdelay $0x1  }
0x8a: {  	s1 =	srdreg.scid  }
0x8b: {  	s0 =	sand.u32 $0x1, s1  }
0x8c: {  	s17 =	sshll.u32 s0, $0xA;
	s2 =	sadd.s32 s3, s2  }
0x8d: {  	s2 =	sadd.s32 s2, s17  }
0x8e: {  	[smem:$0x3FB9] =	sst s2  }
0x8f: {  	_ = 	snop  }
0x90: {  	s2 =	sld [smem:$0x3FC9]  }
0x91: {  	s18 =	sld [smem:$0x3FC8]  }
0x92: {  	s4 =	sld [smem:$0x3FC7]  }
0x93: {  	s5 =	sld [smem:$0x3FC5]  }
0x94: {  	s6 =	sld [smem:$0x3FD0];
	(tm) =	ssettm $0x1  }
0x95: {  	s7 =	sld [smem:$0x3FFB];
	_ =	sdelay $0x3  }
0x96: {  	_ =	strace s7  }
0x97: {  	s7 =	sld [smem:$0x3FFC];
	_ =	sdelay $0x3  }
0x98: {  	_ =	strace s7  }
0x99: {  	s7 =	sld [smem:$0x3FFD];
	_ =	sdelay $0x3  }
0x9a: {  	_ =	strace s7  }
0x9b: {  	_ =	strace $0x8FFFFFFF  }
0x9c: {  	s19 =	sld [smem:$0x3FDB];
	_ =	sdelay $0x1  }
0x9d: {  	s8 =	simm.s32 $_scs_section_size  }
0x9e: {  	s9 =	simm.s32 $_size__tile_overlayer_lowered;
	s10 =	simm.s32 $_tile_overlayer_lowered  }
0x9f: {  	s22 =	simm.s32 $0x1BFF;
	s21 =	sshll.u32 s10, $0x1;
	s7 =	sadd.s32 s8, s19  }
0xa0: {  	s11 =	simm.s32 $0x0;
	s20 =	sshll.u32 s9, $0x1;
	s9 =	sadd.s32 s21, s7  }
0xa1: {  	[timem:s11], [sflag:s22] =	dma.local [hbm:s9], s20  }
0xa2: {  	_ =	swait.ge [sflag:s22], s20  }
0xa3: {  	s8 =	ssub.s32 $0x0, s20;
	[sflag:s22] =	ssyncset.done $0x0  }
0xa4: {  	[sflag:s22] =	ssyncadd.s32 s8;
	_ =	sdelay $0x1  }
0xa5: {  	s23 =	simm.s32 $0x1B8B  }
0xa6: {  	_ =	swait.ge [sflag:s23], $0x1  }
0xa7: {  	[sflag:s23] =	ssyncset.done $0x0  }
0xa8: {  	s25 =	simm.s32 $0x1B8E;
	s24 =	sld [smem:$0x3FFE];
	[sflag:s23] =	ssyncadd.s32 $0xFFFFFFFF  }
0xa9: {  	s26 =	simm.s32 $execute0_lowered;
	[smem:$0x3FD2] =	sst s25  }
0xaa: {  	s9 =	sshll.u32 s26, $0x1;
	_ =	strace $0x80000046;
	[dreg:$0x1] =	wrdreg $0xFFFFFFFF  }
0xab: {  	s28 =	simm.s32 $_size_execute0_lowered;
	s7 =	sadd.s32 s7, s9;
	[dreg:$0x0] =	wrdreg $0x0  }
0xac: {  	s9 =	sshll.u32 s28, $0x1;
	[dreg:$0x2] =	wrdreg s7  }
0xad: {  	[dreg:$0x3] =	wrdreg s9  }
0xae: {  	[dreg:$0x4] =	wrdreg $0xC0  }
0xaf: {  	_ =	task [dreg:s11], $0x5FFFF  }
0xb0: {  	[dreg:$0x1] =	wrdreg $0xFFFFFFFF  }
0xb1: {  	[dreg:$0x0] =	wrdreg $0x60  }
0xb2: {  	[dreg:$0x2] =	wrdreg s2  }
0xb3: {  	[dreg:$0x3] =	wrdreg s18  }
0xb4: {  	[dreg:$0x4] =	wrdreg s4  }
0xb5: {  	[dreg:$0x5] =	wrdreg s5  }
0xb6: {  	[dreg:$0x6] =	wrdreg s6  }
0xb7: {  	[dreg:$0x7] =	wrdreg s24  }
0xb8: {  	[dreg:$0x8] =	wrdreg $0x9  }
0xb9: {  	_ =	task.clear_ibuf [dreg:s11], $0x9FFFF;
	_ =	strace $0x90000046  }
0xba: {  	s29 =	simm.s32 $0x9;
	_ =	strace $0x80000048  }
0xbb: {  	_ =	swait.ge [sflag:s29], $0x1  }
0xbc: {  	[sflag:s29] =	ssyncadd.s32 $0xFFFFFFFF  }
0xbd: {  	_ =	strace $0x90000048  }
0xbe: {  	_ =	sfence  }
0xbf: {  	s30 =	sld [smem:$0x0];
	_ =	sdelay $0x2  }
0xc0: {  	s31 =	sshll.u32 s1, $0xD;
	s1 =	sshrl.u32 s1, $0x2  }
0xc1: {  	s3 =	sand.u32 $0x4000, s31;
	s1 =	sadd.s32 s1, s30  }
0xc2: {  	s0 =	sor.u32 s3, s0;
	s1 =	sshll.u32 s1, $0x11  }
0xc3: {  	s0 =	sor.u32 s1, s0  }
0xc4: {  	s0 =	sadd.s32 $0x8F2B, s0  }
0xc5: {  	[sflag:s0] =	ssyncadd.remote.s32 $0x1  }
0xc6: {  	_ =	sfence.sel $0xFFFF  }
0xc7: {  	[dreg:$0x0] =	wrdreg $0xFFFFFFFF;
	(pc) =	sbr.abs _section_cstart, $3  }
0xc8: {  	[dreg:$0x1] =	wrdreg $0xFFFFFFFF  }
0xc9: {  	_ =	task.clear_ibuf [dreg:s11], $0x2FFFF;
	_ =	strace $0x9FFFFFFF  }
0xca: {  	(tm) =	ssettm $0x7FFFFFFF  }
0xcb: {  	_ =	shalt  }
tec
execute0_lowered:
.L_overlay_start_1:
0x0: {  	(tag) =	ssettag $0x1  }
0x1: {  	s5 =	rddreg [dreg:$0x0]  }
0x2: {  	s6 =	rddreg [dreg:$0x1]  }
0x3: {  	s7 =	rddreg [dreg:$0x2]  }
0x4: {  	s0 =	rddreg [dreg:$0x3]  }
0x5: {  	s1 =	srdreg.scid;
	s3 =	rddreg [dreg:$0x4]  }
0x6: {  	s8 =	rddreg [dreg:$0x5];
	s2 =	stileid.u32;
	s4 =	simm.s32 $0x0  }
0x7: {  	s19 =	simm.s32 $0x4EA0;
	s20 =	simm.s32 $0x7630;
	s22 =	simm.s32 $0xCD50  }
0x8: {  	s23 =	simm.s32 $0x0;
	s21 =	sand.u32 $0x1, s1;
	s1 =	rddreg [dreg:$0x6]  }
0x9: {  	[smem:$0x7FF] =	sst s4;
	s31 =	sshll.u32 s2, $0x4;
	s18 =	smul.u32 $0x2710, s2  }
0xa: {  	s9 =	sshll.u32 s21, $0x4;
	_ =	strace $0x80000047;
	s30 =	ssub.s32 $0x2, s21  }
0xb: {  	s15 =	sadd.s32 s31, s8;
	s17 =	smul.u32 $0x27100, s21;
	s9 =	sor.u32 s2, s9  }
0xc: {  	p0 =	seq.s32 s21, $0x0;
	s21 =	simm.s32 $0x9DC0;
	s10 =	smul.u32 $0x500, s9  }
0xd: {  	s14 =	sshrl.u32 s30, $0x1;
	s11 =	sshll.u32 s9, $0x1;
	s9 =	smul.u32 $0x2710, s9  }
0xe: {  	s16 =	ssub.s32 s30, s14;
	s14 =	sadd.s32 $0x2B200, s15;
	s13 =	sadd.s32 s11, s8  }
0xf: {  	s15 =	smax.u32 s16, $0x1;
	s16 =	sadd.s32 s18, s17;
	s17 =	simm.s32 $0x1  }
0x10: {  	s18 =	simm.s32 $0x2710;
	s12 =	sadd.s32 s10, s8;
	s9 =	sshrl.u32 s9, $0x3  }
0x11: {  	s5 =	sadd.s32 s5, s9;
	s6 =	sadd.s32 s6, s9;
	s7 =	sadd.s32 s7, s9  }
0x12: {  	v0 =	vlaneseq.u32;
	s8 =	sadd.s32 $0xD000, s12;
	s9 =	sadd.s32 $0x17000, s12;
	s10 =	sadd.s32 $0x21000, s12  }
0x13: {  	v1 =	vimm.s32 $0x0;
	v2 =	vimm.s32 $0x800;
	v3 =	vimm.f32 $0.0e+00;
	s11 =	sadd.s32 $0x3000, s12;
	s12 =	sadd.s32 $0x2B000, s13;
	s13 =	sshll.u32 s2, $0x7  }
.LBB2_1:
0x14: {  	[tilespmem:s4], [sflag:$0x1] =	stream.linear.gather [hbm4b:s3+s4], $0x2710, $0x38;
	[tilespmem:$0xCDE0] =	vst v63  }
0x15: {  	_ =	swait.ge [sflag:s17], $0x2710  }
0x16: {  	[sflag:s17] =	ssyncset.done $0x0  }
0x17: {  	s24 =	simm.s32 $0xC550;
	[sflag:s17] =	ssyncadd.s32 $0xFFFFD8F0  }
0x18: {  	[tilespmem:s24], [sflag:$0x1] =	stream.linear.gather [hbm4b:s0+s4], $0x800, $0x38;
	[tilespmem:$0xCDE0] =	vst v63  }
0x19: {  	_ =	swait.ge [sflag:s17], $0x800  }
0x1a: {  	[sflag:s17] =	ssyncset.done $0x0  }
0x1b: {  	[sflag:s17] =	ssyncadd.s32 $0xFFFFF800  }
0x1c: {  	s25 =	simm.s32 $0x10;
	s26 =	simm.s32 $0x0;
	v4 =	vld [tilespmem:s24+$0x0]  }
.LBB2_2:
0x1d: {  	p1 =	sne.s32 s25, $0x7F0;
	_ =	sdelay $0x3  }
.Ltmp0:
0x1e: {  	(pc) =	sbr.rel @p1 .LBB2_2-.Ltmp0, $4  }
0x1f: {  	_ = 	snop  }
0x20: {  	v5 =	vor.u32 s26, v0;
	s26 =	smov.u32 s25  }
0x21: {  	s24 =	sadd.s32 $0x10, s24;
	[tilespmem:v4+s4+$0x0] =	vst.idx.msk $0xffff, v5  }
0x22: {  	s25 =	sadd.s32 $0x10, s25;
	v4 =	vld [tilespmem:s24+$0x0]  }
0x23: {  	_ =	sdelay $0x6  }
0x24: {  	v5 =	vor.u32 s26, v0  }
0x25: {  	s24 =	simm.s32 $0x0;
	[tilespmem:v4+s4+$0x0] =	vst.idx.msk $0xffff, v5  }
0x26: {  	[tilespmem:s18], [sflag:$0x1] =	stream.linear.gather [hbm4b:s5+s24], $0x2710, $0x38;
	[tilespmem:$0xCDE0] =	vst v63  }
0x27: {  	_ =	swait.ge [sflag:s17], $0x2710  }
0x28: {  	[sflag:s17] =	ssyncset.done $0x0  }
0x29: {  	[sflag:s17] =	ssyncadd.s32 $0xFFFFD8F0  }
0x2a: {  	[tilespmem:s19], [sflag:$0x1] =	stream.linear.gather [hbm4b:s6+s24], $0x2710, $0x38;
	[tilespmem:$0xCDE0] =	vst v63  }
0x2b: {  	_ =	swait.ge [sflag:s17], $0x2710  }
0x2c: {  	[sflag:s17] =	ssyncset.done $0x0  }
0x2d: {  	[sflag:s17] =	ssyncadd.s32 $0xFFFFD8F0  }
0x2e: {  	[tilespmem:s20], [sflag:$0x1] =	stream.linear.gather [hbm4b:s7+s24], $0x2710, $0x38;
	[tilespmem:$0xCDE0] =	vst v63  }
0x2f: {  	_ =	swait.ge [sflag:s17], $0x2710  }
0x30: {  	[sflag:s17] =	ssyncset.done $0x0  }
0x31: {  	s25 =	simm.s32 $0x0;
	[sflag:s17] =	ssyncadd.s32 $0xFFFFD8F0  }
0x32: {  	v4 =	vld [tilespmem:s25+$0x4EA0];
	_ =	sdelay $0x6  }
0x33: {  	v5 =	vld [tilespmem:s25+$0x7630]  }
0x34: {  	v4 =	vld.idx.msk [tilespmem:v4+s4+$0x0], $0xffff;
	_ =	sdelay $0x2  }
0x35: {  	v6 =	vld [tilespmem:s25+$0x2710];
	_ =	sdelay $0x1  }
0x36: {  	vm1 =	vle.f32 v5, $1.000000000e+03;
	vm0 =	vne.s32 v4, $0x800  }
0x37: {  	vm0 =	vmand vm1, vm0  }
0x38: {  	[tilespmem:s24+$0x4EA0] =	vst.msk vm0, v4  }
0x39: {  	[tilespmem:s24+$0x2710] =	vst.msk vm0, v6  }
0x3a: {  	[tilespmem:s24+$0x7630] =	vst.msk vm0, v5;
	v5 =	vsel vm0, $0x1, v1  }
0x3b: {  	(xrf0) =	vadd.scan.msk.s32 $0xffff, v5;
	_ =	sdelay $0x2  }
0x3c: {  	v4 =	vor.u32 s16, v0  }
0x3d: {  	s28 =	simm.s32 $0x10;
	[tilespmem:s24+$0x9DC0] =	vst.msk vm0, v4  }
0x3e: {  	s26 =	simm.s32 $0x80;
	s25 =	smov.u32 s16;
	v4 =	vld [tilespmem:s28+$0x2710]  }
.LBB2_4:
0x3f: {  	p1 =	seq.s32 s26, $0x9C00;
	v5 =	vld [tilespmem:s28+$0x4EA0];
	v6, _, _ =	vpop (xrf0)  }
0x40: {  	v7 =	vld [tilespmem:s28+$0x7630];
	(v2sf) =	vpush v6, $0xF;
	_ =	sdelay $0x6  }
0x41: {  	v5 =	vld.idx.msk [tilespmem:v5+s4+$0x0], $0xffff;
	_ =	sdelay $0x5  }
0x42: {  	vm1 =	vle.f32 v7, $1.000000000e+03;
	vm0 =	vne.s32 v5, $0x800  }
0x43: {  	vm0 =	vmand vm1, vm0  }
0x44: {  	v6 =	vsel vm0, $0x1, v1;
	s28 =	spop (v2sf)  }
0x45: {  	(xrf0) =	vadd.scan.msk.s32 $0xffff, v6;
	s24 =	sadd.s32 s24, s28  }
.Ltmp1:
0x46: {  	[tilespmem:s24+$0x4EA0] =	vst.msk vm0, v5;
	(pc) =	sbr.rel @!p1 .LBB2_4-.Ltmp1, $4  }
0x47: {  	s25 =	sadd.s32 $0x10, s25;
	[tilespmem:s24+$0x2710] =	vst.msk vm0, v4  }
0x48: {  	v4 =	vor.u32 s25, v0;
	[tilespmem:s24+$0x7630] =	vst.msk vm0, v7  }
0x49: {  	s28 =	sshra.s32 s26, $0x2;
	[tilespmem:s24+$0x9DC0] =	vst.msk vm0, v4  }
0x4a: {  	s26 =	sadd.s32 $0x40, s26;
	v4 =	vld [tilespmem:s28+$0x2710]  }
0x4b: {  	v5 =	vld [tilespmem:s28+$0x4EA0];
	_ =	sdelay $0x6  }
0x4c: {  	v6 =	vld [tilespmem:s28+$0x7630]  }
0x4d: {  	v5 =	vld.idx.msk [tilespmem:v5+s4+$0x0], $0xffff;
	_ =	sdelay $0x4  }
0x4e: {  	vm1 =	vle.f32 v6, $1.000000000e+03;
	vm0 =	vne.s32 v5, $0x800  }
0x4f: {  	vm0 =	vmand vm1, vm0  }
0x50: {  	v7 =	vsel vm0, $0x1, v1  }
0x51: {  	(xrf0) =	vadd.scan.msk.s32 $0xffff, v7;
	_ =	sdelay $0x1  }
0x52: {  	v62, _, _ =	vpop (xrf0)  }
0x53: {  	(v2sf) =	vpush v62, $0xF;
	_ =	sdelay $0x2  }
0x54: {  	v63, _, _ =	vpop (xrf0)  }
0x55: {  	(v2sf) =	vpush v63, $0xF;
	_ =	sdelay $0xa  }
0x56: {  	s26 =	spop (v2sf)  }
0x57: {  	s24 =	sadd.s32 s24, s26  }
0x58: {  	[tilespmem:s24+$0x4EA0] =	vst.msk vm0, v5  }
0x59: {  	s25 =	sadd.s32 $0x10, s25;
	[tilespmem:s24+$0x2710] =	vst.msk vm0, v4  }
0x5a: {  	v4 =	vor.u32 s25, v0;
	[tilespmem:s24+$0x7630] =	vst.msk vm0, v6;
	s31 =	spop (v2sf)  }
0x5b: {  	[tilespmem:s24+$0x9DC0] =	vst.msk vm0, v4;
	s24 =	sadd.s32 s24, s31  }
0x5c: {  	[tilespmem:s24+$0x4EA0] =	vst v2  }
0x5d: {  	[tilespmem:s24+$0x2710] =	vst v1  }
0x5e: {  	[tilespmem:s24+$0x7630] =	vst v3  }
0x5f: {  	[tilespmem:s24+$0x9DC0] =	vst v1  }
0x60: {  	[tilespmem:s24+$0x4EB0] =	vst v2  }
0x61: {  	[tilespmem:s24+$0x2720] =	vst v1  }
0x62: {  	[tilespmem:s24+$0x7640] =	vst v3  }
0x63: {  	[tilespmem:s24+$0x9DD0] =	vst v1  }
0x64: {  	[tilespmem:s24+$0x4EC0] =	vst v2  }
0x65: {  	[tilespmem:s24+$0x2730] =	vst v1  }
0x66: {  	[tilespmem:s24+$0x7650] =	vst v3  }
0x67: {  	[tilespmem:s24+$0x9DE0] =	vst v1  }
0x68: {  	[tilespmem:s24+$0x4ED0] =	vst v2  }
0x69: {  	[tilespmem:s24+$0x2740] =	vst v1  }
0x6a: {  	[tilespmem:s24+$0x7660] =	vst v3  }
0x6b: {  	[tilespmem:s24+$0x9DF0] =	vst v1  }
0x6c: {  	[tilespmem:s24+$0x4EE0] =	vst v2  }
0x6d: {  	[tilespmem:s24+$0x2750] =	vst v1  }
0x6e: {  	[tilespmem:s24+$0x7670] =	vst v3  }
0x6f: {  	[tilespmem:s24+$0x9E00] =	vst v1  }
0x70: {  	[tilespmem:s24+$0x4EF0] =	vst v2  }
0x71: {  	[tilespmem:s24+$0x2760] =	vst v1  }
0x72: {  	[tilespmem:s24+$0x7680] =	vst v3  }
0x73: {  	[tilespmem:s24+$0x9E10] =	vst v1  }
0x74: {  	[tilespmem:s24+$0x4F00] =	vst v2  }
0x75: {  	[tilespmem:s24+$0x2770] =	vst v1  }
0x76: {  	[tilespmem:s24+$0x7690] =	vst v3  }
0x77: {  	[tilespmem:s24+$0x9E20] =	vst v1  }
0x78: {  	[tilespmem:s24+$0x4F10] =	vst v2  }
0x79: {  	[tilespmem:s24+$0x2780] =	vst v1  }
0x7a: {  	[tilespmem:s24+$0x76A0] =	vst v3  }
0x7b: {  	[tilespmem:s24+$0x9E30] =	vst v1  }
0x7c: {  	[hbm4b:s8+s4] =	stream.linear.scatter [tilespmem:s18], [sflag:$0x1], $0x2790, $0x38;
	[tilespmem:$0xCDE0] =	vst v63  }
0x7d: {  	_ =	swait.ge [sflag:s17], $0x2790  }
0x7e: {  	[sflag:s17] =	ssyncset.done $0x0  }
0x7f: {  	[sflag:s17] =	ssyncadd.s32 $0xFFFFD870  }
0x80: {  	[hbm4b:s9+s4] =	stream.linear.scatter [tilespmem:s19], [sflag:$0x1], $0x2790, $0x38;
	[tilespmem:$0xCDE0] =	vst v63  }
0x81: {  	_ =	swait.ge [sflag:s17], $0x2790  }
0x82: {  	[sflag:s17] =	ssyncset.done $0x0  }
0x83: {  	[sflag:s17] =	ssyncadd.s32 $0xFFFFD870  }
0x84: {  	[hbm4b:s10+s4] =	stream.linear.scatter [tilespmem:s21], [sflag:$0x1], $0x2790, $0x38;
	[tilespmem:$0xCDE0] =	vst v63  }
0x85: {  	_ =	swait.ge [sflag:s17], $0x2790  }
0x86: {  	[sflag:s17] =	ssyncset.done $0x0  }
0x87: {  	[sflag:s17] =	ssyncadd.s32 $0xFFFFD870  }
0x88: {  	[hbm4b:s11+s4] =	stream.linear.scatter [tilespmem:s20], [sflag:$0x1], $0x2790, $0x38;
	[tilespmem:$0xCDE0] =	vst v63  }
0x89: {  	_ =	swait.ge [sflag:s17], $0x2790  }
0x8a: {  	[sflag:s17] =	ssyncset.done $0x0  }
0x8b: {  	v4 =	vmov s24;
	[sflag:s17] =	ssyncadd.s32 $0xFFFFD870  }
0x8c: {  	[tilespmem:$0xCD50] =	vst v4  }
0x8d: {  	[hbm4b:s12+s4] =	stream.linear.scatter [tilespmem:s22], [sflag:$0x1], $0x10, $0x38;
	[tilespmem:$0xCDE0] =	vst v63  }
0x8e: {  	_ =	swait.ge [sflag:s17], $0x10  }
0x8f: {  	[sflag:s17] =	ssyncset.done $0x0  }
0x90: {  	[sflag:s17] =	ssyncadd.s32 $0xFFFFFFF0  }
0x91: {  	v4 =	vld [tilespmem:s13+$0xC550];
	_ =	sdelay $0x7  }
0x92: {  	v4 =	vld.idx.msk [tilespmem:v4+s4+$0x0], $0xffff;
	_ =	sdelay $0x4  }
0x93: {  	[tilespmem:$0xCD60] =	vst v4  }
0x94: {  	v4 =	vld [tilespmem:s13+$0xC560];
	_ =	sdelay $0x7  }
0x95: {  	v4 =	vld.idx.msk [tilespmem:v4+s4+$0x0], $0xffff;
	_ =	sdelay $0x4  }
0x96: {  	[tilespmem:$0xCD70] =	vst v4  }
0x97: {  	v4 =	vld [tilespmem:s13+$0xC570];
	_ =	sdelay $0x7  }
0x98: {  	v4 =	vld.idx.msk [tilespmem:v4+s4+$0x0], $0xffff;
	_ =	sdelay $0x4  }
0x99: {  	[tilespmem:$0xCD80] =	vst v4  }
0x9a: {  	v4 =	vld [tilespmem:s13+$0xC580];
	_ =	sdelay $0x7  }
0x9b: {  	v4 =	vld.idx.msk [tilespmem:v4+s4+$0x0], $0xffff;
	_ =	sdelay $0x4  }
0x9c: {  	[tilespmem:$0xCD90] =	vst v4  }
0x9d: {  	v4 =	vld [tilespmem:s13+$0xC590];
	_ =	sdelay $0x7  }
0x9e: {  	v4 =	vld.idx.msk [tilespmem:v4+s4+$0x0], $0xffff;
	_ =	sdelay $0x4  }
0x9f: {  	[tilespmem:$0xCDA0] =	vst v4  }
0xa0: {  	v4 =	vld [tilespmem:s13+$0xC5A0];
	_ =	sdelay $0x7  }
0xa1: {  	v4 =	vld.idx.msk [tilespmem:v4+s4+$0x0], $0xffff;
	_ =	sdelay $0x4  }
0xa2: {  	[tilespmem:$0xCDB0] =	vst v4  }
0xa3: {  	v4 =	vld [tilespmem:s13+$0xC5B0];
	_ =	sdelay $0x7  }
0xa4: {  	v4 =	vld.idx.msk [tilespmem:v4+s4+$0x0], $0xffff;
	_ =	sdelay $0x4  }
0xa5: {  	[tilespmem:$0xCDC0] =	vst v4  }
0xa6: {  	v4 =	vld [tilespmem:s13+$0xC5C0];
	_ =	sdelay $0x7  }
0xa7: {  	v4 =	vld.idx.msk [tilespmem:v4+s4+$0x0], $0xffff;
	_ =	sdelay $0x3  }
0xa8: {  	s23 =	sadd.s32 $0x1, s23  }
0xa9: {  	p1 =	sne.s32 s23, s15;
	s25 =	simm.s32 @p0 $0xCD60;
	s24 =	simm.s32 @p0 $0x0;
	[tilespmem:$0xCDD0] =	vst v4  }
0xaa: {  	[hbm4b:s14+s24] =	stream.linear.scatter @p0 [tilespmem:s25], [sflag:$0x1], $0x80, $0x38;
	[tilespmem:$0xCDE0] =	vst v63  }
.Ltmp2:
0xab: {  	_ = 	snop;
	(pc) =	sbr.rel @p1 .LBB2_1-.Ltmp2, $4  }
0xac: {  	s24 =	simm.s32 @p0 $0x1  }
0xad: {  	_ =	swait.ge @p0 [sflag:s24], $0x80  }
0xae: {  	[sflag:s24] =	ssyncset.done @p0 $0x0  }
0xaf: {  	[sflag:s24] =	ssyncadd.s32 @p0 $0xFFFFFF80  }
0xb0: {  	_ =	sfence.sel $0x180000  }
0xb1: {  	[bflag:$0x0] =	sbarrier.arrive $0xFFFF  }
0xb2: {  	p0 =	sne.s32 s2, $0x0;
	_ =	strace $0x90000047  }
0xb3: {  	s0 =	sadd.s32 @!p0 $0x100000, s1;
	[bflag:$0x2] =	sbarrier.arrive $0xFFFF  }
0xb4: {  	[sflag:s0] =	ssyncadd.tile.s32 @!p0 $0x1;
	_ =	shalt  }
.Lfunc_end2:
_tile_overlayer_lowered:
.L_overlay_start_2:
0xb5: {  	(tag) =	ssettag $0x2  }
0xb6: {  	s0 =	rddreg [dreg:$0x0];
	s2 =	stileid.u32  }
0xb7: {  	s1 =	rddreg [dreg:$0x1];
	p0 =	sne.s32 s2, $0x0  }
0xb8: {  	s3 =	rddreg [dreg:$0x2];
	[bflag:$0x3] =	sbarrier.arrive $0xFFFF;
	s2 =	simm.s32 @!p0 $0x1C01  }
0xb9: {  	[timem:s3], [sflag:s2] =	dma.local @!p0 [hbm:s0], s1  }
0xba: {  	s0 =	simm.s32 @!p0 $0x1  }
0xbb: {  	_ =	swait.ge @!p0 [sflag:s0], s1  }
0xbc: {  	s1 =	ssub.s32 @!p0 $0x0, s1;
	[sflag:s0] =	ssyncset.done @!p0 $0x0  }
0xbd: {  	[sflag:s0] =	ssyncadd.s32 @!p0 s1  }
0xbe: {  	[bflag:$0x3] =	sbarrier.arrive $0xFFFF  }
0xbf: {  	_ =	shalt  }

// kernel: kernel.9.cloned.1.call-start
scs
__scs_entry_jumppad:
0x0: {  	(pc) =	sbr.rel $0x88, $3  }
0x1: {  	(tag) =	ssettag $0x0;
	lr =	simm.s32 $0x1  }
0x2: {  	[smem:$0x3F92] =	sst lr;
	_ =	strace $0xD0000000  }
0x3: {  	_ = 	snop  }
0x4: {  	_ = 	snop  }
0x5: {  	_ = 	snop  }
0x6: {  	_ = 	snop  }
0x7: {  	_ = 	snop  }
__scs_overlays_trampoline_lowered:
0x8: {  	[smem:$0x3FA1] =	sst s0  }
0x9: {  	[smem:$0x3FA2] =	sst s1  }
0xa: {  	[smem:$0x3FA3] =	sst s2  }
0xb: {  	[smem:$0x3FA4] =	sst s3  }
0xc: {  	[smem:$0x3FA5] =	sst s4  }
0xd: {  	[smem:$0x3FA6] =	sst s5  }
0xe: {  	[smem:$0x3FA7] =	sst s6  }
0xf: {  	[smem:$0x3FA8] =	sst s7  }
0x10: {  	[smem:$0x3FA9] =	sst s8  }
0x11: {  	[smem:$0x3FAA] =	sst s9;
	s0 =	simm.s32 @!p0 $0x0  }
0x12: {  	s1 =	sld [smem:$0x3F90];
	s0 =	simm.s32 @p0 $0x1  }
0x13: {  	[smem:$0x3FAB] =	sst s0;
	s0 =	simm.s32 @!p1 $0x0  }
0x14: {  	s2 =	sld [smem:$0x3F8F];
	s0 =	simm.s32 @p1 $0x1  }
0x15: {  	[smem:$0x3FAC] =	sst s0;
	s0 =	simm.s32 @!p2 $0x0  }
0x16: {  	s3 =	sld [smem:$0x3FDB];
	s0 =	simm.s32 @p2 $0x1  }
0x17: {  	s4 =	simm.s32 $0x1BF5;
	[smem:$0x3FAE] =	sst s0  }
0x18: {  	s0 =	sld [smem:$0x3F91];
	_ =	swait.ge [sflag:s4], $0x0  }
0x19: {  	s7 =	sld [smem:$0x3F92]  }
0x1a: {  	s8 =	sadd.s32 $0xFFFFE003, lr  }
0x1b: {  	s9 =	sadd.s32 $0xFFFFFEF7, lr;
	s5 =	simm.s32 $0xFFFFFFFF;
	p2 =	slt.u32 s8, $0xFFFFF086  }
0x1c: {  	p1 =	slt.u32 s9, $0xF7A;
	s5 =	simm.s32 @!p2 $0x0  }
0x1d: {  	s5 =	simm.s32 @p1 $0x1;
	p0 =	seq.s32 s7, s2  }
0x1e: {  	s7 =	smul.u32 @!p0 $0xF7A, s2;
	p2 =	seq.s32 @!p0 s5, $0x0  }
0x1f: {  	s9 =	smul.u32 $0xF7A, s1;
	s8 =	simm.s32 @!p0 $0x1BF5;
	p2 =	por !p2, p0  }
0x20: {  	[sflag:s8] =	ssyncset.s32 @!p0 $0xFFFFF086;
	s6 =	sadd.s32 @!p0 s3, s7;
	s7 =	simm.s32 @!p0 $0x108  }
0x21: {  	s3 =	sadd.s32 s3, s9;
	s6 =	sadd.s32 @!p0 $0x88, s6;
	s7 =	simm.s32 @p2 $0x1082  }
0x22: {  	[simem:s7], [sflag:s8] =	dma.local @!p0 [hbm:s6], $0xF7A  }
0x23: {  	s9 =	sor.u32 $0xD0000000, s2;
	s6 =	simm.s32 $0x108;
	_ =	swait.ge @!p0 [sflag:s8], $0x0  }
0x24: {  	s3 =	sadd.s32 $0x88, s3;
	s6 =	simm.s32 @!p1 $0x1082;
	[sflag:s4] =	ssyncset.s32 $0xFFFFF086  }
0x25: {  	[simem:s6], [sflag:s4] =	dma.local [hbm:s3], $0xF7A  }
0x26: {  	[smem:$0x3F92] =	sst s1;
	(tag) =	ssettag s2;
	_ =	strace s9  }
0x27: {  	s1 =	sld [smem:$0x3FA2]  }
0x28: {  	s2 =	sld [smem:$0x3FA3]  }
0x29: {  	s4 =	sld [smem:$0x3FA5]  }
0x2a: {  	p0 =	seq.s32 s5, $0x0;
	s5 =	sld [smem:$0x3FA6]  }
0x2b: {  	s6 =	sld [smem:$0x3FA7]  }
0x2c: {  	s7 =	sld [smem:$0x3FA8]  }
0x2d: {  	s3 =	simm.s32 $0x108;
	s8 =	sld [smem:$0x3FA9]  }
0x2e: {  	s3 =	simm.s32 @!p0 $0x1082;
	s9 =	sld [smem:$0x3FAA]  }
0x2f: {  	lr =	sadd.s32 s0, s3;
	s0 =	sld [smem:$0x3FA1]  }
0x30: {  	s3 =	sld [smem:$0x3FA4]  }
0x31: {  	[smem:$0x3FAD] =	sst s10  }
0x32: {  	s10 =	sld [smem:$0x3FAB];
	_ =	sdelay $0x3  }
0x33: {  	p0 =	seq.s32 s10, $0x1;
	s10 =	sld [smem:$0x3FAD];
	_ =	sdelay $0x3  }
0x34: {  	[smem:$0x3FAD] =	sst s10  }
0x35: {  	s10 =	sld [smem:$0x3FAC];
	_ =	sdelay $0x3  }
0x36: {  	p1 =	seq.s32 s10, $0x1;
	s10 =	sld [smem:$0x3FAD];
	_ =	sdelay $0x3  }
0x37: {  	[smem:$0x3FAD] =	sst s10  }
0x38: {  	s10 =	sld [smem:$0x3FAE]  }
0x39: {  	_ = 	snop;
	(pc) =	sbr.ind lr, $3  }
0x3a: {  	_ = 	snop  }
0x3b: {  	_ = 	snop  }
0x3c: {  	p2 =	seq.s32 s10, $0x1;
	s10 =	sld [smem:$0x3FAD]  }
0x3d: {  	_ =	shalt  }
0x3e: {  	_ =	shalt  }
0x3f: {  	_ =	shalt  }
0x40: {  	_ =	shalt  }
0x41: {  	_ =	shalt  }
0x42: {  	_ =	shalt  }
0x43: {  	_ =	shalt  }
0x44: {  	_ =	shalt  }
0x45: {  	_ =	shalt  }
0x46: {  	_ =	shalt  }
0x47: {  	_ =	shalt  }
0x48: {  	_ =	shalt  }
0x49: {  	_ =	shalt  }
0x4a: {  	_ =	shalt  }
0x4b: {  	_ =	shalt  }
0x4c: {  	_ =	shalt  }
0x4d: {  	_ =	shalt  }
0x4e: {  	_ =	shalt  }
0x4f: {  	_ =	shalt  }
0x50: {  	_ =	shalt  }
0x51: {  	_ =	shalt  }
0x52: {  	_ =	shalt  }
0x53: {  	_ =	shalt  }
0x54: {  	_ =	shalt  }
0x55: {  	_ =	shalt  }
0x56: {  	_ =	shalt  }
0x57: {  	_ =	shalt  }
0x58: {  	_ =	shalt  }
0x59: {  	_ =	shalt  }
0x5a: {  	_ =	shalt  }
0x5b: {  	_ =	shalt  }
0x5c: {  	_ =	shalt  }
0x5d: {  	_ =	shalt  }
0x5e: {  	_ =	shalt  }
0x5f: {  	_ =	shalt  }
0x60: {  	_ =	shalt  }
0x61: {  	_ =	shalt  }
0x62: {  	_ =	shalt  }
0x63: {  	_ =	shalt  }
0x64: {  	_ =	shalt  }
0x65: {  	_ =	shalt  }
0x66: {  	_ =	shalt  }
0x67: {  	_ =	shalt  }
0x68: {  	_ =	shalt  }
0x69: {  	_ =	shalt  }
0x6a: {  	_ =	shalt  }
0x6b: {  	_ =	shalt  }
0x6c: {  	_ =	shalt  }
0x6d: {  	_ =	shalt  }
0x6e: {  	_ =	shalt  }
0x6f: {  	_ =	shalt  }
0x70: {  	_ =	shalt  }
0x71: {  	_ =	shalt  }
0x72: {  	_ =	shalt  }
0x73: {  	_ =	shalt  }
0x74: {  	_ =	shalt  }
0x75: {  	_ =	shalt  }
0x76: {  	_ =	shalt  }
0x77: {  	_ =	shalt  }
0x78: {  	_ =	shalt  }
0x79: {  	_ =	shalt  }
0x7a: {  	_ =	shalt  }
0x7b: {  	_ =	shalt  }
0x7c: {  	_ =	shalt  }
0x7d: {  	_ =	shalt  }
0x7e: {  	_ =	shalt  }
0x7f: {  	_ =	shalt  }
0x80: {  	_ =	shalt  }
0x81: {  	_ =	shalt  }
0x82: {  	_ =	shalt  }
0x83: {  	_ =	shalt  }
0x84: {  	_ =	shalt  }
0x85: {  	_ =	shalt  }
0x86: {  	_ =	shalt  }
0x87: {  	_ =	shalt  }
.Lfunc_end0:
.L_simem_size_0:
called_computation.1_lowered:
.L_overlay_start_0:
0x88: {  	s2 =	sld [smem:$0x3FD9]  }
0x89: {  	s3 =	sld [smem:$0x3FFE];
	_ =	sdelay $0x1  }
0x8a: {  	s1 =	srdreg.scid  }
0x8b: {  	s0 =	sand.u32 $0x1, s1  }
0x8c: {  	s17 =	sshll.u32 s0, $0xA;
	s2 =	sadd.s32 s3, s2  }
0x8d: {  	s2 =	sadd.s32 s2, s17  }
0x8e: {  	[smem:$0x3FB9] =	sst s2  }
0x8f: {  	_ = 	snop  }
0x90: {  	s2 =	sld [smem:$0x3FC5]  }
0x91: {  	s18 =	sld [smem:$0x3FC4]  }
0x92: {  	s4 =	sld [smem:$0x3FD0];
	(tm) =	ssettm $0x1  }
0x93: {  	s5 =	sld [smem:$0x3FFB];
	_ =	sdelay $0x3  }
0x94: {  	_ =	strace s5  }
0x95: {  	s5 =	sld [smem:$0x3FFC];
	_ =	sdelay $0x3  }
0x96: {  	_ =	strace s5  }
0x97: {  	s5 =	sld [smem:$0x3FFD];
	_ =	sdelay $0x3  }
0x98: {  	_ =	strace s5  }
0x99: {  	_ =	strace $0x8FFFFFFF  }
0x9a: {  	s19 =	sld [smem:$0x3FDB];
	_ =	sdelay $0x1  }
0x9b: {  	s6 =	simm.s32 $_scs_section_size  }
0x9c: {  	s7 =	simm.s32 $_size__tile_overlayer_lowered;
	s8 =	simm.s32 $_tile_overlayer_lowered  }
0x9d: {  	s22 =	simm.s32 $0x1BFF;
	s21 =	sshll.u32 s8, $0x1;
	s5 =	sadd.s32 s6, s19  }
0x9e: {  	s9 =	simm.s32 $0x0;
	s20 =	sshll.u32 s7, $0x1;
	s7 =	sadd.s32 s21, s5  }
0x9f: {  	[timem:s9], [sflag:s22] =	dma.local [hbm:s7], s20  }
0xa0: {  	_ =	swait.ge [sflag:s22], s20  }
0xa1: {  	s6 =	ssub.s32 $0x0, s20;
	[sflag:s22] =	ssyncset.done $0x0  }
0xa2: {  	[sflag:s22] =	ssyncadd.s32 s6;
	_ =	sdelay $0x1  }
0xa3: {  	s23 =	simm.s32 $0x1B8B  }
0xa4: {  	_ =	swait.ge [sflag:s23], $0x1  }
0xa5: {  	[sflag:s23] =	ssyncset.done $0x0  }
0xa6: {  	s25 =	simm.s32 $0x1B8E;
	s24 =	sld [smem:$0x3FFE];
	[sflag:s23] =	ssyncadd.s32 $0xFFFFFFFF  }
0xa7: {  	s26 =	simm.s32 $execute0_lowered;
	[smem:$0x3FD2] =	sst s25  }
0xa8: {  	s7 =	sshll.u32 s26, $0x1;
	_ =	strace $0x80000049;
	[dreg:$0x1] =	wrdreg $0xFFFFFFFF  }
0xa9: {  	s28 =	simm.s32 $_size_execute0_lowered;
	s5 =	sadd.s32 s5, s7;
	[dreg:$0x0] =	wrdreg $0x0  }
0xaa: {  	s7 =	sshll.u32 s28, $0x1;
	[dreg:$0x2] =	wrdreg s5  }
0xab: {  	[dreg:$0x3] =	wrdreg s7  }
0xac: {  	[dreg:$0x4] =	wrdreg $0xC0  }
0xad: {  	_ =	task [dreg:s9], $0x5FFFF  }
0xae: {  	[dreg:$0x1] =	wrdreg $0xFFFFFFFF  }
0xaf: {  	[dreg:$0x0] =	wrdreg $0x60  }
0xb0: {  	[dreg:$0x2] =	wrdreg s24  }
0xb1: {  	[dreg:$0x3] =	wrdreg s18  }
0xb2: {  	[dreg:$0x4] =	wrdreg s2  }
0xb3: {  	[dreg:$0x5] =	wrdreg s4  }
0xb4: {  	[dreg:$0x6] =	wrdreg $0x0  }
0xb5: {  	[dreg:$0x7] =	wrdreg $0x44000  }
0xb6: {  	[dreg:$0x8] =	wrdreg $0x9  }
0xb7: {  	_ =	task.clear_ibuf [dreg:s9], $0x9FFFF;
	_ =	strace $0x90000049  }
0xb8: {  	s29 =	simm.s32 $0x9;
	_ =	strace $0x8000004B  }
0xb9: {  	_ =	swait.ge [sflag:s29], $0x1  }
0xba: {  	[sflag:s29] =	ssyncadd.s32 $0xFFFFFFFF  }
0xbb: {  	_ =	strace $0x9000004B  }
0xbc: {  	_ =	sfence  }
0xbd: {  	s30 =	sld [smem:$0x0];
	_ =	sdelay $0x2  }
0xbe: {  	s31 =	sshll.u32 s1, $0xD;
	s1 =	sshrl.u32 s1, $0x2  }
0xbf: {  	s3 =	sand.u32 $0x4000, s31;
	s1 =	sadd.s32 s1, s30  }
0xc0: {  	s0 =	sor.u32 s3, s0;
	s1 =	sshll.u32 s1, $0x11  }
0xc1: {  	s0 =	sor.u32 s1, s0  }
0xc2: {  	s0 =	sadd.s32 $0x8F2B, s0  }
0xc3: {  	[sflag:s0] =	ssyncadd.remote.s32 $0x1  }
0xc4: {  	_ =	sfence.sel $0xFFFF  }
0xc5: {  	[dreg:$0x0] =	wrdreg $0xFFFFFFFF;
	(pc) =	sbr.abs _section_cstart, $3  }
0xc6: {  	[dreg:$0x1] =	wrdreg $0xFFFFFFFF  }
0xc7: {  	_ =	task.clear_ibuf [dreg:s9], $0x2FFFF;
	_ =	strace $0x9FFFFFFF  }
0xc8: {  	(tm) =	ssettm $0x7FFFFFFF  }
0xc9: {  	_ =	shalt  }
tec
execute0_lowered:
.L_overlay_start_1:
0x0: {  	(tag) =	ssettag $0x1  }
0x1: {  	s0 =	rddreg [dreg:$0x0]  }
0x2: {  	s1 =	rddreg [dreg:$0x2]  }
0x3: {  	s4 =	rddreg [dreg:$0x3]  }
0x4: {  	s2 =	rddreg [dreg:$0x4]  }
0x5: {  	s3 =	rddreg [dreg:$0x5];
	s5 =	srdreg.scid;
	s22 =	simm.s32 $0x0  }
0x6: {  	s20 =	stileid.u32;
	s29 =	simm.s32 $0x80;
	s28 =	simm.s32 $0x5  }
0x7: {  	s5 =	sand.u32 $0x1, s5;
	[smem:$0x7FF] =	sst s22;
	s7 =	sadd.s32 $0x3EE00, s0  }
0x8: {  	s8 =	sadd.s32 $0x50D400, s0;
	s12 =	smul.u32 $0x4400, s20;
	s13 =	sshll.u32 s20, $0x4  }
0x9: {  	s14 =	smul.u32 $0x880, s20;
	s24 =	sshll.u32 s20, $0x6;
	s25 =	sshll.u32 s20, $0x8  }
0xa: {  	s30 =	sshll.u32 s20, $0xB;
	s6 =	sshll.u32 s5, $0x4;
	_ =	strace $0x8000004A  }
0xb: {  	s15 =	sadd.s32 s13, s0;
	s17 =	ssub.s32 $0x2, s5;
	s26 =	sshll.u32 s5, $0xC  }
0xc: {  	s4 =	sadd.s32 s4, s25;
	s31 =	sshll.u32 s5, $0xF;
	s1 =	sadd.s32 s1, s13  }
0xd: {  	p0 =	sne.s32 s5, $0x0;
	s13 =	simm.s32 $0x10880;
	s5 =	simm.s32 $0x0  }
0xe: {  	s9 =	sor.u32 s20, s6;
	s6 =	sadd.s32 $0x2B400, s0;
	s16 =	sshrl.u32 s12, $0x3  }
0xf: {  	s18 =	sshrl.u32 s14, $0x3;
	s19 =	sshrl.u32 s17, $0x1;
	s12 =	sadd.s32 s12, s2  }
0x10: {  	s14 =	sadd.s32 s14, s3;
	s4 =	sadd.s32 s26, s4;
	[dreg:$0xb] =	wrdreg s1  }
0x11: {  	s25 =	sadd.s32 $0x2B200, s15;
	s15 =	simm.s32 $0x3;
	s10 =	smul.u32 $0x500, s9  }
0x12: {  	s11 =	sshll.u32 s9, $0x1;
	s16 =	sadd.s32 s16, s0;
	s18 =	sadd.s32 s18, s0  }
0x13: {  	s17 =	ssub.s32 s17, s19;
	[dreg:$0xa] =	wrdreg s4;
	s19 =	sor.u32 s30, s31  }
0x14: {  	s20 =	smul.u32 $0x14000, s9;
	[dreg:$0x12] =	wrdreg s25;
	s31 =	sshrl.u32 s14, $0x3  }
0x15: {  	s4 =	simm.s32 $0x40;
	s16 =	sadd.s32 $0x3000, s16;
	[dreg:$0x16] =	wrdreg s31  }
0x16: {  	s14 =	simm.s32 $0x2;
	s18 =	sadd.s32 $0xB800, s18;
	[dreg:$0x7] =	wrdreg s16  }
0x17: {  	s11 =	sadd.s32 s11, s0;
	s26 =	smax.u32 s17, $0x1;
	[dreg:$0x9] =	wrdreg s18  }
0x18: {  	s17 =	simm.s32 $0x10C80;
	s16 =	sor.u32 $0x1C07, s24;
	[dreg:$0x14] =	wrdreg s26  }
0x19: {  	s10 =	sadd.s32 s10, s0;
	s24 =	sadd.s32 $0x2B000, s11;
	[dreg:$0x8] =	wrdreg s16  }
0x1a: {  	s0 =	sadd.s32 $0x2BEE00, s0;
	s18 =	sadd.s32 $0xD000, s10;
	[dreg:$0x10] =	wrdreg s24  }
0x1b: {  	s26 =	simm.s32 $0x7;
	s1 =	sadd.s32 s0, s19;
	[dreg:$0xc] =	wrdreg s18  }
0x1c: {  	s0 =	sadd.s32 s30, s0;
	s21 =	sadd.s32 $0x17000, s10;
	[dreg:$0xd] =	wrdreg s1  }
0x1d: {  	s23 =	sadd.s32 $0x21000, s10;
	s19 =	smul.u32 $0x1400, s9;
	[dreg:$0xe] =	wrdreg s21  }
0x1e: {  	s30 =	sshrl.u32 s12, $0x3;
	s9 =	simm.s32 $0xE480;
	[dreg:$0xf] =	wrdreg s23  }
0x1f: {  	s16 =	simm.s32 $0xC330;
	s1 =	sadd.s32 s7, s20;
	[dreg:$0x15] =	wrdreg s30  }
0x20: {  	s0 =	sadd.s32 $0x10000, s0;
	s18 =	simm.s32 $0x4;
	[dreg:$0x11] =	wrdreg s1  }
0x21: {  	vm0 =	vmmov $0x1;
	s20 =	simm.s32 $0x6;
	[dreg:$0x13] =	wrdreg s0;
	s0 =	simm.s32 $0x1  }
.LBB2_1:
0x22: {  	[dreg:$0x17] =	wrdreg s5  }
0x23: {  	s1 =	rddreg [dreg:$0x7]  }
0x24: {  	s12 =	rddreg [dreg:$0x8]  }
0x25: {  	s10 =	rddreg [dreg:$0x15]  }
0x26: {  	[spmem:s10], [sflag:s12] =	dma.local [hbm:s1], $0x880  }
0x27: {  	_ =	swait.ge [sflag:s26], $0x880  }
0x28: {  	[sflag:s26] =	ssyncset.done $0x0;
	s21 =	rddreg [dreg:$0x9]  }
0x29: {  	s23 =	rddreg [dreg:$0x16];
	[sflag:s26] =	ssyncadd.s32 $0xFFFFF780  }
0x2a: {  	[spmem:s23], [sflag:s12] =	dma.local [hbm:s21], $0x110  }
0x2b: {  	_ =	swait.ge [sflag:s26], $0x110  }
0x2c: {  	[sflag:s26] =	ssyncset.done $0x0  }
0x2d: {  	s11 =	simm.s32 $0x4C80;
	s24 =	rddreg [dreg:$0xc];
	[sflag:s26] =	ssyncadd.s32 $0xFFFFFEF0  }
0x2e: {  	[tilespmem:s11], [sflag:$0x7] =	stream.linear.gather [hbm4b:s24+s22], $0x2790, $0x38;
	[tilespmem:$0x17480] =	vst v63  }
0x2f: {  	_ =	swait.ge [sflag:s26], $0x2790  }
0x30: {  	[sflag:s26] =	ssyncset.done $0x0  }
0x31: {  	s30 =	simm.s32 $0x7410;
	s25 =	rddreg [dreg:$0xe];
	[sflag:s26] =	ssyncadd.s32 $0xFFFFD870  }
0x32: {  	[tilespmem:s30], [sflag:$0x7] =	stream.linear.gather [hbm4b:s25+s22], $0x2790, $0x38;
	[tilespmem:$0x17480] =	vst v63  }
0x33: {  	_ =	swait.ge [sflag:s26], $0x2790  }
0x34: {  	[sflag:s26] =	ssyncset.done $0x0  }
0x35: {  	s12 =	simm.s32 $0x9BA0;
	s31 =	rddreg [dreg:$0xf];
	[sflag:s26] =	ssyncadd.s32 $0xFFFFD870  }
0x36: {  	[tilespmem:s12], [sflag:$0x7] =	stream.linear.gather [hbm4b:s31+s22], $0x2790, $0x38;
	[tilespmem:$0x17480] =	vst v63  }
0x37: {  	_ =	swait.ge [sflag:s26], $0x2790  }
0x38: {  	[sflag:s26] =	ssyncset.done $0x0  }
0x39: {  	s10 =	simm.s32 $0xC370;
	s5 =	rddreg [dreg:$0x10];
	[sflag:s26] =	ssyncadd.s32 $0xFFFFD870  }
0x3a: {  	[tilespmem:s10], [sflag:$0x7] =	stream.linear.gather [hbm4b:s5+s22], $0x10, $0x38;
	[tilespmem:$0x17480] =	vst v63  }
0x3b: {  	_ =	swait.ge [sflag:s26], $0x10  }
0x3c: {  	[sflag:s26] =	ssyncset.done $0x0  }
0x3d: {  	[sflag:s26] =	ssyncadd.s32 $0xFFFFFFF0  }
0x3e: {  	v0 =	vld [tilespmem:$0xC370];
	_ =	sdelay $0x4  }
0x3f: {  	v0 =	vnsel vm0, $0x0, v0  }
0x40: {  	(xrf0) =	vadd.scan.msk.s32 $0xffff, v0;
	_ =	sdelay $0x5  }
0x41: {  	v0, _, _ =	vpop (xrf0)  }
0x42: {  	(v2sf) =	vpush v0, $0xF;
	_ =	sdelay $0xe  }
0x43: {  	s21 =	spop (v2sf)  }
0x44: {  	s5 =	sadd.s32 $0x3F, s21  }
0x45: {  	s25 =	simm.s32 $0xC480;
	[bflag:$0x0] =	sbarrier.arrive $0xFFFF;
	s22 =	sand.u32 $0x3F, s5  }
0x46: {  	[tilespmem:s25], [sflag:$0x1] =	stream.indirect.gather [hbm4b:s6+s4], $0x40, s11, s4, $0xb8;
	[tilespmem:$0x17480] =	vst v63  }
0x47: {  	s23 =	sshra.s32 s5, $0x1F;
	p2 =	slt.s32 s5, $0x1;
	p1 =	sne.s32 s22, $0x0  }
0x48: {  	s10 =	sshrl.u32 s23, $0x1A;
	p1 =	por !p2, !p1  }
0x49: {  	s5 =	sadd.s32 s10, s5;
	s10 =	simm.s32 $0x1;
	p1 =	por !p1, !p1  }
0x4a: {  	s5 =	sshra.s32 s5, $0x6;
	s10 =	simm.s32 @!p1 $0x0  }
0x4b: {  	s5 =	ssub.s32 s5, s10  }
0x4c: {  	s10 =	sand.u32 $0x1, s5  }
0x4d: {  	p5 =	slt.s32 s5, $0x1;
	p6 =	seq.s32 s10, $0x1  }
0x4e: {  	s24 =	sshrl.u32 s5, $0x1F;
	p1 =	por !p5, !p6  }
0x4f: {  	s5 =	sadd.s32 s24, s5;
	s10 =	simm.s32 $0x1;
	p1 =	por !p1, !p1  }
0x50: {  	s5 =	sshra.s32 s5, $0x1;
	s10 =	simm.s32 @!p1 $0x0  }
0x51: {  	s24 =	ssub.s32 s5, s10  }
0x52: {  	p1 =	slt.s32 s24, $0x1  }
.Ltmp0:
0x53: {  	_ = 	snop;
	(pc) =	sbr.rel @p1 .LBB2_7-.Ltmp0, $4  }
0x54: {  	s31 =	simm.s32 $0xD480;
	s30 =	rddreg [dreg:$0x11]  }
0x55: {  	[tilespmem:s31], [sflag:$0x2] =	stream.strided.gather [hbm4b:s30+s4], $0x1000, s29, s4, $0x38;
	[tilespmem:$0x17480] =	vst v63  }
0x56: {  	s25 =	simm.s32 $0x0  }
0x57: {  	[tilespmem:s9], [sflag:$0x3] =	stream.indirect.gather [hbm4b:s8+s4], $0x10, s12, s4, $0xb8;
	[tilespmem:$0x17480] =	vst v63  }
.LBB2_2:
0x58: {  	s21 =	sshll.u32 s25, $0x7  }
0x59: {  	s1 =	simm.s32 $0xE880;
	s5 =	sadd.s32 $0x4CC0, s21  }
0x5a: {  	[tilespmem:s1], [sflag:$0x4] =	stream.indirect.gather [hbm4b:s6+s4], $0x40, s5, s4, $0xb8;
	[tilespmem:$0x17480] =	vst v63  }
0x5b: {  	s1 =	sxor.u32 $0xFFFFFFFF, s21  }
0x5c: {  	s10 =	sshra.s32 s21, $0x1F;
	s5 =	sshrl.u32 s1, $0x1F  }
0x5d: {  	s22 =	sor.u32 $0x40, s21;
	s11 =	sshrl.u32 s10, $0x15;
	s5 =	sadd.s32 s5, s10  }
0x5e: {  	s11 =	sadd.s32 s11, s22;
	p1 =	sne.s32 s5, $0x1;
	s5 =	simm.s32 $0x1  }
0x5f: {  	s10 =	sshrl.u32 s11, $0xB;
	s5 =	simm.s32 @!p1 $0x0  }
0x60: {  	s5 =	ssub.s32 s10, s5  }
0x61: {  	s5 =	sshll.u32 s5, $0xA  }
0x62: {  	s12 =	sand.u32 $0x3C0, s22;
	s5 =	sadd.s32 s19, s5  }
0x63: {  	s23 =	sshll.u32 s25, $0x3;
	s5 =	sor.u32 s12, s5  }
0x64: {  	s10 =	sand.u32 $0x40, s23;
	s5 =	sshll.u32 s5, $0x7  }
0x65: {  	s5 =	sor.u32 s10, s5  }
0x66: {  	s5 =	sshrl.u32 s5, $0x3  }
0x67: {  	s31 =	simm.s32 $0xF880;
	s5 =	sadd.s32 s7, s5  }
0x68: {  	[tilespmem:s31], [sflag:$0x5] =	stream.strided.gather [hbm4b:s5+s4], $0x1000, s29, s4, $0x38;
	[tilespmem:$0x17480] =	vst v63  }
0x69: {  	s10 =	sadd.s32 $0x9BE0, s21  }
0x6a: {  	[tilespmem:s13], [sflag:$0x6] =	stream.indirect.gather [hbm4b:s8+s4], $0x10, s10, s4, $0xb8;
	[tilespmem:$0x17480] =	vst v63  }
0x6b: {  	_ =	swait.ge [sflag:s0], $0x1000  }
0x6c: {  	[sflag:s0] =	ssyncset.done $0x0  }
0x6d: {  	[sflag:s0] =	ssyncadd.s32 $0xFFFFF000  }
0x6e: {  	_ =	swait.ge [sflag:s14], $0x1000  }
0x6f: {  	[sflag:s14] =	ssyncset.done $0x0  }
0x70: {  	[sflag:s14] =	ssyncadd.s32 $0xFFFFF000  }
0x71: {  	_ =	swait.ge [sflag:s15], $0x400  }
0x72: {  	[sflag:s15] =	ssyncset.done $0x0  }
0x73: {  	[sflag:s15] =	ssyncadd.s32 $0xFFFFFC00  }
0x74: {  	v0 =	vld [tilespmem:s21+$0x7410];
	_ =	sdelay $0x4  }
0x75: {  	[tilespmem:$0xC330] =	vst v0  }
0x76: {  	v0 =	vld [tilespmem:s21+$0x7420];
	_ =	sdelay $0x4  }
0x77: {  	[tilespmem:$0xC340] =	vst v0  }
0x78: {  	v0 =	vld [tilespmem:s21+$0x7430];
	_ =	sdelay $0x4  }
0x79: {  	[tilespmem:$0xC350] =	vst v0  }
0x7a: {  	v0 =	vld [tilespmem:s21+$0x7440];
	_ =	sdelay $0x2  }
0x7b: {  	s11 =	simm.s32 $0x0;
	s12 =	simm.s32 $0x0  }
0x7c: {  	s5 =	sand.u32 $0x30, s11;
	s10 =	sand.u32 $0xFFFFFFC0, s12  }
0x7d: {  	s10 =	sor.u32 s5, s10;
	[tilespmem:$0xC360] =	vst v0  }
0x7e: {  	v0 =	vld [tilespmem:s10+$0xC480]  }
0x7f: {  	v1 =	vld [tilespmem:s10+$0xD480];
	_ =	sdelay $0x3  }
0x80: {  	s23 =	simm.s32 $0x0  }
0x81: {  	s10 =	sand.u32 $0x3FFFFF80, s23;
	v2 =	vand.u32 $0xFFFF0000, v0;
	v3 =	vand.u32 $0xFFFF0000, v1  }
0x82: {  	s30 =	simm.s32 $0x1;
	s11 =	sor.u32 s5, s10;
	v0 =	vshll.u32 v0, $0x10;
	v1 =	vshll.u32 v1, $0x10;
	v2 =	vadd.f32 v3, v2  }
0x83: {  	s12 =	simm.s32 $0x10;
	s5 =	simm.s32 $0x10;
	s31 =	sadd.s32 $0x10C80, s11;
	v0 =	vadd.f32 v1, v0  }
0x84: {  	s12 =	sand.u32 $0xFFFFFFC0, s12;
	s23 =	simm.s32 $0x2;
	s10 =	sand.u32 $0x30, s5;
	[tilespmem:s31+$0x40] =	vst v2  }
.LBB2_3:
0x85: {  	p1 =	sne.s32 s23, $0xFF;
	s1 =	sor.u32 s10, s12;
	[tilespmem:s11+$0x10C80] =	vst v0  }
0x86: {  	v0 =	vld [tilespmem:s1+$0xC480]  }
0x87: {  	v1 =	vld [tilespmem:s1+$0xD480];
	_ =	sdelay $0x3  }
.Ltmp1:
0x88: {  	s1 =	sshll.u32 s30, $0x5;
	s30 =	smov.u32 s23;
	v2 =	vshll.u32 v0, $0x10;
	(pc) =	sbr.rel @p1 .LBB2_3-.Ltmp1, $4  }
0x89: {  	s1 =	sand.u32 $0x3FFFFF80, s1;
	v4 =	vand.u32 $0xFFFF0000, v0;
	v3 =	vshll.u32 v1, $0x10;
	v1 =	vand.u32 $0xFFFF0000, v1  }
0x8a: {  	s11 =	sor.u32 s10, s1;
	v0 =	vadd.f32 v3, v2;
	v1 =	vadd.f32 v1, v4  }
0x8b: {  	s5 =	sadd.s32 $0x10, s5;
	s1 =	sshll.u32 s23, $0x4;
	s31 =	sadd.s32 $0x10C80, s11  }
0x8c: {  	s10 =	sand.u32 $0x30, s5;
	s23 =	sadd.s32 $0x1, s23;
	s12 =	sand.u32 $0xFFFFFFC0, s1;
	[tilespmem:s31+$0x40] =	vst v1  }
0x8d: {  	s1 =	sor.u32 s10, s12;
	[tilespmem:s11+$0x10C80] =	vst v0  }
0x8e: {  	v0 =	vld [tilespmem:s1+$0xC480]  }
0x8f: {  	v1 =	vld [tilespmem:s1+$0xD480];
	_ =	sdelay $0x3  }
0x90: {  	s5 =	sshll.u32 s30, $0x5  }
0x91: {  	s1 =	sand.u32 $0x3FFFFF80, s5;
	v2 =	vand.u32 $0xFFFF0000, v0;
	v3 =	vand.u32 $0xFFFF0000, v1  }
0x92: {  	s1 =	sor.u32 s10, s1;
	v0 =	vshll.u32 v0, $0x10;
	v1 =	vshll.u32 v1, $0x10;
	v2 =	vadd.f32 v3, v2  }
0x93: {  	s5 =	sadd.s32 $0x10C80, s1;
	v0 =	vadd.f32 v1, v0  }
0x94: {  	[tilespmem:s5+$0x40] =	vst v2  }
0x95: {  	[tilespmem:s1+$0x10C80] =	vst v0;
	s1 =	sadd.s32 $0x80, s21  }
0x96: {  	[spmem:s2] =	stream.indirect.scatter.add.f32 [tilespmem:s17], [sflag:$0x7], $0x80, s16, s4, $0xb8;
	[tilespmem:$0x17480] =	vst v63  }
0x97: {  	s23 =	sshra.s32 s1, $0x1F  }
0x98: {  	_ =	swait.ge [sflag:s26], $0x2000;
	s5 =	sshrl.u32 s23, $0x15  }
0x99: {  	[sflag:s26] =	ssyncset.done $0x0;
	s5 =	sadd.s32 s5, s1  }
0x9a: {  	[sflag:s26] =	ssyncadd.s32 $0xFFFFE000;
	s30 =	sand.u32 $0xFFFFF800, s5  }
0x9b: {  	[spmem:s3] =	stream.indirect.scatter.add.f32 [tilespmem:s9], [sflag:$0x7], $0x10, s16, s4, $0xb8;
	[tilespmem:$0x17480] =	vst v63  }
0x9c: {  	s11 =	sadd.s32 $0x4D00, s21;
	p1 =	slt.s32 s1, $0x1;
	p2 =	sne.s32 s1, s30  }
0x9d: {  	s12 =	simm.s32 $0xC480;
	_ =	swait.ge [sflag:s26], $0x400;
	p1 =	por !p1, !p2  }
0x9e: {  	s10 =	simm.s32 $0x1;
	[sflag:s26] =	ssyncset.done $0x0;
	p1 =	por !p1, !p1  }
0x9f: {  	s5 =	sshrl.u32 s5, $0xB;
	[sflag:s26] =	ssyncadd.s32 $0xFFFFFC00;
	s10 =	simm.s32 @!p1 $0x0  }
0xa0: {  	[tilespmem:s12], [sflag:$0x1] =	stream.indirect.gather [hbm4b:s6+s4], $0x40, s11, s4, $0xb8;
	[tilespmem:$0x17480] =	vst v63  }
0xa1: {  	s5 =	ssub.s32 s5, s10  }
0xa2: {  	s5 =	sshll.u32 s5, $0xA  }
0xa3: {  	s31 =	sand.u32 $0x380, s1;
	s5 =	sadd.s32 s19, s5  }
0xa4: {  	s1 =	sshrl.u32 s1, $0x4;
	s5 =	sor.u32 s31, s5  }
0xa5: {  	s1 =	sand.u32 $0x40, s1;
	s5 =	sshll.u32 s5, $0x7  }
0xa6: {  	s1 =	sor.u32 s1, s5  }
0xa7: {  	s1 =	sshrl.u32 s1, $0x3  }
0xa8: {  	s11 =	simm.s32 $0xD480;
	s1 =	sadd.s32 s7, s1  }
0xa9: {  	[tilespmem:s11], [sflag:$0x2] =	stream.strided.gather [hbm4b:s1+s4], $0x1000, s29, s4, $0x38;
	[tilespmem:$0x17480] =	vst v63  }
0xaa: {  	s12 =	sadd.s32 $0x9C20, s21  }
0xab: {  	[tilespmem:s9], [sflag:$0x3] =	stream.indirect.gather [hbm4b:s8+s4], $0x10, s12, s4, $0xb8;
	[tilespmem:$0x17480] =	vst v63  }
0xac: {  	_ =	swait.ge [sflag:s18], $0x1000  }
0xad: {  	[sflag:s18] =	ssyncset.done $0x0  }
0xae: {  	[sflag:s18] =	ssyncadd.s32 $0xFFFFF000  }
0xaf: {  	_ =	swait.ge [sflag:s28], $0x1000  }
0xb0: {  	[sflag:s28] =	ssyncset.done $0x0  }
0xb1: {  	[sflag:s28] =	ssyncadd.s32 $0xFFFFF000  }
0xb2: {  	_ =	swait.ge [sflag:s20], $0x400  }
0xb3: {  	[sflag:s20] =	ssyncset.done $0x0  }
0xb4: {  	[sflag:s20] =	ssyncadd.s32 $0xFFFFFC00  }
0xb5: {  	v0 =	vld [tilespmem:s22+$0x7410];
	_ =	sdelay $0x4  }
0xb6: {  	[tilespmem:$0xC330] =	vst v0  }
0xb7: {  	v0 =	vld [tilespmem:s21+$0x7460];
	_ =	sdelay $0x4  }
0xb8: {  	[tilespmem:$0xC340] =	vst v0  }
0xb9: {  	v0 =	vld [tilespmem:s21+$0x7470];
	_ =	sdelay $0x4  }
0xba: {  	[tilespmem:$0xC350] =	vst v0  }
0xbb: {  	v0 =	vld [tilespmem:s21+$0x7480];
	_ =	sdelay $0x2  }
0xbc: {  	s23 =	simm.s32 $0x0;
	s22 =	simm.s32 $0x0  }
0xbd: {  	s5 =	sand.u32 $0xFFFFFFC0, s23;
	s1 =	sand.u32 $0x30, s22  }
0xbe: {  	s5 =	sor.u32 s1, s5;
	[tilespmem:$0xC360] =	vst v0  }
0xbf: {  	v0 =	vld [tilespmem:s5+$0xE880]  }
0xc0: {  	v1 =	vld [tilespmem:s5+$0xF880];
	_ =	sdelay $0x3  }
0xc1: {  	s30 =	simm.s32 $0x0  }
0xc2: {  	s5 =	sand.u32 $0x3FFFFF80, s30;
	v2 =	vand.u32 $0xFFFF0000, v0;
	v3 =	vand.u32 $0xFFFF0000, v1  }
0xc3: {  	s31 =	simm.s32 $0x10;
	s11 =	sor.u32 s1, s5;
	v0 =	vshll.u32 v0, $0x10;
	v1 =	vshll.u32 v1, $0x10;
	v2 =	vadd.f32 v3, v2  }
0xc4: {  	s12 =	sand.u32 $0xFFFFFFC0, s31;
	s5 =	simm.s32 $0x10;
	s23 =	sadd.s32 $0x10C80, s11;
	v0 =	vadd.f32 v1, v0  }
0xc5: {  	s22 =	simm.s32 $0x2;
	s21 =	simm.s32 $0x1;
	s10 =	sand.u32 $0x30, s5;
	[tilespmem:s23+$0x40] =	vst v2  }
.LBB2_5:
0xc6: {  	p1 =	sne.s32 s22, $0xFF;
	s1 =	sor.u32 s10, s12;
	[tilespmem:s11+$0x10C80] =	vst v0  }
0xc7: {  	v0 =	vld [tilespmem:s1+$0xE880]  }
0xc8: {  	v1 =	vld [tilespmem:s1+$0xF880];
	_ =	sdelay $0x3  }
.Ltmp2:
0xc9: {  	s1 =	sshll.u32 s21, $0x5;
	s21 =	smov.u32 s22;
	v2 =	vshll.u32 v0, $0x10;
	(pc) =	sbr.rel @p1 .LBB2_5-.Ltmp2, $4  }
0xca: {  	s1 =	sand.u32 $0x3FFFFF80, s1;
	v4 =	vand.u32 $0xFFFF0000, v0;
	v3 =	vshll.u32 v1, $0x10;
	v1 =	vand.u32 $0xFFFF0000, v1  }
0xcb: {  	s11 =	sor.u32 s10, s1;
	v0 =	vadd.f32 v3, v2;
	v1 =	vadd.f32 v1, v4  }
0xcc: {  	s5 =	sadd.s32 $0x10, s5;
	s1 =	sshll.u32 s22, $0x4;
	s23 =	sadd.s32 $0x10C80, s11  }
0xcd: {  	s10 =	sand.u32 $0x30, s5;
	s22 =	sadd.s32 $0x1, s22;
	s12 =	sand.u32 $0xFFFFFFC0, s1;
	[tilespmem:s23+$0x40] =	vst v1  }
0xce: {  	s1 =	sor.u32 s10, s12;
	[tilespmem:s11+$0x10C80] =	vst v0  }
0xcf: {  	v0 =	vld [tilespmem:s1+$0xE880]  }
0xd0: {  	v1 =	vld [tilespmem:s1+$0xF880];
	_ =	sdelay $0x3  }
0xd1: {  	s31 =	sshll.u32 s21, $0x5  }
0xd2: {  	s1 =	sand.u32 $0x3FFFFF80, s31;
	v2 =	vand.u32 $0xFFFF0000, v0;
	v3 =	vand.u32 $0xFFFF0000, v1  }
0xd3: {  	s1 =	sor.u32 s10, s1;
	v0 =	vshll.u32 v0, $0x10;
	v1 =	vshll.u32 v1, $0x10;
	v2 =	vadd.f32 v3, v2  }
0xd4: {  	s5 =	sadd.s32 $0x10C80, s1;
	v0 =	vadd.f32 v1, v0  }
0xd5: {  	[tilespmem:s5+$0x40] =	vst v2  }
0xd6: {  	[tilespmem:s1+$0x10C80] =	vst v0  }
0xd7: {  	[spmem:s2] =	stream.indirect.scatter.add.f32 [tilespmem:s17], [sflag:$0x7], $0x80, s16, s4, $0xb8;
	[tilespmem:$0x17480] =	vst v63  }
0xd8: {  	s25 =	sadd.s32 $0x1, s25;
	_ =	swait.ge [sflag:s26], $0x2000  }
0xd9: {  	p1 =	sne.s32 s25, s24;
	[sflag:s26] =	ssyncset.done $0x0  }
.Ltmp3:
0xda: {  	[sflag:s26] =	ssyncadd.s32 $0xFFFFE000;
	(pc) =	sbr.rel @p1 .LBB2_2-.Ltmp3, $4  }
0xdb: {  	[spmem:s3] =	stream.indirect.scatter.add.f32 [tilespmem:s13], [sflag:$0x7], $0x10, s16, s4, $0xb8;
	[tilespmem:$0x17480] =	vst v63  }
0xdc: {  	_ =	swait.ge [sflag:s26], $0x400  }
0xdd: {  	[sflag:s26] =	ssyncset.done $0x0  }
0xde: {  	[sflag:s26] =	ssyncadd.s32 $0xFFFFFC00  }
.LBB2_7:
0xdf: {  	_ =	swait.ge [sflag:s0], $0x1000  }
0xe0: {  	[sflag:s0] =	ssyncset.done $0x0  }
0xe1: {  	[sflag:s0] =	ssyncadd.s32 $0xFFFFF000  }
0xe2: {  	_ =	swait.ge [sflag:s14], $0x1000  }
0xe3: {  	[sflag:s14] =	ssyncset.done $0x0  }
0xe4: {  	[sflag:s14] =	ssyncadd.s32 $0xFFFFF000  }
0xe5: {  	_ =	swait.ge [sflag:s15], $0x400  }
0xe6: {  	s1 =	sshll.u32 s24, $0x9;
	[sflag:s15] =	ssyncset.done $0x0  }
0xe7: {  	s1 =	sshra.s32 s1, $0x2;
	[sflag:s15] =	ssyncadd.s32 $0xFFFFFC00  }
0xe8: {  	v0 =	vld [tilespmem:s1+$0x7410];
	_ =	sdelay $0x4  }
0xe9: {  	[tilespmem:$0xC330] =	vst v0  }
0xea: {  	v0 =	vld [tilespmem:s1+$0x7420];
	_ =	sdelay $0x4  }
0xeb: {  	[tilespmem:$0xC340] =	vst v0  }
0xec: {  	v0 =	vld [tilespmem:s1+$0x7430];
	_ =	sdelay $0x4  }
0xed: {  	[tilespmem:$0xC350] =	vst v0  }
0xee: {  	v0 =	vld [tilespmem:s1+$0x7440];
	_ =	sdelay $0x2  }
0xef: {  	s25 =	simm.s32 $0x0;
	s5 =	simm.s32 $0x0  }
0xf0: {  	s5 =	sand.u32 $0xFFFFFFC0, s5;
	s1 =	sand.u32 $0x30, s25  }
0xf1: {  	s5 =	sor.u32 s1, s5;
	[tilespmem:$0xC360] =	vst v0  }
0xf2: {  	v0 =	vld [tilespmem:s5+$0xC480]  }
0xf3: {  	v1 =	vld [tilespmem:s5+$0xD480];
	_ =	sdelay $0x3  }
0xf4: {  	s30 =	simm.s32 $0x0  }
0xf5: {  	s5 =	sand.u32 $0x3FFFFF80, s30;
	v2 =	vand.u32 $0xFFFF0000, v0;
	v3 =	vand.u32 $0xFFFF0000, v1  }
0xf6: {  	s21 =	simm.s32 $0x1;
	s11 =	sor.u32 s1, s5;
	v0 =	vshll.u32 v0, $0x10;
	v1 =	vshll.u32 v1, $0x10;
	v2 =	vadd.f32 v3, v2  }
0xf7: {  	s31 =	simm.s32 $0x10;
	s5 =	simm.s32 $0x10;
	s23 =	sadd.s32 $0x10C80, s11;
	v0 =	vadd.f32 v1, v0  }
0xf8: {  	s22 =	simm.s32 $0x2;
	s12 =	sand.u32 $0xFFFFFFC0, s31;
	s10 =	sand.u32 $0x30, s5;
	[tilespmem:s23+$0x40] =	vst v2  }
.LBB2_8:
0xf9: {  	p1 =	sne.s32 s22, $0xFF;
	s1 =	sor.u32 s10, s12;
	[tilespmem:s11+$0x10C80] =	vst v0  }
0xfa: {  	v0 =	vld [tilespmem:s1+$0xC480]  }
0xfb: {  	v1 =	vld [tilespmem:s1+$0xD480];
	_ =	sdelay $0x3  }
.Ltmp4:
0xfc: {  	s1 =	sshll.u32 s21, $0x5;
	s21 =	smov.u32 s22;
	v2 =	vshll.u32 v0, $0x10;
	(pc) =	sbr.rel @p1 .LBB2_8-.Ltmp4, $4  }
0xfd: {  	s1 =	sand.u32 $0x3FFFFF80, s1;
	v4 =	vand.u32 $0xFFFF0000, v0;
	v3 =	vshll.u32 v1, $0x10;
	v1 =	vand.u32 $0xFFFF0000, v1  }
0xfe: {  	s11 =	sor.u32 s10, s1;
	v0 =	vadd.f32 v3, v2;
	v1 =	vadd.f32 v1, v4  }
0xff: {  	s5 =	sadd.s32 $0x10, s5;
	s1 =	sshll.u32 s22, $0x4;
	s23 =	sadd.s32 $0x10C80, s11  }
0x100: {  	s10 =	sand.u32 $0x30, s5;
	s22 =	sadd.s32 $0x1, s22;
	s12 =	sand.u32 $0xFFFFFFC0, s1;
	[tilespmem:s23+$0x40] =	vst v1  }
0x101: {  	s1 =	sor.u32 s10, s12;
	[tilespmem:s11+$0x10C80] =	vst v0  }
0x102: {  	v0 =	vld [tilespmem:s1+$0xC480]  }
0x103: {  	v1 =	vld [tilespmem:s1+$0xD480];
	_ =	sdelay $0x3  }
0x104: {  	s5 =	sshll.u32 s21, $0x5  }
0x105: {  	s1 =	sand.u32 $0x3FFFFF80, s5;
	v2 =	vand.u32 $0xFFFF0000, v0;
	v3 =	vand.u32 $0xFFFF0000, v1  }
0x106: {  	s1 =	sor.u32 s10, s1;
	v0 =	vshll.u32 v0, $0x10;
	v1 =	vshll.u32 v1, $0x10;
	v2 =	vadd.f32 v3, v2  }
0x107: {  	s5 =	sadd.s32 $0x10C80, s1;
	v0 =	vadd.f32 v1, v0  }
0x108: {  	[tilespmem:s5+$0x40] =	vst v2  }
0x109: {  	[tilespmem:s1+$0x10C80] =	vst v0  }
0x10a: {  	[spmem:s2] =	stream.indirect.scatter.add.f32 [tilespmem:s17], [sflag:$0x7], $0x80, s16, s4, $0xb8;
	[tilespmem:$0x17480] =	vst v63  }
0x10b: {  	_ =	swait.ge [sflag:s26], $0x2000  }
0x10c: {  	[sflag:s26] =	ssyncset.done $0x0  }
0x10d: {  	[sflag:s26] =	ssyncadd.s32 $0xFFFFE000  }
0x10e: {  	[spmem:s3] =	stream.indirect.scatter.add.f32 [tilespmem:s9], [sflag:$0x7], $0x10, s16, s4, $0xb8;
	[tilespmem:$0x17480] =	vst v63  }
0x10f: {  	_ =	swait.ge [sflag:s26], $0x400  }
0x110: {  	[sflag:s26] =	ssyncset.done $0x0  }
0x111: {  	[sflag:s26] =	ssyncadd.s32 $0xFFFFFC00  }
0x112: {  	[bflag:$0x0] =	sbarrier.arrive $0xFFFF  }
0x113: {  	s22 =	simm.s32 $0x0;
	s12 =	simm.s32 $0xC380;
	s11 =	rddreg [dreg:$0x12]  }
0x114: {  	[tilespmem:s12], [sflag:$0x7] =	stream.linear.gather [hbm4b:s11+s22], $0x80, $0x38;
	[tilespmem:$0x17480] =	vst v63  }
0x115: {  	_ =	swait.ge [sflag:s26], $0x80  }
0x116: {  	[sflag:s26] =	ssyncset.done $0x0  }
0x117: {  	s21 =	simm.s32 $0x12C80;
	[sflag:s26] =	ssyncadd.s32 $0xFFFFFF80  }
0x118: {  	[tilespmem:s21], [sflag:$0x7] =	stream.indirect.gather [spmem:s2], $0x80, s12, s29, $0xb8;
	[tilespmem:$0x17480] =	vst v63  }
0x119: {  	_ =	swait.ge [sflag:s26], $0x4000  }
0x11a: {  	[sflag:s26] =	ssyncset.done $0x0  }
0x11b: {  	s23 =	rddreg [dreg:$0xd];
	[sflag:s26] =	ssyncadd.s32 $0xFFFFC000  }
0x11c: {  	[hbm4b:s23+s22] =	stream.linear.scatter [tilespmem:s21], [sflag:$0x7], $0x4000, $0x38;
	[tilespmem:$0x17480] =	vst v63  }
0x11d: {  	_ =	swait.ge [sflag:s26], $0x4000  }
0x11e: {  	[sflag:s26] =	ssyncset.done $0x0  }
0x11f: {  	s24 =	simm.s32 $0x16C80;
	[sflag:s26] =	ssyncadd.s32 $0xFFFFC000  }
0x120: {  	[tilespmem:s24], [sflag:$0x7] =	stream.indirect.gather [spmem:s3], $0x10, s12, s29, $0xb8;
	[tilespmem:$0x17480] =	vst v63  }
0x121: {  	_ =	swait.ge [sflag:s26], $0x800  }
0x122: {  	[sflag:s26] =	ssyncset.done $0x0  }
0x123: {  	s25 =	rddreg [dreg:$0xa];
	[sflag:s26] =	ssyncadd.s32 $0xFFFFF800  }
0x124: {  	[hbm4b:s25+s22] =	stream.linear.scatter [tilespmem:s24], [sflag:$0x7], $0x800, $0x38;
	[tilespmem:$0x17480] =	vst v63  }
0x125: {  	_ =	swait.ge [sflag:s26], $0x800  }
0x126: {  	s1 =	simm.s32 @!p0 $0x0;
	[sflag:s26] =	ssyncset.done $0x0  }
0x127: {  	s5 =	simm.s32 @!p0 $0xC400;
	s10 =	rddreg [dreg:$0xb];
	[sflag:s26] =	ssyncadd.s32 $0xFFFFF800  }
0x128: {  	[tilespmem:s5], [sflag:$0x7] =	stream.linear.gather @!p0 [hbm4b:s10+s1], $0x80, $0x38;
	[tilespmem:$0x17480] =	vst v63  }
0x129: {  	s10 =	simm.s32 @!p0 $0x7  }
0x12a: {  	_ =	swait.ge @!p0 [sflag:s10], $0x80  }
0x12b: {  	[sflag:s10] =	ssyncset.done @!p0 $0x0  }
0x12c: {  	[sflag:s10] =	ssyncadd.s32 @!p0 $0xFFFFFF80  }
0x12d: {  	s11 =	simm.s32 @!p0 $0x80;
	s12 =	simm.s32 @!p0 $0x12C80;
	s21 =	rddreg [dreg:$0x1]  }
0x12e: {  	[tilespmem:s12], [sflag:$0x1] =	stream.indirect.gather @!p0 [hbm4b:s21+s11], $0x80, s5, s11, $0xb8;
	[tilespmem:$0x17480] =	vst v63  }
0x12f: {  	s5 =	simm.s32 @!p0 $0x1  }
0x130: {  	_ =	swait.ge @!p0 [sflag:s5], $0x4000  }
0x131: {  	[sflag:s5] =	ssyncset.done @!p0 $0x0  }
0x132: {  	[sflag:s5] =	ssyncadd.s32 @!p0 $0xFFFFC000;
	s5 =	rddreg [dreg:$0x13]  }
0x133: {  	[hbm4b:s5+s1] =	stream.linear.scatter @!p0 [tilespmem:s12], [sflag:$0x7], $0x4000, $0x38;
	[tilespmem:$0x17480] =	vst v63  }
0x134: {  	_ =	swait.ge @!p0 [sflag:s10], $0x4000  }
0x135: {  	s30 =	rddreg [dreg:$0x17]  }
0x136: {  	s31 =	rddreg [dreg:$0x14];
	s5 =	sadd.s32 $0x1, s30  }
0x137: {  	p1 =	sne.s32 s5, s31  }
.Ltmp5:
0x138: {  	_ = 	snop;
	(pc) =	sbr.rel @p1 .LBB2_1-.Ltmp5, $3  }
0x139: {  	_ =	sdelay $0x1  }
0x13a: {  	[sflag:s10] =	ssyncset.done @!p0 $0x0  }
0x13b: {  	[sflag:s10] =	ssyncadd.s32 @!p0 $0xFFFFC000  }
0x13c: {  	_ =	sfence.sel $0x180000  }
0x13d: {  	[bflag:$0x0] =	sbarrier.arrive $0xFFFF  }
0x13e: {  	_ =	strace $0x9000004A  }
0x13f: {  	s0 =	stileid.u32;
	[bflag:$0x2] =	sbarrier.arrive $0xFFFF  }
0x140: {  	p0 =	sne.s32 s0, $0x0;
	s0 =	rddreg [dreg:$0x6]  }
0x141: {  	s0 =	sadd.s32 @!p0 $0x100000, s0  }
0x142: {  	[sflag:s0] =	ssyncadd.tile.s32 @!p0 $0x1;
	_ =	shalt  }
.Lfunc_end2:
_tile_overlayer_lowered:
.L_overlay_start_2:
0x143: {  	(tag) =	ssettag $0x2  }
0x144: {  	s0 =	rddreg [dreg:$0x0];
	s2 =	stileid.u32  }
0x145: {  	s1 =	rddreg [dreg:$0x1];
	p0 =	sne.s32 s2, $0x0  }
0x146: {  	s3 =	rddreg [dreg:$0x2];
	[bflag:$0x3] =	sbarrier.arrive $0xFFFF;
	s2 =	simm.s32 @!p0 $0x1C07  }
0x147: {  	[timem:s3], [sflag:s2] =	dma.local @!p0 [hbm:s0], s1  }
0x148: {  	s0 =	simm.s32 @!p0 $0x7  }
0x149: {  	_ =	swait.ge @!p0 [sflag:s0], s1  }
0x14a: {  	s1 =	ssub.s32 @!p0 $0x0, s1;
	[sflag:s0] =	ssyncset.done @!p0 $0x0  }
0x14b: {  	[sflag:s0] =	ssyncadd.s32 @!p0 s1  }
0x14c: {  	[bflag:$0x3] =	sbarrier.arrive $0xFFFF  }
0x14d: {  	_ =	shalt  }

</sc_bundles>
